<compile_context>
chip_gen: v7x
topology: tpu7x:2x2x1
jax: 0.10.2.dev20260603
libtpu: 0.0.44.dev20260713+nightly
codegen_flags: <defaults>
</compile_context>

<pallas_src>
import functools

import jax
import jax.numpy as jnp
from jax import lax
from jax.experimental import pallas as pl
from jax.experimental.pallas import tpu as pltpu
from jax.experimental.pallas import tpu_sc as plsc

L = 16
NC, NS = 2, 16
NW = NC * NS
UNROLL = 2


def _pooled_spans(h2, attn1, spans1, B, S, M, W, D):
    BM = B * M
    spans_per_w = BM // NW
    chunks = D // L
    mesh = plsc.VectorSubcoreMesh(core_axis_name="c", subcore_axis_name="s")

    @functools.partial(
        pl.kernel,
        out_type=jax.ShapeDtypeStruct((BM, D), jnp.float32),
        mesh=mesh,
        scratch_types=[
            pltpu.VMEM((BM // NW * W,), jnp.int32),
            pltpu.VMEM((BM // NW * W,), jnp.int32),
            pltpu.VMEM((2, W, D), jnp.float32),
            pltpu.VMEM((D,), jnp.float32),
            pltpu.VMEM((W * L,), jnp.float32),
            pltpu.VMEM((2 * W,), jnp.float32),
            pltpu.VMEM((spans_per_w, D), jnp.float32),
            pltpu.SemaphoreType.DMA,
            pltpu.SemaphoreType.DMA,
        ],
        compiler_params=pltpu.CompilerParams(needs_layout_passes=False),
    )
    def run(h_hbm, attn_hbm, spans_hbm, out_hbm,
            raw_v, idx_v, rows_v, aw_v, part_v, wts_v, outb_v, sem0, sem1):
        wid = lax.axis_index("s") * NC + lax.axis_index("c")
        r0 = wid * spans_per_w
        pltpu.sync_copy(attn_hbm, aw_v)
        pltpu.sync_copy(spans_hbm.at[pl.ds(r0 * W, spans_per_w * W)], raw_v)
        bS = lax.div(r0, M) * S

        @plsc.parallel_loop(0, spans_per_w * W // L, 1)
        def _gidx(k):
            off = pl.multiple_of(k * L, L)
            v = raw_v[pl.ds(off, L)]
            idx_v[pl.ds(off, L)] = jnp.where(v == -1, 0, v + bS)

        lane = lax.broadcasted_iota(jnp.int32, (L,), 0)
        sems = (sem0, sem1)

        def start_gather(sp, buf):
            pltpu.async_copy(h_hbm.at[idx_v.at[pl.ds(sp * W, W)]],
                             rows_v.at[buf], sems[buf])

        def compute(sp, buf):
            rows = rows_v.at[buf]
            pltpu.make_async_copy(h_hbm.at[idx_v.at[pl.ds(sp * W, W)]], rows,
                                  sems[buf]).wait()
            maskv = raw_v[pl.ds(sp * W, W)] == -1

            accs0 = tuple(jnp.zeros((L,), jnp.float32) for _ in range(W))

            @plsc.parallel_loop(0, chunks, 1, unroll=UNROLL, carry=accs0)
            def accs(c, accs_in):
                off = pl.multiple_of(c * L, L)
                awc = aw_v[pl.ds(off, L)]
                return tuple(accs_in[w] + rows[w, pl.ds(off, L)] * awc
                             for w in range(W))
            for w in range(W):
                part_v[pl.ds(w * L, L)] = accs[w]

            logits = jnp.zeros((L,), jnp.float32)
            for j in range(L):
                logits = logits + plsc.load_gather(part_v, [lane * L + j])

            logits = jnp.where(maskv, jnp.float32(-10000.0), logits)
            e = jnp.exp(logits - jnp.max(logits))
            wts = jnp.where(maskv, jnp.float32(0.0), e / jnp.sum(e))
            wts_v[pl.ds(0, L)] = wts
            wts_v[pl.ds(L, L)] = wts

            wsplat = tuple(
                plsc.load_gather(wts_v, [jnp.full((L,), L + w, jnp.int32)])
                for w in range(W))

            @plsc.parallel_loop(0, chunks, 1, unroll=UNROLL)
            def _pool(c):
                off = pl.multiple_of(c * L, L)
                acc = rows[0, pl.ds(off, L)] * wsplat[0]
                for w in range(1, W):
                    acc = acc + rows[w, pl.ds(off, L)] * wsplat[w]
                outb_v[sp, pl.ds(off, L)] = acc

        start_gather(0, 0)

        def group_body(g, carry):
            sp0 = g * 2
            start_gather(sp0 + 1, 1)
            compute(sp0, 0)

            @pl.when(g < spans_per_w // 2 - 1)
            def _():
                start_gather(sp0 + 2, 0)

            compute(sp0 + 1, 1)
            return carry

        lax.fori_loop(0, spans_per_w // 2, group_body, 0)
        pltpu.sync_copy(outb_v, out_hbm.at[pl.ds(r0, spans_per_w)])

    return run(h2, attn1, spans1)


def kernel(h, attn_w, spans):
    B, S, D = h.shape
    _, M, W = spans.shape
    h2 = h.reshape(B * S, D)
    attn1 = attn_w.reshape(D)
    spans1 = spans.reshape(B * M * W)
    out = _pooled_spans(h2, attn1, spans1, B, S, M, W, D)
    return out.reshape(B, M, D)

# --- scband reference (transcript-rebuilt; emitter-appended) ---
"""Pipeline reference for scband-mention-pooler-40192303956357 (READ-ONLY COPY).

The authoritative reference and input builder live on the scoring server;
editing this copy changes nothing except your own understanding.
"""

import jax, jax.numpy as jnp
import numpy as np

D = 2048
B, S = 4, 2048
M, W_SPAN = 128, 16

def setup_inputs(seed: int = 0) -> dict:
    key = jax.random.key(seed)
    k1, k2, k3 = jax.random.split(key, 3)
    h = jax.random.normal(k1, (B, S, D), dtype=jnp.float32)
    spans = jax.random.randint(k2, (B, M, W_SPAN), 0, S, dtype=jnp.int32)
    # nn.Linear(D, 1, bias=False) weight, init std 0.02
    attn_w = jax.random.normal(k3, (1, D), dtype=jnp.float32) * 0.02
    return {"h": h, "attn_w": attn_w, "spans": spans}

def reference(h, attn_w, spans):
    # attention logits over all tokens: Linear(D -> 1, no bias)
    shape = h.shape
    logits = jnp.matmul(h.reshape(-1, D), attn_w.T)  # [B*S, 1]
    logits = logits.reshape(*shape[:-1], 1)          # [B, S, 1]
    Bm, Mm, Lm = spans.shape
    idx = jnp.arange(Bm)[:, None, None]              # [B, 1, 1] broadcasts with spans [B, M, W]
    sequence_spans = h[idx, spans]                   # [B, M, W, D] gather
    attention_spans = logits[idx, spans]             # [B, M, W, 1]
    mask = (spans == -1)[..., None]                  # [B, M, W, 1]
    attention_spans = jnp.where(mask, jnp.float32(-10000.0), attention_spans)
    attention_weight_spans = jax.nn.softmax(attention_spans, axis=-2)
    attention_weight_spans = jnp.where(mask, jnp.float32(0.0), attention_weight_spans)
    pooled = (sequence_spans * attention_weight_spans).sum(axis=-2)  # [B, M, D]
    return pooled

if __name__ == "__main__":
    import jax
    _d = setup_inputs()
    print(jax.jit(kernel)(*tuple(_d.values())))

</pallas_src>

<mosaic_0001>
#map = affine_map<(d0, d1) -> (0, 0)>
#map1 = affine_map<(d0, d1) -> (0)>
module attributes {stable_mosaic.version = 14 : i64} {
  func.func @run(%arg0: i32, %arg1: i32, %arg2: memref<8192x2048xf32, #tpu.memory_space<hbm>>, %arg3: memref<2048xf32, #tpu.memory_space<hbm>>, %arg4: memref<8192xi32, #tpu.memory_space<hbm>>, %arg5: memref<512x2048xf32, #tpu.memory_space<hbm>>, %arg6: memref<256xi32, #tpu.memory_space<vmem>>, %arg7: memref<256xi32, #tpu.memory_space<vmem>>, %arg8: memref<2x16x2048xf32, #tpu.memory_space<vmem>>, %arg9: memref<2048xf32, #tpu.memory_space<vmem>>, %arg10: memref<256xf32, #tpu.memory_space<vmem>>, %arg11: memref<32xf32, #tpu.memory_space<vmem>>, %arg12: memref<16x2048xf32, #tpu.memory_space<vmem>>, %arg13: memref<!tpu.dma_semaphore, #tpu.memory_space<semaphore_mem>>, %arg14: memref<!tpu.dma_semaphore, #tpu.memory_space<semaphore_mem>>) attributes {dimension_semantics = [#tpu.dimension_semantics<core_parallel>, #tpu.dimension_semantics<subcore_parallel>], iteration_bounds = array<i64: 2, 16>, scalar_prefetch = 0 : i64, scratch_operands = 9 : i64, tpu.core_type = #tpu.core_type<sc_vector_subcore>, window_params = [{transform_indices = #map}, {transform_indices = #map1}, {transform_indices = #map1}, {transform_indices = #map}]} {
    %mul3A = arith.constant 2 : i32
    %mul3A_0 = arith.muli %arg1, %mul3A : i32
    %add3A = arith.addi %mul3A_0, %arg0 : i32
    %mul3A_1 = arith.constant 16 : i32
    %mul3A_2 = arith.muli %add3A, %mul3A_1 : i32
    "tpu.region"() ({
      %run_scoped3A = tpu.sem_alloc : memref<!tpu.dma_semaphore, #tpu.memory_space<semaphore_mem>>
      tpu.enqueue_dma source(%arg3 : memref<2048xf32, #tpu.memory_space<hbm>>) target(%arg9 : memref<2048xf32, #tpu.memory_space<vmem>>) target_semaphore(%run_scoped3A : memref<!tpu.dma_semaphore, #tpu.memory_space<semaphore_mem>>)
      tpu.wait_dma2 semaphore(%run_scoped3A : memref<!tpu.dma_semaphore, #tpu.memory_space<semaphore_mem>>) src(%arg3 : memref<2048xf32, #tpu.memory_space<hbm>>) dst(%arg9 : memref<2048xf32, #tpu.memory_space<vmem>>)
      tpu.yield
    }) : () -> ()
    %mul3A_3 = arith.constant 16 : i32
    %mul3A_4 = arith.muli %mul3A_2, %mul3A_3 : i32
    "tpu.region"() ({
      %run_scoped3A = tpu.sem_alloc : memref<!tpu.dma_semaphore, #tpu.memory_space<semaphore_mem>>
      %dma_start3A_24 = tpu.memref_slice %arg4[%mul3A_4] : memref<8192xi32, #tpu.memory_space<hbm>> -> memref<256xi32, #tpu.memory_space<hbm>>
      %dma_start3A_25 = tpu.memref_slice %arg4[%mul3A_4] : memref<8192xi32, #tpu.memory_space<hbm>> -> memref<256xi32, #tpu.memory_space<hbm>>
      tpu.enqueue_dma source(%dma_start3A_25 : memref<256xi32, #tpu.memory_space<hbm>>) target(%arg6 : memref<256xi32, #tpu.memory_space<vmem>>) target_semaphore(%run_scoped3A : memref<!tpu.dma_semaphore, #tpu.memory_space<semaphore_mem>>)
      %dma_wait3A = tpu.memref_slice %arg4[%mul3A_4] : memref<8192xi32, #tpu.memory_space<hbm>> -> memref<256xi32, #tpu.memory_space<hbm>>
      %dma_wait3A_26 = tpu.memref_slice %arg4[%mul3A_4] : memref<8192xi32, #tpu.memory_space<hbm>> -> memref<256xi32, #tpu.memory_space<hbm>>
      tpu.wait_dma2 semaphore(%run_scoped3A : memref<!tpu.dma_semaphore, #tpu.memory_space<semaphore_mem>>) src(%dma_wait3A_26 : memref<256xi32, #tpu.memory_space<hbm>>) dst(%arg6 : memref<256xi32, #tpu.memory_space<vmem>>)
      tpu.yield
    }) : () -> ()
    %div3A = arith.constant 128 : i32
    %div3A_5 = arith.divsi %mul3A_2, %div3A : i32
    %mul3A_6 = arith.constant 2048 : i32
    %mul3A_7 = arith.muli %div3A_5, %mul3A_6 : i32
    %parallel_loop3A = arith.constant 0 : i32
    %parallel_loop3A_8 = arith.constant 16 : i32
    %parallel_loop3A_9 = arith.constant 1 : i32
    scf.for %parallel_loop3A_24 = %parallel_loop3A to %parallel_loop3A_8 step %parallel_loop3A_9  : i32 {
      %parallel_loop3A_25 = arith.constant 16 : i32
      %parallel_loop3A_26 = arith.muli %parallel_loop3A_24, %parallel_loop3A_25 : i32
      %parallel_loop3A_27 = tpu.assume_multiple %parallel_loop3A_26, 16 : i32
      %parallel_loop3A_28 = arith.index_cast %parallel_loop3A_27 : i32 to index
      %parallel_loop3A_29 = tpu.vector_load %arg6[%parallel_loop3A_28] {strides = array<i32>} : memref<256xi32, #tpu.memory_space<vmem>>, vector<16xi32>,
      %parallel_loop3A_30 = arith.constant -1 : i32
      %parallel_loop3A_31 = vector.broadcast %parallel_loop3A_30 : i32 to vector<16xi32>
      %parallel_loop3A_32 = arith.cmpi eq, %parallel_loop3A_29, %parallel_loop3A_31 : vector<16xi32>
      %parallel_loop3A_33 = vector.broadcast %mul3A_7 : i32 to vector<16xi32>
      %parallel_loop3A_34 = arith.addi %parallel_loop3A_29, %parallel_loop3A_33 : vector<16xi32>
      %parallel_loop3A_35 = arith.constant 0 : i32
      %parallel_loop3A_36 = vector.broadcast %parallel_loop3A_35 : i32 to vector<16xi32>
      %parallel_loop3A_37 = arith.select %parallel_loop3A_32, %parallel_loop3A_36, %parallel_loop3A_34 : vector<16xi1>, vector<16xi32>
      %parallel_loop3A_38 = arith.index_cast %parallel_loop3A_27 : i32 to index
      %parallel_loop3A_39 = tpu.vector_load %arg7[%parallel_loop3A_38] {strides = array<i32>} : memref<256xi32, #tpu.memory_space<vmem>>, vector<16xi32>,
      tpu.vector_store %arg7[%parallel_loop3A_38], %parallel_loop3A_37 {strides = array<i32>} : memref<256xi32, #tpu.memory_space<vmem>>, vector<16xi32>,
    } {sc.loop_unroll_factor = 1 : i64, sc.parallel_access}
    %iota3A = tpu.iota {dimensions = array<i32: 0>} : vector<16xi32>
    %dma_start3A = arith.constant 0 : i32
    %dma_start3A_10 = arith.constant 0 : i32
    %dma_start3A_11 = arith.constant 0 : i32
    %dma_start3A_12 = tpu.memref_slice %arg8[%dma_start3A, %dma_start3A_10, %dma_start3A_11] : memref<2x16x2048xf32, #tpu.memory_space<vmem>> -> memref<1x16x2048xf32, #tpu.memory_space<vmem>>
    %dma_start3A_13 = tpu.memref_squeeze %dma_start3A_12 : memref<1x16x2048xf32, #tpu.memory_space<vmem>> -> memref<16x2048xf32, #tpu.memory_space<vmem>>
    %dma_start3A_14 = arith.constant 0 : i32
    %dma_start3A_15 = tpu.memref_slice %arg7[%dma_start3A_14] : memref<256xi32, #tpu.memory_space<vmem>> -> memref<16xi32, #tpu.memory_space<vmem>>
    %dma_start3A_16 = arith.constant 0 : i32
    %dma_start3A_17 = arith.constant 0 : i32
    %dma_start3A_18 = tpu.memref_slice %arg2[%dma_start3A_16, %dma_start3A_17] : memref<8192x2048xf32, #tpu.memory_space<hbm>> -> memref<8192x2048xf32, #tpu.memory_space<hbm>>
    tpu.enqueue_indirect_dma source(%dma_start3A_18 : memref<8192x2048xf32, #tpu.memory_space<hbm>>) target(%dma_start3A_13 : memref<16x2048xf32, #tpu.memory_space<vmem>>) offsets(%dma_start3A_15 : memref<16xi32, #tpu.memory_space<vmem>>) semaphore(%arg13 : memref<!tpu.dma_semaphore, #tpu.memory_space<semaphore_mem>>)
    %scan3A = arith.constant 0 : i32
    %scan3A_19 = arith.constant 0 : i32
    %scan3A_20 = arith.constant 8 : i32
    %scan3A_21 = arith.addi %scan3A_19, %scan3A_20 : i32
    %scan3A_22 = arith.constant 1 : i32
    scf.for %scan3A_24 = %scan3A_19 to %scan3A_21 step %scan3A_22  : i32 {
      %mul3A_25 = arith.constant 2 : i32
      %mul3A_26 = arith.muli %scan3A_24, %mul3A_25 : i32
      %add3A_27 = arith.constant 1 : i32
      %add3A_28 = arith.addi %mul3A_26, %add3A_27 : i32
      %mul3A_29 = arith.constant 16 : i32
      %mul3A_30 = arith.muli %add3A_28, %mul3A_29 : i32
      %dma_start3A_31 = arith.constant 1 : i32
      %dma_start3A_32 = arith.constant 0 : i32
      %dma_start3A_33 = arith.constant 0 : i32
      %dma_start3A_34 = tpu.memref_slice %arg8[%dma_start3A_31, %dma_start3A_32, %dma_start3A_33] : memref<2x16x2048xf32, #tpu.memory_space<vmem>> -> memref<1x16x2048xf32, #tpu.memory_space<vmem>>
      %dma_start3A_35 = tpu.memref_squeeze %dma_start3A_34 : memref<1x16x2048xf32, #tpu.memory_space<vmem>> -> memref<16x2048xf32, #tpu.memory_space<vmem>>
      %dma_start3A_36 = tpu.memref_slice %arg7[%mul3A_30] : memref<256xi32, #tpu.memory_space<vmem>> -> memref<16xi32, #tpu.memory_space<vmem>>
      %dma_start3A_37 = arith.constant 0 : i32
      %dma_start3A_38 = arith.constant 0 : i32
      %dma_start3A_39 = tpu.memref_slice %arg2[%dma_start3A_37, %dma_start3A_38] : memref<8192x2048xf32, #tpu.memory_space<hbm>> -> memref<8192x2048xf32, #tpu.memory_space<hbm>>
      tpu.enqueue_indirect_dma source(%dma_start3A_39 : memref<8192x2048xf32, #tpu.memory_space<hbm>>) target(%dma_start3A_35 : memref<16x2048xf32, #tpu.memory_space<vmem>>) offsets(%dma_start3A_36 : memref<16xi32, #tpu.memory_space<vmem>>) semaphore(%arg14 : memref<!tpu.dma_semaphore, #tpu.memory_space<semaphore_mem>>)
      %mul3A_40 = arith.constant 16 : i32
      %mul3A_41 = arith.muli %mul3A_26, %mul3A_40 : i32
      %dma_wait3A = arith.constant 0 : i32
      %dma_wait3A_42 = arith.constant 0 : i32
      %dma_wait3A_43 = arith.constant 0 : i32
      %dma_wait3A_44 = tpu.memref_slice %arg8[%dma_wait3A, %dma_wait3A_42, %dma_wait3A_43] : memref<2x16x2048xf32, #tpu.memory_space<vmem>> -> memref<1x16x2048xf32, #tpu.memory_space<vmem>>
      %dma_wait3A_45 = tpu.memref_squeeze %dma_wait3A_44 : memref<1x16x2048xf32, #tpu.memory_space<vmem>> -> memref<16x2048xf32, #tpu.memory_space<vmem>>
      %dma_wait3A_46 = tpu.memref_slice %arg7[%mul3A_41] : memref<256xi32, #tpu.memory_space<vmem>> -> memref<16xi32, #tpu.memory_space<vmem>>
      %dma_wait3A_47 = arith.constant 0 : i32
      %dma_wait3A_48 = arith.constant 0 : i32
      %dma_wait3A_49 = tpu.memref_slice %arg2[%dma_wait3A_47, %dma_wait3A_48] : memref<8192x2048xf32, #tpu.memory_space<hbm>> -> memref<8192x2048xf32, #tpu.memory_space<hbm>>
      tpu.wait_indirect_dma semaphore(%arg13 : memref<!tpu.dma_semaphore, #tpu.memory_space<semaphore_mem>>) src(%dma_wait3A_49 : memref<8192x2048xf32, #tpu.memory_space<hbm>>) dst(%dma_wait3A_45 : memref<16x2048xf32, #tpu.memory_space<vmem>>)
      %mul3A_50 = arith.constant 16 : i32
      %mul3A_51 = arith.muli %mul3A_26, %mul3A_50 : i32
      %get3A = arith.index_cast %mul3A_51 : i32 to index
      %get3A_52 = tpu.vector_load %arg6[%get3A] {strides = array<i32>} : memref<256xi32, #tpu.memory_space<vmem>>, vector<16xi32>,
      %eq3A = arith.constant -1 : i32
      %eq3A_53 = vector.broadcast %eq3A : i32 to vector<16xi32>
      %eq3A_54 = arith.cmpi eq, %get3A_52, %eq3A_53 : vector<16xi32>
      %broadcast_in_dim3A = arith.constant 0.000000e+00 : f32
      %broadcast_in_dim3A_55 = vector.broadcast %broadcast_in_dim3A : f32 to vector<16xf32>
      %broadcast_in_dim3A_56 = arith.constant 0.000000e+00 : f32
      %broadcast_in_dim3A_57 = vector.broadcast %broadcast_in_dim3A_56 : f32 to vector<16xf32>
      %broadcast_in_dim3A_58 = arith.constant 0.000000e+00 : f32
      %broadcast_in_dim3A_59 = vector.broadcast %broadcast_in_dim3A_58 : f32 to vector<16xf32>
      %broadcast_in_dim3A_60 = arith.constant 0.000000e+00 : f32
      %broadcast_in_dim3A_61 = vector.broadcast %broadcast_in_dim3A_60 : f32 to vector<16xf32>
      %broadcast_in_dim3A_62 = arith.constant 0.000000e+00 : f32
      %broadcast_in_dim3A_63 = vector.broadcast %broadcast_in_dim3A_62 : f32 to vector<16xf32>
      %broadcast_in_dim3A_64 = arith.constant 0.000000e+00 : f32
      %broadcast_in_dim3A_65 = vector.broadcast %broadcast_in_dim3A_64 : f32 to vector<16xf32>
      %broadcast_in_dim3A_66 = arith.constant 0.000000e+00 : f32
      %broadcast_in_dim3A_67 = vector.broadcast %broadcast_in_dim3A_66 : f32 to vector<16xf32>
      %broadcast_in_dim3A_68 = arith.constant 0.000000e+00 : f32
      %broadcast_in_dim3A_69 = vector.broadcast %broadcast_in_dim3A_68 : f32 to vector<16xf32>
      %broadcast_in_dim3A_70 = arith.constant 0.000000e+00 : f32
      %broadcast_in_dim3A_71 = vector.broadcast %broadcast_in_dim3A_70 : f32 to vector<16xf32>
      %broadcast_in_dim3A_72 = arith.constant 0.000000e+00 : f32
      %broadcast_in_dim3A_73 = vector.broadcast %broadcast_in_dim3A_72 : f32 to vector<16xf32>
      %broadcast_in_dim3A_74 = arith.constant 0.000000e+00 : f32
      %broadcast_in_dim3A_75 = vector.broadcast %broadcast_in_dim3A_74 : f32 to vector<16xf32>
      %broadcast_in_dim3A_76 = arith.constant 0.000000e+00 : f32
      %broadcast_in_dim3A_77 = vector.broadcast %broadcast_in_dim3A_76 : f32 to vector<16xf32>
      %broadcast_in_dim3A_78 = arith.constant 0.000000e+00 : f32
      %broadcast_in_dim3A_79 = vector.broadcast %broadcast_in_dim3A_78 : f32 to vector<16xf32>
      %broadcast_in_dim3A_80 = arith.constant 0.000000e+00 : f32
      %broadcast_in_dim3A_81 = vector.broadcast %broadcast_in_dim3A_80 : f32 to vector<16xf32>
      %broadcast_in_dim3A_82 = arith.constant 0.000000e+00 : f32
      %broadcast_in_dim3A_83 = vector.broadcast %broadcast_in_dim3A_82 : f32 to vector<16xf32>
      %broadcast_in_dim3A_84 = arith.constant 0.000000e+00 : f32
      %broadcast_in_dim3A_85 = vector.broadcast %broadcast_in_dim3A_84 : f32 to vector<16xf32>
      %parallel_loop3A_86 = arith.constant 0 : i32
      %parallel_loop3A_87 = arith.constant 128 : i32
      %parallel_loop3A_88 = arith.constant 1 : i32
      %parallel_loop3A_89 = arith.constant 0 : i32
      %parallel_loop3A_90:16 = scf.for %parallel_loop3A_616 = %parallel_loop3A_86 to %parallel_loop3A_87 step %parallel_loop3A_88 iter_args(%parallel_loop3A_617 = %broadcast_in_dim3A_55, %parallel_loop3A_618 = %broadcast_in_dim3A_57, %parallel_loop3A_619 = %broadcast_in_dim3A_59, %parallel_loop3A_620 = %broadcast_in_dim3A_61, %parallel_loop3A_621 = %broadcast_in_dim3A_63, %parallel_loop3A_622 = %broadcast_in_dim3A_65, %parallel_loop3A_623 = %broadcast_in_dim3A_67, %parallel_loop3A_624 = %broadcast_in_dim3A_69, %parallel_loop3A_625 = %broadcast_in_dim3A_71, %parallel_loop3A_626 = %broadcast_in_dim3A_73, %parallel_loop3A_627 = %broadcast_in_dim3A_75, %parallel_loop3A_628 = %broadcast_in_dim3A_77, %parallel_loop3A_629 = %broadcast_in_dim3A_79, %parallel_loop3A_630 = %broadcast_in_dim3A_81, %parallel_loop3A_631 = %broadcast_in_dim3A_83, %parallel_loop3A_632 = %broadcast_in_dim3A_85) -> (vector<16xf32>, vector<16xf32>, vector<16xf32>, vector<16xf32>, vector<16xf32>, vector<16xf32>, vector<16xf32>, vector<16xf32>, vector<16xf32>, vector<16xf32>, vector<16xf32>, vector<16xf32>, vector<16xf32>, vector<16xf32>, vector<16xf32>, vector<16xf32>)  : i32 {
        %parallel_loop3A_633 = arith.constant 16 : i32
        %parallel_loop3A_634 = arith.muli %parallel_loop3A_616, %parallel_loop3A_633 : i32
        %parallel_loop3A_635 = tpu.assume_multiple %parallel_loop3A_634, 16 : i32
        %parallel_loop3A_636 = arith.index_cast %parallel_loop3A_635 : i32 to index
        %parallel_loop3A_637 = tpu.vector_load %arg9[%parallel_loop3A_636] {strides = array<i32>} : memref<2048xf32, #tpu.memory_space<vmem>>, vector<16xf32>,
        %parallel_loop3A_638 = arith.constant 0 : i32
        %parallel_loop3A_639 = arith.constant 0 : i32
        %parallel_loop3A_640 = arith.constant 0 : i32
        %parallel_loop3A_641 = tpu.memref_slice %arg8[%parallel_loop3A_89, %parallel_loop3A_639, %parallel_loop3A_640] : memref<2x16x2048xf32, #tpu.memory_space<vmem>> -> memref<1x16x2048xf32, #tpu.memory_space<vmem>>
        %parallel_loop3A_642 = tpu.memref_squeeze %parallel_loop3A_641 : memref<1x16x2048xf32, #tpu.memory_space<vmem>> -> memref<16x2048xf32, #tpu.memory_space<vmem>>
        %parallel_loop3A_643 = arith.index_cast %parallel_loop3A_638 : i32 to index
        %parallel_loop3A_644 = arith.index_cast %parallel_loop3A_635 : i32 to index
        %parallel_loop3A_645 = tpu.vector_load %parallel_loop3A_642[%parallel_loop3A_643, %parallel_loop3A_644] {strides = array<i32>} : memref<16x2048xf32, #tpu.memory_space<vmem>>, vector<16xf32>,
        %parallel_loop3A_646 = arith.mulf %parallel_loop3A_645, %parallel_loop3A_637 : vector<16xf32>
        %parallel_loop3A_647 = arith.addf %parallel_loop3A_617, %parallel_loop3A_646 : vector<16xf32>
        %parallel_loop3A_648 = arith.constant 1 : i32
        %parallel_loop3A_649 = arith.constant 0 : i32
        %parallel_loop3A_650 = arith.constant 0 : i32
        %parallel_loop3A_651 = tpu.memref_slice %arg8[%parallel_loop3A_89, %parallel_loop3A_649, %parallel_loop3A_650] : memref<2x16x2048xf32, #tpu.memory_space<vmem>> -> memref<1x16x2048xf32, #tpu.memory_space<vmem>>
        %parallel_loop3A_652 = tpu.memref_squeeze %parallel_loop3A_651 : memref<1x16x2048xf32, #tpu.memory_space<vmem>> -> memref<16x2048xf32, #tpu.memory_space<vmem>>
        %parallel_loop3A_653 = arith.index_cast %parallel_loop3A_648 : i32 to index
        %parallel_loop3A_654 = arith.index_cast %parallel_loop3A_635 : i32 to index
        %parallel_loop3A_655 = tpu.vector_load %parallel_loop3A_652[%parallel_loop3A_653, %parallel_loop3A_654] {strides = array<i32>} : memref<16x2048xf32, #tpu.memory_space<vmem>>, vector<16xf32>,
        %parallel_loop3A_656 = arith.mulf %parallel_loop3A_655, %parallel_loop3A_637 : vector<16xf32>
        %parallel_loop3A_657 = arith.addf %parallel_loop3A_618, %parallel_loop3A_656 : vector<16xf32>
        %parallel_loop3A_658 = arith.constant 2 : i32
        %parallel_loop3A_659 = arith.constant 0 : i32
        %parallel_loop3A_660 = arith.constant 0 : i32
        %parallel_loop3A_661 = tpu.memref_slice %arg8[%parallel_loop3A_89, %parallel_loop3A_659, %parallel_loop3A_660] : memref<2x16x2048xf32, #tpu.memory_space<vmem>> -> memref<1x16x2048xf32, #tpu.memory_space<vmem>>
        %parallel_loop3A_662 = tpu.memref_squeeze %parallel_loop3A_661 : memref<1x16x2048xf32, #tpu.memory_space<vmem>> -> memref<16x2048xf32, #tpu.memory_space<vmem>>
        %parallel_loop3A_663 = arith.index_cast %parallel_loop3A_658 : i32 to index
        %parallel_loop3A_664 = arith.index_cast %parallel_loop3A_635 : i32 to index
        %parallel_loop3A_665 = tpu.vector_load %parallel_loop3A_662[%parallel_loop3A_663, %parallel_loop3A_664] {strides = array<i32>} : memref<16x2048xf32, #tpu.memory_space<vmem>>, vector<16xf32>,
        %parallel_loop3A_666 = arith.mulf %parallel_loop3A_665, %parallel_loop3A_637 : vector<16xf32>
        %parallel_loop3A_667 = arith.addf %parallel_loop3A_619, %parallel_loop3A_666 : vector<16xf32>
        %parallel_loop3A_668 = arith.constant 3 : i32
        %parallel_loop3A_669 = arith.constant 0 : i32
        %parallel_loop3A_670 = arith.constant 0 : i32
        %parallel_loop3A_671 = tpu.memref_slice %arg8[%parallel_loop3A_89, %parallel_loop3A_669, %parallel_loop3A_670] : memref<2x16x2048xf32, #tpu.memory_space<vmem>> -> memref<1x16x2048xf32, #tpu.memory_space<vmem>>
        %parallel_loop3A_672 = tpu.memref_squeeze %parallel_loop3A_671 : memref<1x16x2048xf32, #tpu.memory_space<vmem>> -> memref<16x2048xf32, #tpu.memory_space<vmem>>
        %parallel_loop3A_673 = arith.index_cast %parallel_loop3A_668 : i32 to index
        %parallel_loop3A_674 = arith.index_cast %parallel_loop3A_635 : i32 to index
        %parallel_loop3A_675 = tpu.vector_load %parallel_loop3A_672[%parallel_loop3A_673, %parallel_loop3A_674] {strides = array<i32>} : memref<16x2048xf32, #tpu.memory_space<vmem>>, vector<16xf32>,
        %parallel_loop3A_676 = arith.mulf %parallel_loop3A_675, %parallel_loop3A_637 : vector<16xf32>
        %parallel_loop3A_677 = arith.addf %parallel_loop3A_620, %parallel_loop3A_676 : vector<16xf32>
        %parallel_loop3A_678 = arith.constant 4 : i32
        %parallel_loop3A_679 = arith.constant 0 : i32
        %parallel_loop3A_680 = arith.constant 0 : i32
        %parallel_loop3A_681 = tpu.memref_slice %arg8[%parallel_loop3A_89, %parallel_loop3A_679, %parallel_loop3A_680] : memref<2x16x2048xf32, #tpu.memory_space<vmem>> -> memref<1x16x2048xf32, #tpu.memory_space<vmem>>
        %parallel_loop3A_682 = tpu.memref_squeeze %parallel_loop3A_681 : memref<1x16x2048xf32, #tpu.memory_space<vmem>> -> memref<16x2048xf32, #tpu.memory_space<vmem>>
        %parallel_loop3A_683 = arith.index_cast %parallel_loop3A_678 : i32 to index
        %parallel_loop3A_684 = arith.index_cast %parallel_loop3A_635 : i32 to index
        %parallel_loop3A_685 = tpu.vector_load %parallel_loop3A_682[%parallel_loop3A_683, %parallel_loop3A_684] {strides = array<i32>} : memref<16x2048xf32, #tpu.memory_space<vmem>>, vector<16xf32>,
        %parallel_loop3A_686 = arith.mulf %parallel_loop3A_685, %parallel_loop3A_637 : vector<16xf32>
        %parallel_loop3A_687 = arith.addf %parallel_loop3A_621, %parallel_loop3A_686 : vector<16xf32>
        %parallel_loop3A_688 = arith.constant 5 : i32
        %parallel_loop3A_689 = arith.constant 0 : i32
        %parallel_loop3A_690 = arith.constant 0 : i32
        %parallel_loop3A_691 = tpu.memref_slice %arg8[%parallel_loop3A_89, %parallel_loop3A_689, %parallel_loop3A_690] : memref<2x16x2048xf32, #tpu.memory_space<vmem>> -> memref<1x16x2048xf32, #tpu.memory_space<vmem>>
        %parallel_loop3A_692 = tpu.memref_squeeze %parallel_loop3A_691 : memref<1x16x2048xf32, #tpu.memory_space<vmem>> -> memref<16x2048xf32, #tpu.memory_space<vmem>>
        %parallel_loop3A_693 = arith.index_cast %parallel_loop3A_688 : i32 to index
        %parallel_loop3A_694 = arith.index_cast %parallel_loop3A_635 : i32 to index
        %parallel_loop3A_695 = tpu.vector_load %parallel_loop3A_692[%parallel_loop3A_693, %parallel_loop3A_694] {strides = array<i32>} : memref<16x2048xf32, #tpu.memory_space<vmem>>, vector<16xf32>,
        %parallel_loop3A_696 = arith.mulf %parallel_loop3A_695, %parallel_loop3A_637 : vector<16xf32>
        %parallel_loop3A_697 = arith.addf %parallel_loop3A_622, %parallel_loop3A_696 : vector<16xf32>
        %parallel_loop3A_698 = arith.constant 6 : i32
        %parallel_loop3A_699 = arith.constant 0 : i32
        %parallel_loop3A_700 = arith.constant 0 : i32
        %parallel_loop3A_701 = tpu.memref_slice %arg8[%parallel_loop3A_89, %parallel_loop3A_699, %parallel_loop3A_700] : memref<2x16x2048xf32, #tpu.memory_space<vmem>> -> memref<1x16x2048xf32, #tpu.memory_space<vmem>>
        %parallel_loop3A_702 = tpu.memref_squeeze %parallel_loop3A_701 : memref<1x16x2048xf32, #tpu.memory_space<vmem>> -> memref<16x2048xf32, #tpu.memory_space<vmem>>
        %parallel_loop3A_703 = arith.index_cast %parallel_loop3A_698 : i32 to index
        %parallel_loop3A_704 = arith.index_cast %parallel_loop3A_635 : i32 to index
        %parallel_loop3A_705 = tpu.vector_load %parallel_loop3A_702[%parallel_loop3A_703, %parallel_loop3A_704] {strides = array<i32>} : memref<16x2048xf32, #tpu.memory_space<vmem>>, vector<16xf32>,
        %parallel_loop3A_706 = arith.mulf %parallel_loop3A_705, %parallel_loop3A_637 : vector<16xf32>
        %parallel_loop3A_707 = arith.addf %parallel_loop3A_623, %parallel_loop3A_706 : vector<16xf32>
        %parallel_loop3A_708 = arith.constant 7 : i32
        %parallel_loop3A_709 = arith.constant 0 : i32
        %parallel_loop3A_710 = arith.constant 0 : i32
        %parallel_loop3A_711 = tpu.memref_slice %arg8[%parallel_loop3A_89, %parallel_loop3A_709, %parallel_loop3A_710] : memref<2x16x2048xf32, #tpu.memory_space<vmem>> -> memref<1x16x2048xf32, #tpu.memory_space<vmem>>
        %parallel_loop3A_712 = tpu.memref_squeeze %parallel_loop3A_711 : memref<1x16x2048xf32, #tpu.memory_space<vmem>> -> memref<16x2048xf32, #tpu.memory_space<vmem>>
        %parallel_loop3A_713 = arith.index_cast %parallel_loop3A_708 : i32 to index
        %parallel_loop3A_714 = arith.index_cast %parallel_loop3A_635 : i32 to index
        %parallel_loop3A_715 = tpu.vector_load %parallel_loop3A_712[%parallel_loop3A_713, %parallel_loop3A_714] {strides = array<i32>} : memref<16x2048xf32, #tpu.memory_space<vmem>>, vector<16xf32>,
        %parallel_loop3A_716 = arith.mulf %parallel_loop3A_715, %parallel_loop3A_637 : vector<16xf32>
        %parallel_loop3A_717 = arith.addf %parallel_loop3A_624, %parallel_loop3A_716 : vector<16xf32>
        %parallel_loop3A_718 = arith.constant 8 : i32
        %parallel_loop3A_719 = arith.constant 0 : i32
        %parallel_loop3A_720 = arith.constant 0 : i32
        %parallel_loop3A_721 = tpu.memref_slice %arg8[%parallel_loop3A_89, %parallel_loop3A_719, %parallel_loop3A_720] : memref<2x16x2048xf32, #tpu.memory_space<vmem>> -> memref<1x16x2048xf32, #tpu.memory_space<vmem>>
        %parallel_loop3A_722 = tpu.memref_squeeze %parallel_loop3A_721 : memref<1x16x2048xf32, #tpu.memory_space<vmem>> -> memref<16x2048xf32, #tpu.memory_space<vmem>>
        %parallel_loop3A_723 = arith.index_cast %parallel_loop3A_718 : i32 to index
        %parallel_loop3A_724 = arith.index_cast %parallel_loop3A_635 : i32 to index
        %parallel_loop3A_725 = tpu.vector_load %parallel_loop3A_722[%parallel_loop3A_723, %parallel_loop3A_724] {strides = array<i32>} : memref<16x2048xf32, #tpu.memory_space<vmem>>, vector<16xf32>,
        %parallel_loop3A_726 = arith.mulf %parallel_loop3A_725, %parallel_loop3A_637 : vector<16xf32>
        %parallel_loop3A_727 = arith.addf %parallel_loop3A_625, %parallel_loop3A_726 : vector<16xf32>
        %parallel_loop3A_728 = arith.constant 9 : i32
        %parallel_loop3A_729 = arith.constant 0 : i32
        %parallel_loop3A_730 = arith.constant 0 : i32
        %parallel_loop3A_731 = tpu.memref_slice %arg8[%parallel_loop3A_89, %parallel_loop3A_729, %parallel_loop3A_730] : memref<2x16x2048xf32, #tpu.memory_space<vmem>> -> memref<1x16x2048xf32, #tpu.memory_space<vmem>>
        %parallel_loop3A_732 = tpu.memref_squeeze %parallel_loop3A_731 : memref<1x16x2048xf32, #tpu.memory_space<vmem>> -> memref<16x2048xf32, #tpu.memory_space<vmem>>
        %parallel_loop3A_733 = arith.index_cast %parallel_loop3A_728 : i32 to index
        %parallel_loop3A_734 = arith.index_cast %parallel_loop3A_635 : i32 to index
        %parallel_loop3A_735 = tpu.vector_load %parallel_loop3A_732[%parallel_loop3A_733, %parallel_loop3A_734] {strides = array<i32>} : memref<16x2048xf32, #tpu.memory_space<vmem>>, vector<16xf32>,
        %parallel_loop3A_736 = arith.mulf %parallel_loop3A_735, %parallel_loop3A_637 : vector<16xf32>
        %parallel_loop3A_737 = arith.addf %parallel_loop3A_626, %parallel_loop3A_736 : vector<16xf32>
        %parallel_loop3A_738 = arith.constant 10 : i32
        %parallel_loop3A_739 = arith.constant 0 : i32
        %parallel_loop3A_740 = arith.constant 0 : i32
        %parallel_loop3A_741 = tpu.memref_slice %arg8[%parallel_loop3A_89, %parallel_loop3A_739, %parallel_loop3A_740] : memref<2x16x2048xf32, #tpu.memory_space<vmem>> -> memref<1x16x2048xf32, #tpu.memory_space<vmem>>
        %parallel_loop3A_742 = tpu.memref_squeeze %parallel_loop3A_741 : memref<1x16x2048xf32, #tpu.memory_space<vmem>> -> memref<16x2048xf32, #tpu.memory_space<vmem>>
        %parallel_loop3A_743 = arith.index_cast %parallel_loop3A_738 : i32 to index
        %parallel_loop3A_744 = arith.index_cast %parallel_loop3A_635 : i32 to index
        %parallel_loop3A_745 = tpu.vector_load %parallel_loop3A_742[%parallel_loop3A_743, %parallel_loop3A_744] {strides = array<i32>} : memref<16x2048xf32, #tpu.memory_space<vmem>>, vector<16xf32>,
        %parallel_loop3A_746 = arith.mulf %parallel_loop3A_745, %parallel_loop3A_637 : vector<16xf32>
        %parallel_loop3A_747 = arith.addf %parallel_loop3A_627, %parallel_loop3A_746 : vector<16xf32>
        %parallel_loop3A_748 = arith.constant 11 : i32
        %parallel_loop3A_749 = arith.constant 0 : i32
        %parallel_loop3A_750 = arith.constant 0 : i32
        %parallel_loop3A_751 = tpu.memref_slice %arg8[%parallel_loop3A_89, %parallel_loop3A_749, %parallel_loop3A_750] : memref<2x16x2048xf32, #tpu.memory_space<vmem>> -> memref<1x16x2048xf32, #tpu.memory_space<vmem>>
        %parallel_loop3A_752 = tpu.memref_squeeze %parallel_loop3A_751 : memref<1x16x2048xf32, #tpu.memory_space<vmem>> -> memref<16x2048xf32, #tpu.memory_space<vmem>>
        %parallel_loop3A_753 = arith.index_cast %parallel_loop3A_748 : i32 to index
        %parallel_loop3A_754 = arith.index_cast %parallel_loop3A_635 : i32 to index
        %parallel_loop3A_755 = tpu.vector_load %parallel_loop3A_752[%parallel_loop3A_753, %parallel_loop3A_754] {strides = array<i32>} : memref<16x2048xf32, #tpu.memory_space<vmem>>, vector<16xf32>,
        %parallel_loop3A_756 = arith.mulf %parallel_loop3A_755, %parallel_loop3A_637 : vector<16xf32>
        %parallel_loop3A_757 = arith.addf %parallel_loop3A_628, %parallel_loop3A_756 : vector<16xf32>
        %parallel_loop3A_758 = arith.constant 12 : i32
        %parallel_loop3A_759 = arith.constant 0 : i32
        %parallel_loop3A_760 = arith.constant 0 : i32
        %parallel_loop3A_761 = tpu.memref_slice %arg8[%parallel_loop3A_89, %parallel_loop3A_759, %parallel_loop3A_760] : memref<2x16x2048xf32, #tpu.memory_space<vmem>> -> memref<1x16x2048xf32, #tpu.memory_space<vmem>>
        %parallel_loop3A_762 = tpu.memref_squeeze %parallel_loop3A_761 : memref<1x16x2048xf32, #tpu.memory_space<vmem>> -> memref<16x2048xf32, #tpu.memory_space<vmem>>
        %parallel_loop3A_763 = arith.index_cast %parallel_loop3A_758 : i32 to index
        %parallel_loop3A_764 = arith.index_cast %parallel_loop3A_635 : i32 to index
        %parallel_loop3A_765 = tpu.vector_load %parallel_loop3A_762[%parallel_loop3A_763, %parallel_loop3A_764] {strides = array<i32>} : memref<16x2048xf32, #tpu.memory_space<vmem>>, vector<16xf32>,
        %parallel_loop3A_766 = arith.mulf %parallel_loop3A_765, %parallel_loop3A_637 : vector<16xf32>
        %parallel_loop3A_767 = arith.addf %parallel_loop3A_629, %parallel_loop3A_766 : vector<16xf32>
        %parallel_loop3A_768 = arith.constant 13 : i32
        %parallel_loop3A_769 = arith.constant 0 : i32
        %parallel_loop3A_770 = arith.constant 0 : i32
        %parallel_loop3A_771 = tpu.memref_slice %arg8[%parallel_loop3A_89, %parallel_loop3A_769, %parallel_loop3A_770] : memref<2x16x2048xf32, #tpu.memory_space<vmem>> -> memref<1x16x2048xf32, #tpu.memory_space<vmem>>
        %parallel_loop3A_772 = tpu.memref_squeeze %parallel_loop3A_771 : memref<1x16x2048xf32, #tpu.memory_space<vmem>> -> memref<16x2048xf32, #tpu.memory_space<vmem>>
        %parallel_loop3A_773 = arith.index_cast %parallel_loop3A_768 : i32 to index
        %parallel_loop3A_774 = arith.index_cast %parallel_loop3A_635 : i32 to index
        %parallel_loop3A_775 = tpu.vector_load %parallel_loop3A_772[%parallel_loop3A_773, %parallel_loop3A_774] {strides = array<i32>} : memref<16x2048xf32, #tpu.memory_space<vmem>>, vector<16xf32>,
        %parallel_loop3A_776 = arith.mulf %parallel_loop3A_775, %parallel_loop3A_637 : vector<16xf32>
        %parallel_loop3A_777 = arith.addf %parallel_loop3A_630, %parallel_loop3A_776 : vector<16xf32>
        %parallel_loop3A_778 = arith.constant 14 : i32
        %parallel_loop3A_779 = arith.constant 0 : i32
        %parallel_loop3A_780 = arith.constant 0 : i32
        %parallel_loop3A_781 = tpu.memref_slice %arg8[%parallel_loop3A_89, %parallel_loop3A_779, %parallel_loop3A_780] : memref<2x16x2048xf32, #tpu.memory_space<vmem>> -> memref<1x16x2048xf32, #tpu.memory_space<vmem>>
        %parallel_loop3A_782 = tpu.memref_squeeze %parallel_loop3A_781 : memref<1x16x2048xf32, #tpu.memory_space<vmem>> -> memref<16x2048xf32, #tpu.memory_space<vmem>>
        %parallel_loop3A_783 = arith.index_cast %parallel_loop3A_778 : i32 to index
        %parallel_loop3A_784 = arith.index_cast %parallel_loop3A_635 : i32 to index
        %parallel_loop3A_785 = tpu.vector_load %parallel_loop3A_782[%parallel_loop3A_783, %parallel_loop3A_784] {strides = array<i32>} : memref<16x2048xf32, #tpu.memory_space<vmem>>, vector<16xf32>,
        %parallel_loop3A_786 = arith.mulf %parallel_loop3A_785, %parallel_loop3A_637 : vector<16xf32>
        %parallel_loop3A_787 = arith.addf %parallel_loop3A_631, %parallel_loop3A_786 : vector<16xf32>
        %parallel_loop3A_788 = arith.constant 15 : i32
        %parallel_loop3A_789 = arith.constant 0 : i32
        %parallel_loop3A_790 = arith.constant 0 : i32
        %parallel_loop3A_791 = tpu.memref_slice %arg8[%parallel_loop3A_89, %parallel_loop3A_789, %parallel_loop3A_790] : memref<2x16x2048xf32, #tpu.memory_space<vmem>> -> memref<1x16x2048xf32, #tpu.memory_space<vmem>>
        %parallel_loop3A_792 = tpu.memref_squeeze %parallel_loop3A_791 : memref<1x16x2048xf32, #tpu.memory_space<vmem>> -> memref<16x2048xf32, #tpu.memory_space<vmem>>
        %parallel_loop3A_793 = arith.index_cast %parallel_loop3A_788 : i32 to index
        %parallel_loop3A_794 = arith.index_cast %parallel_loop3A_635 : i32 to index
        %parallel_loop3A_795 = tpu.vector_load %parallel_loop3A_792[%parallel_loop3A_793, %parallel_loop3A_794] {strides = array<i32>} : memref<16x2048xf32, #tpu.memory_space<vmem>>, vector<16xf32>,
        %parallel_loop3A_796 = arith.mulf %parallel_loop3A_795, %parallel_loop3A_637 : vector<16xf32>
        %parallel_loop3A_797 = arith.addf %parallel_loop3A_632, %parallel_loop3A_796 : vector<16xf32>
        scf.yield %parallel_loop3A_647, %parallel_loop3A_657, %parallel_loop3A_667, %parallel_loop3A_677, %parallel_loop3A_687, %parallel_loop3A_697, %parallel_loop3A_707, %parallel_loop3A_717, %parallel_loop3A_727, %parallel_loop3A_737, %parallel_loop3A_747, %parallel_loop3A_757, %parallel_loop3A_767, %parallel_loop3A_777, %parallel_loop3A_787, %parallel_loop3A_797 : vector<16xf32>, vector<16xf32>, vector<16xf32>, vector<16xf32>, vector<16xf32>, vector<16xf32>, vector<16xf32>, vector<16xf32>, vector<16xf32>, vector<16xf32>, vector<16xf32>, vector<16xf32>, vector<16xf32>, vector<16xf32>, vector<16xf32>, vector<16xf32>
      } {sc.loop_unroll_factor = 2 : i64, sc.parallel_access}
      %swap3A = arith.constant 0 : index
      %swap3A_91 = tpu.vector_load %arg10[%swap3A] {strides = array<i32>} : memref<256xf32, #tpu.memory_space<vmem>>, vector<16xf32>,
      tpu.vector_store %arg10[%swap3A], %parallel_loop3A_90#0 {strides = array<i32>} : memref<256xf32, #tpu.memory_space<vmem>>, vector<16xf32>,
      %swap3A_92 = arith.constant 16 : index
      %swap3A_93 = tpu.vector_load %arg10[%swap3A_92] {strides = array<i32>} : memref<256xf32, #tpu.memory_space<vmem>>, vector<16xf32>,
      tpu.vector_store %arg10[%swap3A_92], %parallel_loop3A_90#1 {strides = array<i32>} : memref<256xf32, #tpu.memory_space<vmem>>, vector<16xf32>,
      %swap3A_94 = arith.constant 32 : index
      %swap3A_95 = tpu.vector_load %arg10[%swap3A_94] {strides = array<i32>} : memref<256xf32, #tpu.memory_space<vmem>>, vector<16xf32>,
      tpu.vector_store %arg10[%swap3A_94], %parallel_loop3A_90#2 {strides = array<i32>} : memref<256xf32, #tpu.memory_space<vmem>>, vector<16xf32>,
      %swap3A_96 = arith.constant 48 : index
      %swap3A_97 = tpu.vector_load %arg10[%swap3A_96] {strides = array<i32>} : memref<256xf32, #tpu.memory_space<vmem>>, vector<16xf32>,
      tpu.vector_store %arg10[%swap3A_96], %parallel_loop3A_90#3 {strides = array<i32>} : memref<256xf32, #tpu.memory_space<vmem>>, vector<16xf32>,
      %swap3A_98 = arith.constant 64 : index
      %swap3A_99 = tpu.vector_load %arg10[%swap3A_98] {strides = array<i32>} : memref<256xf32, #tpu.memory_space<vmem>>, vector<16xf32>,
      tpu.vector_store %arg10[%swap3A_98], %parallel_loop3A_90#4 {strides = array<i32>} : memref<256xf32, #tpu.memory_space<vmem>>, vector<16xf32>,
      %swap3A_100 = arith.constant 80 : index
      %swap3A_101 = tpu.vector_load %arg10[%swap3A_100] {strides = array<i32>} : memref<256xf32, #tpu.memory_space<vmem>>, vector<16xf32>,
      tpu.vector_store %arg10[%swap3A_100], %parallel_loop3A_90#5 {strides = array<i32>} : memref<256xf32, #tpu.memory_space<vmem>>, vector<16xf32>,
      %swap3A_102 = arith.constant 96 : index
      %swap3A_103 = tpu.vector_load %arg10[%swap3A_102] {strides = array<i32>} : memref<256xf32, #tpu.memory_space<vmem>>, vector<16xf32>,
      tpu.vector_store %arg10[%swap3A_102], %parallel_loop3A_90#6 {strides = array<i32>} : memref<256xf32, #tpu.memory_space<vmem>>, vector<16xf32>,
      %swap3A_104 = arith.constant 112 : index
      %swap3A_105 = tpu.vector_load %arg10[%swap3A_104] {strides = array<i32>} : memref<256xf32, #tpu.memory_space<vmem>>, vector<16xf32>,
      tpu.vector_store %arg10[%swap3A_104], %parallel_loop3A_90#7 {strides = array<i32>} : memref<256xf32, #tpu.memory_space<vmem>>, vector<16xf32>,
      %swap3A_106 = arith.constant 128 : index
      %swap3A_107 = tpu.vector_load %arg10[%swap3A_106] {strides = array<i32>} : memref<256xf32, #tpu.memory_space<vmem>>, vector<16xf32>,
      tpu.vector_store %arg10[%swap3A_106], %parallel_loop3A_90#8 {strides = array<i32>} : memref<256xf32, #tpu.memory_space<vmem>>, vector<16xf32>,
      %swap3A_108 = arith.constant 144 : index
      %swap3A_109 = tpu.vector_load %arg10[%swap3A_108] {strides = array<i32>} : memref<256xf32, #tpu.memory_space<vmem>>, vector<16xf32>,
      tpu.vector_store %arg10[%swap3A_108], %parallel_loop3A_90#9 {strides = array<i32>} : memref<256xf32, #tpu.memory_space<vmem>>, vector<16xf32>,
      %swap3A_110 = arith.constant 160 : index
      %swap3A_111 = tpu.vector_load %arg10[%swap3A_110] {strides = array<i32>} : memref<256xf32, #tpu.memory_space<vmem>>, vector<16xf32>,
      tpu.vector_store %arg10[%swap3A_110], %parallel_loop3A_90#10 {strides = array<i32>} : memref<256xf32, #tpu.memory_space<vmem>>, vector<16xf32>,
      %swap3A_112 = arith.constant 176 : index
      %swap3A_113 = tpu.vector_load %arg10[%swap3A_112] {strides = array<i32>} : memref<256xf32, #tpu.memory_space<vmem>>, vector<16xf32>,
      tpu.vector_store %arg10[%swap3A_112], %parallel_loop3A_90#11 {strides = array<i32>} : memref<256xf32, #tpu.memory_space<vmem>>, vector<16xf32>,
      %swap3A_114 = arith.constant 192 : index
      %swap3A_115 = tpu.vector_load %arg10[%swap3A_114] {strides = array<i32>} : memref<256xf32, #tpu.memory_space<vmem>>, vector<16xf32>,
      tpu.vector_store %arg10[%swap3A_114], %parallel_loop3A_90#12 {strides = array<i32>} : memref<256xf32, #tpu.memory_space<vmem>>, vector<16xf32>,
      %swap3A_116 = arith.constant 208 : index
      %swap3A_117 = tpu.vector_load %arg10[%swap3A_116] {strides = array<i32>} : memref<256xf32, #tpu.memory_space<vmem>>, vector<16xf32>,
      tpu.vector_store %arg10[%swap3A_116], %parallel_loop3A_90#13 {strides = array<i32>} : memref<256xf32, #tpu.memory_space<vmem>>, vector<16xf32>,
      %swap3A_118 = arith.constant 224 : index
      %swap3A_119 = tpu.vector_load %arg10[%swap3A_118] {strides = array<i32>} : memref<256xf32, #tpu.memory_space<vmem>>, vector<16xf32>,
      tpu.vector_store %arg10[%swap3A_118], %parallel_loop3A_90#14 {strides = array<i32>} : memref<256xf32, #tpu.memory_space<vmem>>, vector<16xf32>,
      %swap3A_120 = arith.constant 240 : index
      %swap3A_121 = tpu.vector_load %arg10[%swap3A_120] {strides = array<i32>} : memref<256xf32, #tpu.memory_space<vmem>>, vector<16xf32>,
      tpu.vector_store %arg10[%swap3A_120], %parallel_loop3A_90#15 {strides = array<i32>} : memref<256xf32, #tpu.memory_space<vmem>>, vector<16xf32>,
      %broadcast_in_dim3A_122 = arith.constant 0.000000e+00 : f32
      %broadcast_in_dim3A_123 = vector.broadcast %broadcast_in_dim3A_122 : f32 to vector<16xf32>
      %mul3A_124 = arith.constant 16 : i32
      %mul3A_125 = vector.broadcast %mul3A_124 : i32 to vector<16xi32>
      %mul3A_126 = arith.muli %iota3A, %mul3A_125 : vector<16xi32>
      %add3A_127 = arith.constant 0 : i32
      %add3A_128 = vector.broadcast %add3A_127 : i32 to vector<16xi32>
      %add3A_129 = arith.addi %mul3A_126, %add3A_128 : vector<16xi32>
      %gather3A = tpu.vector_load_idx %arg10[%add3A_129] : memref<256xf32, #tpu.memory_space<vmem>>[vector<16xi32>], vector<16xf32>,
      %add3A_130 = arith.addf %broadcast_in_dim3A_123, %gather3A : vector<16xf32>
      %mul3A_131 = arith.constant 16 : i32
      %mul3A_132 = vector.broadcast %mul3A_131 : i32 to vector<16xi32>
      %mul3A_133 = arith.muli %iota3A, %mul3A_132 : vector<16xi32>
      %add3A_134 = arith.constant 1 : i32
      %add3A_135 = vector.broadcast %add3A_134 : i32 to vector<16xi32>
      %add3A_136 = arith.addi %mul3A_133, %add3A_135 : vector<16xi32>
      %gather3A_137 = tpu.vector_load_idx %arg10[%add3A_136] : memref<256xf32, #tpu.memory_space<vmem>>[vector<16xi32>], vector<16xf32>,
      %add3A_138 = arith.addf %add3A_130, %gather3A_137 : vector<16xf32>
      %mul3A_139 = arith.constant 16 : i32
      %mul3A_140 = vector.broadcast %mul3A_139 : i32 to vector<16xi32>
      %mul3A_141 = arith.muli %iota3A, %mul3A_140 : vector<16xi32>
      %add3A_142 = arith.constant 2 : i32
      %add3A_143 = vector.broadcast %add3A_142 : i32 to vector<16xi32>
      %add3A_144 = arith.addi %mul3A_141, %add3A_143 : vector<16xi32>
      %gather3A_145 = tpu.vector_load_idx %arg10[%add3A_144] : memref<256xf32, #tpu.memory_space<vmem>>[vector<16xi32>], vector<16xf32>,
      %add3A_146 = arith.addf %add3A_138, %gather3A_145 : vector<16xf32>
      %mul3A_147 = arith.constant 16 : i32
      %mul3A_148 = vector.broadcast %mul3A_147 : i32 to vector<16xi32>
      %mul3A_149 = arith.muli %iota3A, %mul3A_148 : vector<16xi32>
      %add3A_150 = arith.constant 3 : i32
      %add3A_151 = vector.broadcast %add3A_150 : i32 to vector<16xi32>
      %add3A_152 = arith.addi %mul3A_149, %add3A_151 : vector<16xi32>
      %gather3A_153 = tpu.vector_load_idx %arg10[%add3A_152] : memref<256xf32, #tpu.memory_space<vmem>>[vector<16xi32>], vector<16xf32>,
      %add3A_154 = arith.addf %add3A_146, %gather3A_153 : vector<16xf32>
      %mul3A_155 = arith.constant 16 : i32
      %mul3A_156 = vector.broadcast %mul3A_155 : i32 to vector<16xi32>
      %mul3A_157 = arith.muli %iota3A, %mul3A_156 : vector<16xi32>
      %add3A_158 = arith.constant 4 : i32
      %add3A_159 = vector.broadcast %add3A_158 : i32 to vector<16xi32>
      %add3A_160 = arith.addi %mul3A_157, %add3A_159 : vector<16xi32>
      %gather3A_161 = tpu.vector_load_idx %arg10[%add3A_160] : memref<256xf32, #tpu.memory_space<vmem>>[vector<16xi32>], vector<16xf32>,
      %add3A_162 = arith.addf %add3A_154, %gather3A_161 : vector<16xf32>
      %mul3A_163 = arith.constant 16 : i32
      %mul3A_164 = vector.broadcast %mul3A_163 : i32 to vector<16xi32>
      %mul3A_165 = arith.muli %iota3A, %mul3A_164 : vector<16xi32>
      %add3A_166 = arith.constant 5 : i32
      %add3A_167 = vector.broadcast %add3A_166 : i32 to vector<16xi32>
      %add3A_168 = arith.addi %mul3A_165, %add3A_167 : vector<16xi32>
      %gather3A_169 = tpu.vector_load_idx %arg10[%add3A_168] : memref<256xf32, #tpu.memory_space<vmem>>[vector<16xi32>], vector<16xf32>,
      %add3A_170 = arith.addf %add3A_162, %gather3A_169 : vector<16xf32>
      %mul3A_171 = arith.constant 16 : i32
      %mul3A_172 = vector.broadcast %mul3A_171 : i32 to vector<16xi32>
      %mul3A_173 = arith.muli %iota3A, %mul3A_172 : vector<16xi32>
      %add3A_174 = arith.constant 6 : i32
      %add3A_175 = vector.broadcast %add3A_174 : i32 to vector<16xi32>
      %add3A_176 = arith.addi %mul3A_173, %add3A_175 : vector<16xi32>
      %gather3A_177 = tpu.vector_load_idx %arg10[%add3A_176] : memref<256xf32, #tpu.memory_space<vmem>>[vector<16xi32>], vector<16xf32>,
      %add3A_178 = arith.addf %add3A_170, %gather3A_177 : vector<16xf32>
      %mul3A_179 = arith.constant 16 : i32
      %mul3A_180 = vector.broadcast %mul3A_179 : i32 to vector<16xi32>
      %mul3A_181 = arith.muli %iota3A, %mul3A_180 : vector<16xi32>
      %add3A_182 = arith.constant 7 : i32
      %add3A_183 = vector.broadcast %add3A_182 : i32 to vector<16xi32>
      %add3A_184 = arith.addi %mul3A_181, %add3A_183 : vector<16xi32>
      %gather3A_185 = tpu.vector_load_idx %arg10[%add3A_184] : memref<256xf32, #tpu.memory_space<vmem>>[vector<16xi32>], vector<16xf32>,
      %add3A_186 = arith.addf %add3A_178, %gather3A_185 : vector<16xf32>
      %mul3A_187 = arith.constant 16 : i32
      %mul3A_188 = vector.broadcast %mul3A_187 : i32 to vector<16xi32>
      %mul3A_189 = arith.muli %iota3A, %mul3A_188 : vector<16xi32>
      %add3A_190 = arith.constant 8 : i32
      %add3A_191 = vector.broadcast %add3A_190 : i32 to vector<16xi32>
      %add3A_192 = arith.addi %mul3A_189, %add3A_191 : vector<16xi32>
      %gather3A_193 = tpu.vector_load_idx %arg10[%add3A_192] : memref<256xf32, #tpu.memory_space<vmem>>[vector<16xi32>], vector<16xf32>,
      %add3A_194 = arith.addf %add3A_186, %gather3A_193 : vector<16xf32>
      %mul3A_195 = arith.constant 16 : i32
      %mul3A_196 = vector.broadcast %mul3A_195 : i32 to vector<16xi32>
      %mul3A_197 = arith.muli %iota3A, %mul3A_196 : vector<16xi32>
      %add3A_198 = arith.constant 9 : i32
      %add3A_199 = vector.broadcast %add3A_198 : i32 to vector<16xi32>
      %add3A_200 = arith.addi %mul3A_197, %add3A_199 : vector<16xi32>
      %gather3A_201 = tpu.vector_load_idx %arg10[%add3A_200] : memref<256xf32, #tpu.memory_space<vmem>>[vector<16xi32>], vector<16xf32>,
      %add3A_202 = arith.addf %add3A_194, %gather3A_201 : vector<16xf32>
      %mul3A_203 = arith.constant 16 : i32
      %mul3A_204 = vector.broadcast %mul3A_203 : i32 to vector<16xi32>
      %mul3A_205 = arith.muli %iota3A, %mul3A_204 : vector<16xi32>
      %add3A_206 = arith.constant 10 : i32
      %add3A_207 = vector.broadcast %add3A_206 : i32 to vector<16xi32>
      %add3A_208 = arith.addi %mul3A_205, %add3A_207 : vector<16xi32>
      %gather3A_209 = tpu.vector_load_idx %arg10[%add3A_208] : memref<256xf32, #tpu.memory_space<vmem>>[vector<16xi32>], vector<16xf32>,
      %add3A_210 = arith.addf %add3A_202, %gather3A_209 : vector<16xf32>
      %mul3A_211 = arith.constant 16 : i32
      %mul3A_212 = vector.broadcast %mul3A_211 : i32 to vector<16xi32>
      %mul3A_213 = arith.muli %iota3A, %mul3A_212 : vector<16xi32>
      %add3A_214 = arith.constant 11 : i32
      %add3A_215 = vector.broadcast %add3A_214 : i32 to vector<16xi32>
      %add3A_216 = arith.addi %mul3A_213, %add3A_215 : vector<16xi32>
      %gather3A_217 = tpu.vector_load_idx %arg10[%add3A_216] : memref<256xf32, #tpu.memory_space<vmem>>[vector<16xi32>], vector<16xf32>,
      %add3A_218 = arith.addf %add3A_210, %gather3A_217 : vector<16xf32>
      %mul3A_219 = arith.constant 16 : i32
      %mul3A_220 = vector.broadcast %mul3A_219 : i32 to vector<16xi32>
      %mul3A_221 = arith.muli %iota3A, %mul3A_220 : vector<16xi32>
      %add3A_222 = arith.constant 12 : i32
      %add3A_223 = vector.broadcast %add3A_222 : i32 to vector<16xi32>
      %add3A_224 = arith.addi %mul3A_221, %add3A_223 : vector<16xi32>
      %gather3A_225 = tpu.vector_load_idx %arg10[%add3A_224] : memref<256xf32, #tpu.memory_space<vmem>>[vector<16xi32>], vector<16xf32>,
      %add3A_226 = arith.addf %add3A_218, %gather3A_225 : vector<16xf32>
      %mul3A_227 = arith.constant 16 : i32
      %mul3A_228 = vector.broadcast %mul3A_227 : i32 to vector<16xi32>
      %mul3A_229 = arith.muli %iota3A, %mul3A_228 : vector<16xi32>
      %add3A_230 = arith.constant 13 : i32
      %add3A_231 = vector.broadcast %add3A_230 : i32 to vector<16xi32>
      %add3A_232 = arith.addi %mul3A_229, %add3A_231 : vector<16xi32>
      %gather3A_233 = tpu.vector_load_idx %arg10[%add3A_232] : memref<256xf32, #tpu.memory_space<vmem>>[vector<16xi32>], vector<16xf32>,
      %add3A_234 = arith.addf %add3A_226, %gather3A_233 : vector<16xf32>
      %mul3A_235 = arith.constant 16 : i32
      %mul3A_236 = vector.broadcast %mul3A_235 : i32 to vector<16xi32>
      %mul3A_237 = arith.muli %iota3A, %mul3A_236 : vector<16xi32>
      %add3A_238 = arith.constant 14 : i32
      %add3A_239 = vector.broadcast %add3A_238 : i32 to vector<16xi32>
      %add3A_240 = arith.addi %mul3A_237, %add3A_239 : vector<16xi32>
      %gather3A_241 = tpu.vector_load_idx %arg10[%add3A_240] : memref<256xf32, #tpu.memory_space<vmem>>[vector<16xi32>], vector<16xf32>,
      %add3A_242 = arith.addf %add3A_234, %gather3A_241 : vector<16xf32>
      %mul3A_243 = arith.constant 16 : i32
      %mul3A_244 = vector.broadcast %mul3A_243 : i32 to vector<16xi32>
      %mul3A_245 = arith.muli %iota3A, %mul3A_244 : vector<16xi32>
      %add3A_246 = arith.constant 15 : i32
      %add3A_247 = vector.broadcast %add3A_246 : i32 to vector<16xi32>
      %add3A_248 = arith.addi %mul3A_245, %add3A_247 : vector<16xi32>
      %gather3A_249 = tpu.vector_load_idx %arg10[%add3A_248] : memref<256xf32, #tpu.memory_space<vmem>>[vector<16xi32>], vector<16xf32>,
      %add3A_250 = arith.addf %add3A_242, %gather3A_249 : vector<16xf32>
      %jit3A = arith.constant -1.000000e+04 : f32
      %broadcast_in_dim3A_251 = vector.broadcast %jit3A : f32 to vector<16xf32>
      %select_n3A = arith.select %eq3A_54, %broadcast_in_dim3A_251, %add3A_250 : vector<16xi1>, vector<16xf32>
      %reduce_max3A = arith.constant true
      %reduce_max3A_252 = vector.broadcast %reduce_max3A : i1 to vector<16xi1>
      %reduce_max3A_253 = tpu.scan <max>, %select_n3A masked %reduce_max3A_252 : vector<16xf32>, vector<16xi1> -> vector<16xf32>
      %reduce_max3A_254 = vector.extract %reduce_max3A_253[15] : f32 from vector<16xf32>
      %sub3A = vector.broadcast %reduce_max3A_254 : f32 to vector<16xf32>
      %sub3A_255 = arith.subf %select_n3A, %sub3A : vector<16xf32>
      %exp3A = math.exp %sub3A_255 : vector<16xf32>
      %reduce_sum3A = arith.constant true
      %reduce_sum3A_256 = vector.broadcast %reduce_sum3A : i1 to vector<16xi1>
      %reduce_sum3A_257 = tpu.scan <sum>, %exp3A masked %reduce_sum3A_256 : vector<16xf32>, vector<16xi1> -> vector<16xf32>
      %reduce_sum3A_258 = vector.extract %reduce_sum3A_257[15] : f32 from vector<16xf32>
      %div3A_259 = vector.broadcast %reduce_sum3A_258 : f32 to vector<16xf32>
      %div3A_260 = arith.divf %exp3A, %div3A_259 : vector<16xf32>
      %jit3A_261 = arith.constant 0.000000e+00 : f32
      %broadcast_in_dim3A_262 = vector.broadcast %jit3A_261 : f32 to vector<16xf32>
      %select_n3A_263 = arith.select %eq3A_54, %broadcast_in_dim3A_262, %div3A_260 : vector<16xi1>, vector<16xf32>
      %swap3A_264 = arith.constant 0 : index
      %swap3A_265 = tpu.vector_load %arg11[%swap3A_264] {strides = array<i32>} : memref<32xf32, #tpu.memory_space<vmem>>, vector<16xf32>,
      tpu.vector_store %arg11[%swap3A_264], %select_n3A_263 {strides = array<i32>} : memref<32xf32, #tpu.memory_space<vmem>>, vector<16xf32>,
      %swap3A_266 = arith.constant 16 : index
      %swap3A_267 = tpu.vector_load %arg11[%swap3A_266] {strides = array<i32>} : memref<32xf32, #tpu.memory_space<vmem>>, vector<16xf32>,
      tpu.vector_store %arg11[%swap3A_266], %select_n3A_263 {strides = array<i32>} : memref<32xf32, #tpu.memory_space<vmem>>, vector<16xf32>,
      %broadcast_in_dim3A_268 = arith.constant 16 : i32
      %broadcast_in_dim3A_269 = vector.broadcast %broadcast_in_dim3A_268 : i32 to vector<16xi32>
      %gather3A_270 = tpu.vector_load_idx %arg11[%broadcast_in_dim3A_269] : memref<32xf32, #tpu.memory_space<vmem>>[vector<16xi32>], vector<16xf32>,
      %broadcast_in_dim3A_271 = arith.constant 17 : i32
      %broadcast_in_dim3A_272 = vector.broadcast %broadcast_in_dim3A_271 : i32 to vector<16xi32>
      %gather3A_273 = tpu.vector_load_idx %arg11[%broadcast_in_dim3A_272] : memref<32xf32, #tpu.memory_space<vmem>>[vector<16xi32>], vector<16xf32>,
      %broadcast_in_dim3A_274 = arith.constant 18 : i32
      %broadcast_in_dim3A_275 = vector.broadcast %broadcast_in_dim3A_274 : i32 to vector<16xi32>
      %gather3A_276 = tpu.vector_load_idx %arg11[%broadcast_in_dim3A_275] : memref<32xf32, #tpu.memory_space<vmem>>[vector<16xi32>], vector<16xf32>,
      %broadcast_in_dim3A_277 = arith.constant 19 : i32
      %broadcast_in_dim3A_278 = vector.broadcast %broadcast_in_dim3A_277 : i32 to vector<16xi32>
      %gather3A_279 = tpu.vector_load_idx %arg11[%broadcast_in_dim3A_278] : memref<32xf32, #tpu.memory_space<vmem>>[vector<16xi32>], vector<16xf32>,
      %broadcast_in_dim3A_280 = arith.constant 20 : i32
      %broadcast_in_dim3A_281 = vector.broadcast %broadcast_in_dim3A_280 : i32 to vector<16xi32>
      %gather3A_282 = tpu.vector_load_idx %arg11[%broadcast_in_dim3A_281] : memref<32xf32, #tpu.memory_space<vmem>>[vector<16xi32>], vector<16xf32>,
      %broadcast_in_dim3A_283 = arith.constant 21 : i32
      %broadcast_in_dim3A_284 = vector.broadcast %broadcast_in_dim3A_283 : i32 to vector<16xi32>
      %gather3A_285 = tpu.vector_load_idx %arg11[%broadcast_in_dim3A_284] : memref<32xf32, #tpu.memory_space<vmem>>[vector<16xi32>], vector<16xf32>,
      %broadcast_in_dim3A_286 = arith.constant 22 : i32
      %broadcast_in_dim3A_287 = vector.broadcast %broadcast_in_dim3A_286 : i32 to vector<16xi32>
      %gather3A_288 = tpu.vector_load_idx %arg11[%broadcast_in_dim3A_287] : memref<32xf32, #tpu.memory_space<vmem>>[vector<16xi32>], vector<16xf32>,
      %broadcast_in_dim3A_289 = arith.constant 23 : i32
      %broadcast_in_dim3A_290 = vector.broadcast %broadcast_in_dim3A_289 : i32 to vector<16xi32>
      %gather3A_291 = tpu.vector_load_idx %arg11[%broadcast_in_dim3A_290] : memref<32xf32, #tpu.memory_space<vmem>>[vector<16xi32>], vector<16xf32>,
      %broadcast_in_dim3A_292 = arith.constant 24 : i32
      %broadcast_in_dim3A_293 = vector.broadcast %broadcast_in_dim3A_292 : i32 to vector<16xi32>
      %gather3A_294 = tpu.vector_load_idx %arg11[%broadcast_in_dim3A_293] : memref<32xf32, #tpu.memory_space<vmem>>[vector<16xi32>], vector<16xf32>,
      %broadcast_in_dim3A_295 = arith.constant 25 : i32
      %broadcast_in_dim3A_296 = vector.broadcast %broadcast_in_dim3A_295 : i32 to vector<16xi32>
      %gather3A_297 = tpu.vector_load_idx %arg11[%broadcast_in_dim3A_296] : memref<32xf32, #tpu.memory_space<vmem>>[vector<16xi32>], vector<16xf32>,
      %broadcast_in_dim3A_298 = arith.constant 26 : i32
      %broadcast_in_dim3A_299 = vector.broadcast %broadcast_in_dim3A_298 : i32 to vector<16xi32>
      %gather3A_300 = tpu.vector_load_idx %arg11[%broadcast_in_dim3A_299] : memref<32xf32, #tpu.memory_space<vmem>>[vector<16xi32>], vector<16xf32>,
      %broadcast_in_dim3A_301 = arith.constant 27 : i32
      %broadcast_in_dim3A_302 = vector.broadcast %broadcast_in_dim3A_301 : i32 to vector<16xi32>
      %gather3A_303 = tpu.vector_load_idx %arg11[%broadcast_in_dim3A_302] : memref<32xf32, #tpu.memory_space<vmem>>[vector<16xi32>], vector<16xf32>,
      %broadcast_in_dim3A_304 = arith.constant 28 : i32
      %broadcast_in_dim3A_305 = vector.broadcast %broadcast_in_dim3A_304 : i32 to vector<16xi32>
      %gather3A_306 = tpu.vector_load_idx %arg11[%broadcast_in_dim3A_305] : memref<32xf32, #tpu.memory_space<vmem>>[vector<16xi32>], vector<16xf32>,
      %broadcast_in_dim3A_307 = arith.constant 29 : i32
      %broadcast_in_dim3A_308 = vector.broadcast %broadcast_in_dim3A_307 : i32 to vector<16xi32>
      %gather3A_309 = tpu.vector_load_idx %arg11[%broadcast_in_dim3A_308] : memref<32xf32, #tpu.memory_space<vmem>>[vector<16xi32>], vector<16xf32>,
      %broadcast_in_dim3A_310 = arith.constant 30 : i32
      %broadcast_in_dim3A_311 = vector.broadcast %broadcast_in_dim3A_310 : i32 to vector<16xi32>
      %gather3A_312 = tpu.vector_load_idx %arg11[%broadcast_in_dim3A_311] : memref<32xf32, #tpu.memory_space<vmem>>[vector<16xi32>], vector<16xf32>,
      %broadcast_in_dim3A_313 = arith.constant 31 : i32
      %broadcast_in_dim3A_314 = vector.broadcast %broadcast_in_dim3A_313 : i32 to vector<16xi32>
      %gather3A_315 = tpu.vector_load_idx %arg11[%broadcast_in_dim3A_314] : memref<32xf32, #tpu.memory_space<vmem>>[vector<16xi32>], vector<16xf32>,
      %parallel_loop3A_316 = arith.constant 0 : i32
      %parallel_loop3A_317 = arith.constant 128 : i32
      %parallel_loop3A_318 = arith.constant 1 : i32
      %parallel_loop3A_319 = arith.constant 0 : i32
      scf.for %parallel_loop3A_616 = %parallel_loop3A_316 to %parallel_loop3A_317 step %parallel_loop3A_318  : i32 {
        %parallel_loop3A_617 = arith.constant 16 : i32
        %parallel_loop3A_618 = arith.muli %parallel_loop3A_616, %parallel_loop3A_617 : i32
        %parallel_loop3A_619 = tpu.assume_multiple %parallel_loop3A_618, 16 : i32
        %parallel_loop3A_620 = arith.constant 0 : i32
        %parallel_loop3A_621 = arith.constant 0 : i32
        %parallel_loop3A_622 = arith.constant 0 : i32
        %parallel_loop3A_623 = tpu.memref_slice %arg8[%parallel_loop3A_319, %parallel_loop3A_621, %parallel_loop3A_622] : memref<2x16x2048xf32, #tpu.memory_space<vmem>> -> memref<1x16x2048xf32, #tpu.memory_space<vmem>>
        %parallel_loop3A_624 = tpu.memref_squeeze %parallel_loop3A_623 : memref<1x16x2048xf32, #tpu.memory_space<vmem>> -> memref<16x2048xf32, #tpu.memory_space<vmem>>
        %parallel_loop3A_625 = arith.index_cast %parallel_loop3A_620 : i32 to index
        %parallel_loop3A_626 = arith.index_cast %parallel_loop3A_619 : i32 to index
        %parallel_loop3A_627 = tpu.vector_load %parallel_loop3A_624[%parallel_loop3A_625, %parallel_loop3A_626] {strides = array<i32>} : memref<16x2048xf32, #tpu.memory_space<vmem>>, vector<16xf32>,
        %parallel_loop3A_628 = arith.mulf %parallel_loop3A_627, %gather3A_270 : vector<16xf32>
        %parallel_loop3A_629 = arith.constant 1 : i32
        %parallel_loop3A_630 = arith.constant 0 : i32
        %parallel_loop3A_631 = arith.constant 0 : i32
        %parallel_loop3A_632 = tpu.memref_slice %arg8[%parallel_loop3A_319, %parallel_loop3A_630, %parallel_loop3A_631] : memref<2x16x2048xf32, #tpu.memory_space<vmem>> -> memref<1x16x2048xf32, #tpu.memory_space<vmem>>
        %parallel_loop3A_633 = tpu.memref_squeeze %parallel_loop3A_632 : memref<1x16x2048xf32, #tpu.memory_space<vmem>> -> memref<16x2048xf32, #tpu.memory_space<vmem>>
        %parallel_loop3A_634 = arith.index_cast %parallel_loop3A_629 : i32 to index
        %parallel_loop3A_635 = arith.index_cast %parallel_loop3A_619 : i32 to index
        %parallel_loop3A_636 = tpu.vector_load %parallel_loop3A_633[%parallel_loop3A_634, %parallel_loop3A_635] {strides = array<i32>} : memref<16x2048xf32, #tpu.memory_space<vmem>>, vector<16xf32>,
        %parallel_loop3A_637 = arith.mulf %parallel_loop3A_636, %gather3A_273 : vector<16xf32>
        %parallel_loop3A_638 = arith.addf %parallel_loop3A_628, %parallel_loop3A_637 : vector<16xf32>
        %parallel_loop3A_639 = arith.constant 2 : i32
        %parallel_loop3A_640 = arith.constant 0 : i32
        %parallel_loop3A_641 = arith.constant 0 : i32
        %parallel_loop3A_642 = tpu.memref_slice %arg8[%parallel_loop3A_319, %parallel_loop3A_640, %parallel_loop3A_641] : memref<2x16x2048xf32, #tpu.memory_space<vmem>> -> memref<1x16x2048xf32, #tpu.memory_space<vmem>>
        %parallel_loop3A_643 = tpu.memref_squeeze %parallel_loop3A_642 : memref<1x16x2048xf32, #tpu.memory_space<vmem>> -> memref<16x2048xf32, #tpu.memory_space<vmem>>
        %parallel_loop3A_644 = arith.index_cast %parallel_loop3A_639 : i32 to index
        %parallel_loop3A_645 = arith.index_cast %parallel_loop3A_619 : i32 to index
        %parallel_loop3A_646 = tpu.vector_load %parallel_loop3A_643[%parallel_loop3A_644, %parallel_loop3A_645] {strides = array<i32>} : memref<16x2048xf32, #tpu.memory_space<vmem>>, vector<16xf32>,
        %parallel_loop3A_647 = arith.mulf %parallel_loop3A_646, %gather3A_276 : vector<16xf32>
        %parallel_loop3A_648 = arith.addf %parallel_loop3A_638, %parallel_loop3A_647 : vector<16xf32>
        %parallel_loop3A_649 = arith.constant 3 : i32
        %parallel_loop3A_650 = arith.constant 0 : i32
        %parallel_loop3A_651 = arith.constant 0 : i32
        %parallel_loop3A_652 = tpu.memref_slice %arg8[%parallel_loop3A_319, %parallel_loop3A_650, %parallel_loop3A_651] : memref<2x16x2048xf32, #tpu.memory_space<vmem>> -> memref<1x16x2048xf32, #tpu.memory_space<vmem>>
        %parallel_loop3A_653 = tpu.memref_squeeze %parallel_loop3A_652 : memref<1x16x2048xf32, #tpu.memory_space<vmem>> -> memref<16x2048xf32, #tpu.memory_space<vmem>>
        %parallel_loop3A_654 = arith.index_cast %parallel_loop3A_649 : i32 to index
        %parallel_loop3A_655 = arith.index_cast %parallel_loop3A_619 : i32 to index
        %parallel_loop3A_656 = tpu.vector_load %parallel_loop3A_653[%parallel_loop3A_654, %parallel_loop3A_655] {strides = array<i32>} : memref<16x2048xf32, #tpu.memory_space<vmem>>, vector<16xf32>,
        %parallel_loop3A_657 = arith.mulf %parallel_loop3A_656, %gather3A_279 : vector<16xf32>
        %parallel_loop3A_658 = arith.addf %parallel_loop3A_648, %parallel_loop3A_657 : vector<16xf32>
        %parallel_loop3A_659 = arith.constant 4 : i32
        %parallel_loop3A_660 = arith.constant 0 : i32
        %parallel_loop3A_661 = arith.constant 0 : i32
        %parallel_loop3A_662 = tpu.memref_slice %arg8[%parallel_loop3A_319, %parallel_loop3A_660, %parallel_loop3A_661] : memref<2x16x2048xf32, #tpu.memory_space<vmem>> -> memref<1x16x2048xf32, #tpu.memory_space<vmem>>
        %parallel_loop3A_663 = tpu.memref_squeeze %parallel_loop3A_662 : memref<1x16x2048xf32, #tpu.memory_space<vmem>> -> memref<16x2048xf32, #tpu.memory_space<vmem>>
        %parallel_loop3A_664 = arith.index_cast %parallel_loop3A_659 : i32 to index
        %parallel_loop3A_665 = arith.index_cast %parallel_loop3A_619 : i32 to index
        %parallel_loop3A_666 = tpu.vector_load %parallel_loop3A_663[%parallel_loop3A_664, %parallel_loop3A_665] {strides = array<i32>} : memref<16x2048xf32, #tpu.memory_space<vmem>>, vector<16xf32>,
        %parallel_loop3A_667 = arith.mulf %parallel_loop3A_666, %gather3A_282 : vector<16xf32>
        %parallel_loop3A_668 = arith.addf %parallel_loop3A_658, %parallel_loop3A_667 : vector<16xf32>
        %parallel_loop3A_669 = arith.constant 5 : i32
        %parallel_loop3A_670 = arith.constant 0 : i32
        %parallel_loop3A_671 = arith.constant 0 : i32
        %parallel_loop3A_672 = tpu.memref_slice %arg8[%parallel_loop3A_319, %parallel_loop3A_670, %parallel_loop3A_671] : memref<2x16x2048xf32, #tpu.memory_space<vmem>> -> memref<1x16x2048xf32, #tpu.memory_space<vmem>>
        %parallel_loop3A_673 = tpu.memref_squeeze %parallel_loop3A_672 : memref<1x16x2048xf32, #tpu.memory_space<vmem>> -> memref<16x2048xf32, #tpu.memory_space<vmem>>
        %parallel_loop3A_674 = arith.index_cast %parallel_loop3A_669 : i32 to index
        %parallel_loop3A_675 = arith.index_cast %parallel_loop3A_619 : i32 to index
        %parallel_loop3A_676 = tpu.vector_load %parallel_loop3A_673[%parallel_loop3A_674, %parallel_loop3A_675] {strides = array<i32>} : memref<16x2048xf32, #tpu.memory_space<vmem>>, vector<16xf32>,
        %parallel_loop3A_677 = arith.mulf %parallel_loop3A_676, %gather3A_285 : vector<16xf32>
        %parallel_loop3A_678 = arith.addf %parallel_loop3A_668, %parallel_loop3A_677 : vector<16xf32>
        %parallel_loop3A_679 = arith.constant 6 : i32
        %parallel_loop3A_680 = arith.constant 0 : i32
        %parallel_loop3A_681 = arith.constant 0 : i32
        %parallel_loop3A_682 = tpu.memref_slice %arg8[%parallel_loop3A_319, %parallel_loop3A_680, %parallel_loop3A_681] : memref<2x16x2048xf32, #tpu.memory_space<vmem>> -> memref<1x16x2048xf32, #tpu.memory_space<vmem>>
        %parallel_loop3A_683 = tpu.memref_squeeze %parallel_loop3A_682 : memref<1x16x2048xf32, #tpu.memory_space<vmem>> -> memref<16x2048xf32, #tpu.memory_space<vmem>>
        %parallel_loop3A_684 = arith.index_cast %parallel_loop3A_679 : i32 to index
        %parallel_loop3A_685 = arith.index_cast %parallel_loop3A_619 : i32 to index
        %parallel_loop3A_686 = tpu.vector_load %parallel_loop3A_683[%parallel_loop3A_684, %parallel_loop3A_685] {strides = array<i32>} : memref<16x2048xf32, #tpu.memory_space<vmem>>, vector<16xf32>,
        %parallel_loop3A_687 = arith.mulf %parallel_loop3A_686, %gather3A_288 : vector<16xf32>
        %parallel_loop3A_688 = arith.addf %parallel_loop3A_678, %parallel_loop3A_687 : vector<16xf32>
        %parallel_loop3A_689 = arith.constant 7 : i32
        %parallel_loop3A_690 = arith.constant 0 : i32
        %parallel_loop3A_691 = arith.constant 0 : i32
        %parallel_loop3A_692 = tpu.memref_slice %arg8[%parallel_loop3A_319, %parallel_loop3A_690, %parallel_loop3A_691] : memref<2x16x2048xf32, #tpu.memory_space<vmem>> -> memref<1x16x2048xf32, #tpu.memory_space<vmem>>
        %parallel_loop3A_693 = tpu.memref_squeeze %parallel_loop3A_692 : memref<1x16x2048xf32, #tpu.memory_space<vmem>> -> memref<16x2048xf32, #tpu.memory_space<vmem>>
        %parallel_loop3A_694 = arith.index_cast %parallel_loop3A_689 : i32 to index
        %parallel_loop3A_695 = arith.index_cast %parallel_loop3A_619 : i32 to index
        %parallel_loop3A_696 = tpu.vector_load %parallel_loop3A_693[%parallel_loop3A_694, %parallel_loop3A_695] {strides = array<i32>} : memref<16x2048xf32, #tpu.memory_space<vmem>>, vector<16xf32>,
        %parallel_loop3A_697 = arith.mulf %parallel_loop3A_696, %gather3A_291 : vector<16xf32>
        %parallel_loop3A_698 = arith.addf %parallel_loop3A_688, %parallel_loop3A_697 : vector<16xf32>
        %parallel_loop3A_699 = arith.constant 8 : i32
        %parallel_loop3A_700 = arith.constant 0 : i32
        %parallel_loop3A_701 = arith.constant 0 : i32
        %parallel_loop3A_702 = tpu.memref_slice %arg8[%parallel_loop3A_319, %parallel_loop3A_700, %parallel_loop3A_701] : memref<2x16x2048xf32, #tpu.memory_space<vmem>> -> memref<1x16x2048xf32, #tpu.memory_space<vmem>>
        %parallel_loop3A_703 = tpu.memref_squeeze %parallel_loop3A_702 : memref<1x16x2048xf32, #tpu.memory_space<vmem>> -> memref<16x2048xf32, #tpu.memory_space<vmem>>
        %parallel_loop3A_704 = arith.index_cast %parallel_loop3A_699 : i32 to index
        %parallel_loop3A_705 = arith.index_cast %parallel_loop3A_619 : i32 to index
        %parallel_loop3A_706 = tpu.vector_load %parallel_loop3A_703[%parallel_loop3A_704, %parallel_loop3A_705] {strides = array<i32>} : memref<16x2048xf32, #tpu.memory_space<vmem>>, vector<16xf32>,
        %parallel_loop3A_707 = arith.mulf %parallel_loop3A_706, %gather3A_294 : vector<16xf32>
        %parallel_loop3A_708 = arith.addf %parallel_loop3A_698, %parallel_loop3A_707 : vector<16xf32>
        %parallel_loop3A_709 = arith.constant 9 : i32
        %parallel_loop3A_710 = arith.constant 0 : i32
        %parallel_loop3A_711 = arith.constant 0 : i32
        %parallel_loop3A_712 = tpu.memref_slice %arg8[%parallel_loop3A_319, %parallel_loop3A_710, %parallel_loop3A_711] : memref<2x16x2048xf32, #tpu.memory_space<vmem>> -> memref<1x16x2048xf32, #tpu.memory_space<vmem>>
        %parallel_loop3A_713 = tpu.memref_squeeze %parallel_loop3A_712 : memref<1x16x2048xf32, #tpu.memory_space<vmem>> -> memref<16x2048xf32, #tpu.memory_space<vmem>>
        %parallel_loop3A_714 = arith.index_cast %parallel_loop3A_709 : i32 to index
        %parallel_loop3A_715 = arith.index_cast %parallel_loop3A_619 : i32 to index
        %parallel_loop3A_716 = tpu.vector_load %parallel_loop3A_713[%parallel_loop3A_714, %parallel_loop3A_715] {strides = array<i32>} : memref<16x2048xf32, #tpu.memory_space<vmem>>, vector<16xf32>,
        %parallel_loop3A_717 = arith.mulf %parallel_loop3A_716, %gather3A_297 : vector<16xf32>
        %parallel_loop3A_718 = arith.addf %parallel_loop3A_708, %parallel_loop3A_717 : vector<16xf32>
        %parallel_loop3A_719 = arith.constant 10 : i32
        %parallel_loop3A_720 = arith.constant 0 : i32
        %parallel_loop3A_721 = arith.constant 0 : i32
        %parallel_loop3A_722 = tpu.memref_slice %arg8[%parallel_loop3A_319, %parallel_loop3A_720, %parallel_loop3A_721] : memref<2x16x2048xf32, #tpu.memory_space<vmem>> -> memref<1x16x2048xf32, #tpu.memory_space<vmem>>
        %parallel_loop3A_723 = tpu.memref_squeeze %parallel_loop3A_722 : memref<1x16x2048xf32, #tpu.memory_space<vmem>> -> memref<16x2048xf32, #tpu.memory_space<vmem>>
        %parallel_loop3A_724 = arith.index_cast %parallel_loop3A_719 : i32 to index
        %parallel_loop3A_725 = arith.index_cast %parallel_loop3A_619 : i32 to index
        %parallel_loop3A_726 = tpu.vector_load %parallel_loop3A_723[%parallel_loop3A_724, %parallel_loop3A_725] {strides = array<i32>} : memref<16x2048xf32, #tpu.memory_space<vmem>>, vector<16xf32>,
        %parallel_loop3A_727 = arith.mulf %parallel_loop3A_726, %gather3A_300 : vector<16xf32>
        %parallel_loop3A_728 = arith.addf %parallel_loop3A_718, %parallel_loop3A_727 : vector<16xf32>
        %parallel_loop3A_729 = arith.constant 11 : i32
        %parallel_loop3A_730 = arith.constant 0 : i32
        %parallel_loop3A_731 = arith.constant 0 : i32
        %parallel_loop3A_732 = tpu.memref_slice %arg8[%parallel_loop3A_319, %parallel_loop3A_730, %parallel_loop3A_731] : memref<2x16x2048xf32, #tpu.memory_space<vmem>> -> memref<1x16x2048xf32, #tpu.memory_space<vmem>>
        %parallel_loop3A_733 = tpu.memref_squeeze %parallel_loop3A_732 : memref<1x16x2048xf32, #tpu.memory_space<vmem>> -> memref<16x2048xf32, #tpu.memory_space<vmem>>
        %parallel_loop3A_734 = arith.index_cast %parallel_loop3A_729 : i32 to index
        %parallel_loop3A_735 = arith.index_cast %parallel_loop3A_619 : i32 to index
        %parallel_loop3A_736 = tpu.vector_load %parallel_loop3A_733[%parallel_loop3A_734, %parallel_loop3A_735] {strides = array<i32>} : memref<16x2048xf32, #tpu.memory_space<vmem>>, vector<16xf32>,
        %parallel_loop3A_737 = arith.mulf %parallel_loop3A_736, %gather3A_303 : vector<16xf32>
        %parallel_loop3A_738 = arith.addf %parallel_loop3A_728, %parallel_loop3A_737 : vector<16xf32>
        %parallel_loop3A_739 = arith.constant 12 : i32
        %parallel_loop3A_740 = arith.constant 0 : i32
        %parallel_loop3A_741 = arith.constant 0 : i32
        %parallel_loop3A_742 = tpu.memref_slice %arg8[%parallel_loop3A_319, %parallel_loop3A_740, %parallel_loop3A_741] : memref<2x16x2048xf32, #tpu.memory_space<vmem>> -> memref<1x16x2048xf32, #tpu.memory_space<vmem>>
        %parallel_loop3A_743 = tpu.memref_squeeze %parallel_loop3A_742 : memref<1x16x2048xf32, #tpu.memory_space<vmem>> -> memref<16x2048xf32, #tpu.memory_space<vmem>>
        %parallel_loop3A_744 = arith.index_cast %parallel_loop3A_739 : i32 to index
        %parallel_loop3A_745 = arith.index_cast %parallel_loop3A_619 : i32 to index
        %parallel_loop3A_746 = tpu.vector_load %parallel_loop3A_743[%parallel_loop3A_744, %parallel_loop3A_745] {strides = array<i32>} : memref<16x2048xf32, #tpu.memory_space<vmem>>, vector<16xf32>,
        %parallel_loop3A_747 = arith.mulf %parallel_loop3A_746, %gather3A_306 : vector<16xf32>
        %parallel_loop3A_748 = arith.addf %parallel_loop3A_738, %parallel_loop3A_747 : vector<16xf32>
        %parallel_loop3A_749 = arith.constant 13 : i32
        %parallel_loop3A_750 = arith.constant 0 : i32
        %parallel_loop3A_751 = arith.constant 0 : i32
        %parallel_loop3A_752 = tpu.memref_slice %arg8[%parallel_loop3A_319, %parallel_loop3A_750, %parallel_loop3A_751] : memref<2x16x2048xf32, #tpu.memory_space<vmem>> -> memref<1x16x2048xf32, #tpu.memory_space<vmem>>
        %parallel_loop3A_753 = tpu.memref_squeeze %parallel_loop3A_752 : memref<1x16x2048xf32, #tpu.memory_space<vmem>> -> memref<16x2048xf32, #tpu.memory_space<vmem>>
        %parallel_loop3A_754 = arith.index_cast %parallel_loop3A_749 : i32 to index
        %parallel_loop3A_755 = arith.index_cast %parallel_loop3A_619 : i32 to index
        %parallel_loop3A_756 = tpu.vector_load %parallel_loop3A_753[%parallel_loop3A_754, %parallel_loop3A_755] {strides = array<i32>} : memref<16x2048xf32, #tpu.memory_space<vmem>>, vector<16xf32>,
        %parallel_loop3A_757 = arith.mulf %parallel_loop3A_756, %gather3A_309 : vector<16xf32>
        %parallel_loop3A_758 = arith.addf %parallel_loop3A_748, %parallel_loop3A_757 : vector<16xf32>
        %parallel_loop3A_759 = arith.constant 14 : i32
        %parallel_loop3A_760 = arith.constant 0 : i32
        %parallel_loop3A_761 = arith.constant 0 : i32
        %parallel_loop3A_762 = tpu.memref_slice %arg8[%parallel_loop3A_319, %parallel_loop3A_760, %parallel_loop3A_761] : memref<2x16x2048xf32, #tpu.memory_space<vmem>> -> memref<1x16x2048xf32, #tpu.memory_space<vmem>>
        %parallel_loop3A_763 = tpu.memref_squeeze %parallel_loop3A_762 : memref<1x16x2048xf32, #tpu.memory_space<vmem>> -> memref<16x2048xf32, #tpu.memory_space<vmem>>
        %parallel_loop3A_764 = arith.index_cast %parallel_loop3A_759 : i32 to index
        %parallel_loop3A_765 = arith.index_cast %parallel_loop3A_619 : i32 to index
        %parallel_loop3A_766 = tpu.vector_load %parallel_loop3A_763[%parallel_loop3A_764, %parallel_loop3A_765] {strides = array<i32>} : memref<16x2048xf32, #tpu.memory_space<vmem>>, vector<16xf32>,
        %parallel_loop3A_767 = arith.mulf %parallel_loop3A_766, %gather3A_312 : vector<16xf32>
        %parallel_loop3A_768 = arith.addf %parallel_loop3A_758, %parallel_loop3A_767 : vector<16xf32>
        %parallel_loop3A_769 = arith.constant 15 : i32
        %parallel_loop3A_770 = arith.constant 0 : i32
        %parallel_loop3A_771 = arith.constant 0 : i32
        %parallel_loop3A_772 = tpu.memref_slice %arg8[%parallel_loop3A_319, %parallel_loop3A_770, %parallel_loop3A_771] : memref<2x16x2048xf32, #tpu.memory_space<vmem>> -> memref<1x16x2048xf32, #tpu.memory_space<vmem>>
        %parallel_loop3A_773 = tpu.memref_squeeze %parallel_loop3A_772 : memref<1x16x2048xf32, #tpu.memory_space<vmem>> -> memref<16x2048xf32, #tpu.memory_space<vmem>>
        %parallel_loop3A_774 = arith.index_cast %parallel_loop3A_769 : i32 to index
        %parallel_loop3A_775 = arith.index_cast %parallel_loop3A_619 : i32 to index
        %parallel_loop3A_776 = tpu.vector_load %parallel_loop3A_773[%parallel_loop3A_774, %parallel_loop3A_775] {strides = array<i32>} : memref<16x2048xf32, #tpu.memory_space<vmem>>, vector<16xf32>,
        %parallel_loop3A_777 = arith.mulf %parallel_loop3A_776, %gather3A_315 : vector<16xf32>
        %parallel_loop3A_778 = arith.addf %parallel_loop3A_768, %parallel_loop3A_777 : vector<16xf32>
        %parallel_loop3A_779 = arith.index_cast %mul3A_26 : i32 to index
        %parallel_loop3A_780 = arith.index_cast %parallel_loop3A_619 : i32 to index
        %parallel_loop3A_781 = tpu.vector_load %arg12[%parallel_loop3A_779, %parallel_loop3A_780] {strides = array<i32>} : memref<16x2048xf32, #tpu.memory_space<vmem>>, vector<16xf32>,
        tpu.vector_store %arg12[%parallel_loop3A_779, %parallel_loop3A_780], %parallel_loop3A_778 {strides = array<i32>} : memref<16x2048xf32, #tpu.memory_space<vmem>>, vector<16xf32>,
      } {sc.loop_unroll_factor = 2 : i64, sc.parallel_access}
      %lt3A = arith.constant 7 : i32
      %lt3A_320 = arith.cmpi slt, %scan3A_24, %lt3A : i32
      %convert_element_type3A = arith.extui %lt3A_320 : i1 to i32
      %cond3A = arith.constant 0 : i32
      %cond3A_321 = arith.cmpi ne, %convert_element_type3A, %cond3A : i32
      scf.if %cond3A_321 {
        %add3A_616 = arith.constant 2 : i32
        %add3A_617 = arith.addi %mul3A_26, %add3A_616 : i32
        %mul3A_618 = arith.constant 16 : i32
        %mul3A_619 = arith.muli %add3A_617, %mul3A_618 : i32
        %dma_start3A_620 = arith.constant 0 : i32
        %dma_start3A_621 = arith.constant 0 : i32
        %dma_start3A_622 = arith.constant 0 : i32
        %dma_start3A_623 = tpu.memref_slice %arg8[%dma_start3A_620, %dma_start3A_621, %dma_start3A_622] : memref<2x16x2048xf32, #tpu.memory_space<vmem>> -> memref<1x16x2048xf32, #tpu.memory_space<vmem>>
        %dma_start3A_624 = tpu.memref_squeeze %dma_start3A_623 : memref<1x16x2048xf32, #tpu.memory_space<vmem>> -> memref<16x2048xf32, #tpu.memory_space<vmem>>
        %dma_start3A_625 = tpu.memref_slice %arg7[%mul3A_619] : memref<256xi32, #tpu.memory_space<vmem>> -> memref<16xi32, #tpu.memory_space<vmem>>
        %dma_start3A_626 = arith.constant 0 : i32
        %dma_start3A_627 = arith.constant 0 : i32
        %dma_start3A_628 = tpu.memref_slice %arg2[%dma_start3A_626, %dma_start3A_627] : memref<8192x2048xf32, #tpu.memory_space<hbm>> -> memref<8192x2048xf32, #tpu.memory_space<hbm>>
        tpu.enqueue_indirect_dma source(%dma_start3A_628 : memref<8192x2048xf32, #tpu.memory_space<hbm>>) target(%dma_start3A_624 : memref<16x2048xf32, #tpu.memory_space<vmem>>) offsets(%dma_start3A_625 : memref<16xi32, #tpu.memory_space<vmem>>) semaphore(%arg13 : memref<!tpu.dma_semaphore, #tpu.memory_space<semaphore_mem>>)
      } else {
      }
      %add3A_322 = arith.constant 1 : i32
      %add3A_323 = arith.addi %mul3A_26, %add3A_322 : i32
      %mul3A_324 = arith.constant 16 : i32
      %mul3A_325 = arith.muli %add3A_323, %mul3A_324 : i32
      %dma_wait3A_326 = arith.constant 1 : i32
      %dma_wait3A_327 = arith.constant 0 : i32
      %dma_wait3A_328 = arith.constant 0 : i32
      %dma_wait3A_329 = tpu.memref_slice %arg8[%dma_wait3A_326, %dma_wait3A_327, %dma_wait3A_328] : memref<2x16x2048xf32, #tpu.memory_space<vmem>> -> memref<1x16x2048xf32, #tpu.memory_space<vmem>>
      %dma_wait3A_330 = tpu.memref_squeeze %dma_wait3A_329 : memref<1x16x2048xf32, #tpu.memory_space<vmem>> -> memref<16x2048xf32, #tpu.memory_space<vmem>>
      %dma_wait3A_331 = tpu.memref_slice %arg7[%mul3A_325] : memref<256xi32, #tpu.memory_space<vmem>> -> memref<16xi32, #tpu.memory_space<vmem>>
      %dma_wait3A_332 = arith.constant 0 : i32
      %dma_wait3A_333 = arith.constant 0 : i32
      %dma_wait3A_334 = tpu.memref_slice %arg2[%dma_wait3A_332, %dma_wait3A_333] : memref<8192x2048xf32, #tpu.memory_space<hbm>> -> memref<8192x2048xf32, #tpu.memory_space<hbm>>
      tpu.wait_indirect_dma semaphore(%arg14 : memref<!tpu.dma_semaphore, #tpu.memory_space<semaphore_mem>>) src(%dma_wait3A_334 : memref<8192x2048xf32, #tpu.memory_space<hbm>>) dst(%dma_wait3A_330 : memref<16x2048xf32, #tpu.memory_space<vmem>>)
      %mul3A_335 = arith.constant 16 : i32
      %mul3A_336 = arith.muli %add3A_323, %mul3A_335 : i32
      %get3A_337 = arith.index_cast %mul3A_336 : i32 to index
      %get3A_338 = tpu.vector_load %arg6[%get3A_337] {strides = array<i32>} : memref<256xi32, #tpu.memory_space<vmem>>, vector<16xi32>,
      %eq3A_339 = arith.constant -1 : i32
      %eq3A_340 = vector.broadcast %eq3A_339 : i32 to vector<16xi32>
      %eq3A_341 = arith.cmpi eq, %get3A_338, %eq3A_340 : vector<16xi32>
      %broadcast_in_dim3A_342 = arith.constant 0.000000e+00 : f32
      %broadcast_in_dim3A_343 = vector.broadcast %broadcast_in_dim3A_342 : f32 to vector<16xf32>
      %broadcast_in_dim3A_344 = arith.constant 0.000000e+00 : f32
      %broadcast_in_dim3A_345 = vector.broadcast %broadcast_in_dim3A_344 : f32 to vector<16xf32>
      %broadcast_in_dim3A_346 = arith.constant 0.000000e+00 : f32
      %broadcast_in_dim3A_347 = vector.broadcast %broadcast_in_dim3A_346 : f32 to vector<16xf32>
      %broadcast_in_dim3A_348 = arith.constant 0.000000e+00 : f32
      %broadcast_in_dim3A_349 = vector.broadcast %broadcast_in_dim3A_348 : f32 to vector<16xf32>
      %broadcast_in_dim3A_350 = arith.constant 0.000000e+00 : f32
      %broadcast_in_dim3A_351 = vector.broadcast %broadcast_in_dim3A_350 : f32 to vector<16xf32>
      %broadcast_in_dim3A_352 = arith.constant 0.000000e+00 : f32
      %broadcast_in_dim3A_353 = vector.broadcast %broadcast_in_dim3A_352 : f32 to vector<16xf32>
      %broadcast_in_dim3A_354 = arith.constant 0.000000e+00 : f32
      %broadcast_in_dim3A_355 = vector.broadcast %broadcast_in_dim3A_354 : f32 to vector<16xf32>
      %broadcast_in_dim3A_356 = arith.constant 0.000000e+00 : f32
      %broadcast_in_dim3A_357 = vector.broadcast %broadcast_in_dim3A_356 : f32 to vector<16xf32>
      %broadcast_in_dim3A_358 = arith.constant 0.000000e+00 : f32
      %broadcast_in_dim3A_359 = vector.broadcast %broadcast_in_dim3A_358 : f32 to vector<16xf32>
      %broadcast_in_dim3A_360 = arith.constant 0.000000e+00 : f32
      %broadcast_in_dim3A_361 = vector.broadcast %broadcast_in_dim3A_360 : f32 to vector<16xf32>
      %broadcast_in_dim3A_362 = arith.constant 0.000000e+00 : f32
      %broadcast_in_dim3A_363 = vector.broadcast %broadcast_in_dim3A_362 : f32 to vector<16xf32>
      %broadcast_in_dim3A_364 = arith.constant 0.000000e+00 : f32
      %broadcast_in_dim3A_365 = vector.broadcast %broadcast_in_dim3A_364 : f32 to vector<16xf32>
      %broadcast_in_dim3A_366 = arith.constant 0.000000e+00 : f32
      %broadcast_in_dim3A_367 = vector.broadcast %broadcast_in_dim3A_366 : f32 to vector<16xf32>
      %broadcast_in_dim3A_368 = arith.constant 0.000000e+00 : f32
      %broadcast_in_dim3A_369 = vector.broadcast %broadcast_in_dim3A_368 : f32 to vector<16xf32>
      %broadcast_in_dim3A_370 = arith.constant 0.000000e+00 : f32
      %broadcast_in_dim3A_371 = vector.broadcast %broadcast_in_dim3A_370 : f32 to vector<16xf32>
      %broadcast_in_dim3A_372 = arith.constant 0.000000e+00 : f32
      %broadcast_in_dim3A_373 = vector.broadcast %broadcast_in_dim3A_372 : f32 to vector<16xf32>
      %parallel_loop3A_374 = arith.constant 0 : i32
      %parallel_loop3A_375 = arith.constant 128 : i32
      %parallel_loop3A_376 = arith.constant 1 : i32
      %parallel_loop3A_377 = arith.constant 1 : i32
      %parallel_loop3A_378:16 = scf.for %parallel_loop3A_616 = %parallel_loop3A_374 to %parallel_loop3A_375 step %parallel_loop3A_376 iter_args(%parallel_loop3A_617 = %broadcast_in_dim3A_343, %parallel_loop3A_618 = %broadcast_in_dim3A_345, %parallel_loop3A_619 = %broadcast_in_dim3A_347, %parallel_loop3A_620 = %broadcast_in_dim3A_349, %parallel_loop3A_621 = %broadcast_in_dim3A_351, %parallel_loop3A_622 = %broadcast_in_dim3A_353, %parallel_loop3A_623 = %broadcast_in_dim3A_355, %parallel_loop3A_624 = %broadcast_in_dim3A_357, %parallel_loop3A_625 = %broadcast_in_dim3A_359, %parallel_loop3A_626 = %broadcast_in_dim3A_361, %parallel_loop3A_627 = %broadcast_in_dim3A_363, %parallel_loop3A_628 = %broadcast_in_dim3A_365, %parallel_loop3A_629 = %broadcast_in_dim3A_367, %parallel_loop3A_630 = %broadcast_in_dim3A_369, %parallel_loop3A_631 = %broadcast_in_dim3A_371, %parallel_loop3A_632 = %broadcast_in_dim3A_373) -> (vector<16xf32>, vector<16xf32>, vector<16xf32>, vector<16xf32>, vector<16xf32>, vector<16xf32>, vector<16xf32>, vector<16xf32>, vector<16xf32>, vector<16xf32>, vector<16xf32>, vector<16xf32>, vector<16xf32>, vector<16xf32>, vector<16xf32>, vector<16xf32>)  : i32 {
        %parallel_loop3A_633 = arith.constant 16 : i32
        %parallel_loop3A_634 = arith.muli %parallel_loop3A_616, %parallel_loop3A_633 : i32
        %parallel_loop3A_635 = tpu.assume_multiple %parallel_loop3A_634, 16 : i32
        %parallel_loop3A_636 = arith.index_cast %parallel_loop3A_635 : i32 to index
        %parallel_loop3A_637 = tpu.vector_load %arg9[%parallel_loop3A_636] {strides = array<i32>} : memref<2048xf32, #tpu.memory_space<vmem>>, vector<16xf32>,
        %parallel_loop3A_638 = arith.constant 0 : i32
        %parallel_loop3A_639 = arith.constant 0 : i32
        %parallel_loop3A_640 = arith.constant 0 : i32
        %parallel_loop3A_641 = tpu.memref_slice %arg8[%parallel_loop3A_377, %parallel_loop3A_639, %parallel_loop3A_640] : memref<2x16x2048xf32, #tpu.memory_space<vmem>> -> memref<1x16x2048xf32, #tpu.memory_space<vmem>>
        %parallel_loop3A_642 = tpu.memref_squeeze %parallel_loop3A_641 : memref<1x16x2048xf32, #tpu.memory_space<vmem>> -> memref<16x2048xf32, #tpu.memory_space<vmem>>
        %parallel_loop3A_643 = arith.index_cast %parallel_loop3A_638 : i32 to index
        %parallel_loop3A_644 = arith.index_cast %parallel_loop3A_635 : i32 to index
        %parallel_loop3A_645 = tpu.vector_load %parallel_loop3A_642[%parallel_loop3A_643, %parallel_loop3A_644] {strides = array<i32>} : memref<16x2048xf32, #tpu.memory_space<vmem>>, vector<16xf32>,
        %parallel_loop3A_646 = arith.mulf %parallel_loop3A_645, %parallel_loop3A_637 : vector<16xf32>
        %parallel_loop3A_647 = arith.addf %parallel_loop3A_617, %parallel_loop3A_646 : vector<16xf32>
        %parallel_loop3A_648 = arith.constant 1 : i32
        %parallel_loop3A_649 = arith.constant 0 : i32
        %parallel_loop3A_650 = arith.constant 0 : i32
        %parallel_loop3A_651 = tpu.memref_slice %arg8[%parallel_loop3A_377, %parallel_loop3A_649, %parallel_loop3A_650] : memref<2x16x2048xf32, #tpu.memory_space<vmem>> -> memref<1x16x2048xf32, #tpu.memory_space<vmem>>
        %parallel_loop3A_652 = tpu.memref_squeeze %parallel_loop3A_651 : memref<1x16x2048xf32, #tpu.memory_space<vmem>> -> memref<16x2048xf32, #tpu.memory_space<vmem>>
        %parallel_loop3A_653 = arith.index_cast %parallel_loop3A_648 : i32 to index
        %parallel_loop3A_654 = arith.index_cast %parallel_loop3A_635 : i32 to index
        %parallel_loop3A_655 = tpu.vector_load %parallel_loop3A_652[%parallel_loop3A_653, %parallel_loop3A_654] {strides = array<i32>} : memref<16x2048xf32, #tpu.memory_space<vmem>>, vector<16xf32>,
        %parallel_loop3A_656 = arith.mulf %parallel_loop3A_655, %parallel_loop3A_637 : vector<16xf32>
        %parallel_loop3A_657 = arith.addf %parallel_loop3A_618, %parallel_loop3A_656 : vector<16xf32>
        %parallel_loop3A_658 = arith.constant 2 : i32
        %parallel_loop3A_659 = arith.constant 0 : i32
        %parallel_loop3A_660 = arith.constant 0 : i32
        %parallel_loop3A_661 = tpu.memref_slice %arg8[%parallel_loop3A_377, %parallel_loop3A_659, %parallel_loop3A_660] : memref<2x16x2048xf32, #tpu.memory_space<vmem>> -> memref<1x16x2048xf32, #tpu.memory_space<vmem>>
        %parallel_loop3A_662 = tpu.memref_squeeze %parallel_loop3A_661 : memref<1x16x2048xf32, #tpu.memory_space<vmem>> -> memref<16x2048xf32, #tpu.memory_space<vmem>>
        %parallel_loop3A_663 = arith.index_cast %parallel_loop3A_658 : i32 to index
        %parallel_loop3A_664 = arith.index_cast %parallel_loop3A_635 : i32 to index
        %parallel_loop3A_665 = tpu.vector_load %parallel_loop3A_662[%parallel_loop3A_663, %parallel_loop3A_664] {strides = array<i32>} : memref<16x2048xf32, #tpu.memory_space<vmem>>, vector<16xf32>,
        %parallel_loop3A_666 = arith.mulf %parallel_loop3A_665, %parallel_loop3A_637 : vector<16xf32>
        %parallel_loop3A_667 = arith.addf %parallel_loop3A_619, %parallel_loop3A_666 : vector<16xf32>
        %parallel_loop3A_668 = arith.constant 3 : i32
        %parallel_loop3A_669 = arith.constant 0 : i32
        %parallel_loop3A_670 = arith.constant 0 : i32
        %parallel_loop3A_671 = tpu.memref_slice %arg8[%parallel_loop3A_377, %parallel_loop3A_669, %parallel_loop3A_670] : memref<2x16x2048xf32, #tpu.memory_space<vmem>> -> memref<1x16x2048xf32, #tpu.memory_space<vmem>>
        %parallel_loop3A_672 = tpu.memref_squeeze %parallel_loop3A_671 : memref<1x16x2048xf32, #tpu.memory_space<vmem>> -> memref<16x2048xf32, #tpu.memory_space<vmem>>
        %parallel_loop3A_673 = arith.index_cast %parallel_loop3A_668 : i32 to index
        %parallel_loop3A_674 = arith.index_cast %parallel_loop3A_635 : i32 to index
        %parallel_loop3A_675 = tpu.vector_load %parallel_loop3A_672[%parallel_loop3A_673, %parallel_loop3A_674] {strides = array<i32>} : memref<16x2048xf32, #tpu.memory_space<vmem>>, vector<16xf32>,
        %parallel_loop3A_676 = arith.mulf %parallel_loop3A_675, %parallel_loop3A_637 : vector<16xf32>
        %parallel_loop3A_677 = arith.addf %parallel_loop3A_620, %parallel_loop3A_676 : vector<16xf32>
        %parallel_loop3A_678 = arith.constant 4 : i32
        %parallel_loop3A_679 = arith.constant 0 : i32
        %parallel_loop3A_680 = arith.constant 0 : i32
        %parallel_loop3A_681 = tpu.memref_slice %arg8[%parallel_loop3A_377, %parallel_loop3A_679, %parallel_loop3A_680] : memref<2x16x2048xf32, #tpu.memory_space<vmem>> -> memref<1x16x2048xf32, #tpu.memory_space<vmem>>
        %parallel_loop3A_682 = tpu.memref_squeeze %parallel_loop3A_681 : memref<1x16x2048xf32, #tpu.memory_space<vmem>> -> memref<16x2048xf32, #tpu.memory_space<vmem>>
        %parallel_loop3A_683 = arith.index_cast %parallel_loop3A_678 : i32 to index
        %parallel_loop3A_684 = arith.index_cast %parallel_loop3A_635 : i32 to index
        %parallel_loop3A_685 = tpu.vector_load %parallel_loop3A_682[%parallel_loop3A_683, %parallel_loop3A_684] {strides = array<i32>} : memref<16x2048xf32, #tpu.memory_space<vmem>>, vector<16xf32>,
        %parallel_loop3A_686 = arith.mulf %parallel_loop3A_685, %parallel_loop3A_637 : vector<16xf32>
        %parallel_loop3A_687 = arith.addf %parallel_loop3A_621, %parallel_loop3A_686 : vector<16xf32>
        %parallel_loop3A_688 = arith.constant 5 : i32
        %parallel_loop3A_689 = arith.constant 0 : i32
        %parallel_loop3A_690 = arith.constant 0 : i32
        %parallel_loop3A_691 = tpu.memref_slice %arg8[%parallel_loop3A_377, %parallel_loop3A_689, %parallel_loop3A_690] : memref<2x16x2048xf32, #tpu.memory_space<vmem>> -> memref<1x16x2048xf32, #tpu.memory_space<vmem>>
        %parallel_loop3A_692 = tpu.memref_squeeze %parallel_loop3A_691 : memref<1x16x2048xf32, #tpu.memory_space<vmem>> -> memref<16x2048xf32, #tpu.memory_space<vmem>>
        %parallel_loop3A_693 = arith.index_cast %parallel_loop3A_688 : i32 to index
        %parallel_loop3A_694 = arith.index_cast %parallel_loop3A_635 : i32 to index
        %parallel_loop3A_695 = tpu.vector_load %parallel_loop3A_692[%parallel_loop3A_693, %parallel_loop3A_694] {strides = array<i32>} : memref<16x2048xf32, #tpu.memory_space<vmem>>, vector<16xf32>,
        %parallel_loop3A_696 = arith.mulf %parallel_loop3A_695, %parallel_loop3A_637 : vector<16xf32>
        %parallel_loop3A_697 = arith.addf %parallel_loop3A_622, %parallel_loop3A_696 : vector<16xf32>
        %parallel_loop3A_698 = arith.constant 6 : i32
        %parallel_loop3A_699 = arith.constant 0 : i32
        %parallel_loop3A_700 = arith.constant 0 : i32
        %parallel_loop3A_701 = tpu.memref_slice %arg8[%parallel_loop3A_377, %parallel_loop3A_699, %parallel_loop3A_700] : memref<2x16x2048xf32, #tpu.memory_space<vmem>> -> memref<1x16x2048xf32, #tpu.memory_space<vmem>>
        %parallel_loop3A_702 = tpu.memref_squeeze %parallel_loop3A_701 : memref<1x16x2048xf32, #tpu.memory_space<vmem>> -> memref<16x2048xf32, #tpu.memory_space<vmem>>
        %parallel_loop3A_703 = arith.index_cast %parallel_loop3A_698 : i32 to index
        %parallel_loop3A_704 = arith.index_cast %parallel_loop3A_635 : i32 to index
        %parallel_loop3A_705 = tpu.vector_load %parallel_loop3A_702[%parallel_loop3A_703, %parallel_loop3A_704] {strides = array<i32>} : memref<16x2048xf32, #tpu.memory_space<vmem>>, vector<16xf32>,
        %parallel_loop3A_706 = arith.mulf %parallel_loop3A_705, %parallel_loop3A_637 : vector<16xf32>
        %parallel_loop3A_707 = arith.addf %parallel_loop3A_623, %parallel_loop3A_706 : vector<16xf32>
        %parallel_loop3A_708 = arith.constant 7 : i32
        %parallel_loop3A_709 = arith.constant 0 : i32
        %parallel_loop3A_710 = arith.constant 0 : i32
        %parallel_loop3A_711 = tpu.memref_slice %arg8[%parallel_loop3A_377, %parallel_loop3A_709, %parallel_loop3A_710] : memref<2x16x2048xf32, #tpu.memory_space<vmem>> -> memref<1x16x2048xf32, #tpu.memory_space<vmem>>
        %parallel_loop3A_712 = tpu.memref_squeeze %parallel_loop3A_711 : memref<1x16x2048xf32, #tpu.memory_space<vmem>> -> memref<16x2048xf32, #tpu.memory_space<vmem>>
        %parallel_loop3A_713 = arith.index_cast %parallel_loop3A_708 : i32 to index
        %parallel_loop3A_714 = arith.index_cast %parallel_loop3A_635 : i32 to index
        %parallel_loop3A_715 = tpu.vector_load %parallel_loop3A_712[%parallel_loop3A_713, %parallel_loop3A_714] {strides = array<i32>} : memref<16x2048xf32, #tpu.memory_space<vmem>>, vector<16xf32>,
        %parallel_loop3A_716 = arith.mulf %parallel_loop3A_715, %parallel_loop3A_637 : vector<16xf32>
        %parallel_loop3A_717 = arith.addf %parallel_loop3A_624, %parallel_loop3A_716 : vector<16xf32>
        %parallel_loop3A_718 = arith.constant 8 : i32
        %parallel_loop3A_719 = arith.constant 0 : i32
        %parallel_loop3A_720 = arith.constant 0 : i32
        %parallel_loop3A_721 = tpu.memref_slice %arg8[%parallel_loop3A_377, %parallel_loop3A_719, %parallel_loop3A_720] : memref<2x16x2048xf32, #tpu.memory_space<vmem>> -> memref<1x16x2048xf32, #tpu.memory_space<vmem>>
        %parallel_loop3A_722 = tpu.memref_squeeze %parallel_loop3A_721 : memref<1x16x2048xf32, #tpu.memory_space<vmem>> -> memref<16x2048xf32, #tpu.memory_space<vmem>>
        %parallel_loop3A_723 = arith.index_cast %parallel_loop3A_718 : i32 to index
        %parallel_loop3A_724 = arith.index_cast %parallel_loop3A_635 : i32 to index
        %parallel_loop3A_725 = tpu.vector_load %parallel_loop3A_722[%parallel_loop3A_723, %parallel_loop3A_724] {strides = array<i32>} : memref<16x2048xf32, #tpu.memory_space<vmem>>, vector<16xf32>,
        %parallel_loop3A_726 = arith.mulf %parallel_loop3A_725, %parallel_loop3A_637 : vector<16xf32>
        %parallel_loop3A_727 = arith.addf %parallel_loop3A_625, %parallel_loop3A_726 : vector<16xf32>
        %parallel_loop3A_728 = arith.constant 9 : i32
        %parallel_loop3A_729 = arith.constant 0 : i32
        %parallel_loop3A_730 = arith.constant 0 : i32
        %parallel_loop3A_731 = tpu.memref_slice %arg8[%parallel_loop3A_377, %parallel_loop3A_729, %parallel_loop3A_730] : memref<2x16x2048xf32, #tpu.memory_space<vmem>> -> memref<1x16x2048xf32, #tpu.memory_space<vmem>>
        %parallel_loop3A_732 = tpu.memref_squeeze %parallel_loop3A_731 : memref<1x16x2048xf32, #tpu.memory_space<vmem>> -> memref<16x2048xf32, #tpu.memory_space<vmem>>
        %parallel_loop3A_733 = arith.index_cast %parallel_loop3A_728 : i32 to index
        %parallel_loop3A_734 = arith.index_cast %parallel_loop3A_635 : i32 to index
        %parallel_loop3A_735 = tpu.vector_load %parallel_loop3A_732[%parallel_loop3A_733, %parallel_loop3A_734] {strides = array<i32>} : memref<16x2048xf32, #tpu.memory_space<vmem>>, vector<16xf32>,
        %parallel_loop3A_736 = arith.mulf %parallel_loop3A_735, %parallel_loop3A_637 : vector<16xf32>
        %parallel_loop3A_737 = arith.addf %parallel_loop3A_626, %parallel_loop3A_736 : vector<16xf32>
        %parallel_loop3A_738 = arith.constant 10 : i32
        %parallel_loop3A_739 = arith.constant 0 : i32
        %parallel_loop3A_740 = arith.constant 0 : i32
        %parallel_loop3A_741 = tpu.memref_slice %arg8[%parallel_loop3A_377, %parallel_loop3A_739, %parallel_loop3A_740] : memref<2x16x2048xf32, #tpu.memory_space<vmem>> -> memref<1x16x2048xf32, #tpu.memory_space<vmem>>
        %parallel_loop3A_742 = tpu.memref_squeeze %parallel_loop3A_741 : memref<1x16x2048xf32, #tpu.memory_space<vmem>> -> memref<16x2048xf32, #tpu.memory_space<vmem>>
        %parallel_loop3A_743 = arith.index_cast %parallel_loop3A_738 : i32 to index
        %parallel_loop3A_744 = arith.index_cast %parallel_loop3A_635 : i32 to index
        %parallel_loop3A_745 = tpu.vector_load %parallel_loop3A_742[%parallel_loop3A_743, %parallel_loop3A_744] {strides = array<i32>} : memref<16x2048xf32, #tpu.memory_space<vmem>>, vector<16xf32>,
        %parallel_loop3A_746 = arith.mulf %parallel_loop3A_745, %parallel_loop3A_637 : vector<16xf32>
        %parallel_loop3A_747 = arith.addf %parallel_loop3A_627, %parallel_loop3A_746 : vector<16xf32>
        %parallel_loop3A_748 = arith.constant 11 : i32
        %parallel_loop3A_749 = arith.constant 0 : i32
        %parallel_loop3A_750 = arith.constant 0 : i32
        %parallel_loop3A_751 = tpu.memref_slice %arg8[%parallel_loop3A_377, %parallel_loop3A_749, %parallel_loop3A_750] : memref<2x16x2048xf32, #tpu.memory_space<vmem>> -> memref<1x16x2048xf32, #tpu.memory_space<vmem>>
        %parallel_loop3A_752 = tpu.memref_squeeze %parallel_loop3A_751 : memref<1x16x2048xf32, #tpu.memory_space<vmem>> -> memref<16x2048xf32, #tpu.memory_space<vmem>>
        %parallel_loop3A_753 = arith.index_cast %parallel_loop3A_748 : i32 to index
        %parallel_loop3A_754 = arith.index_cast %parallel_loop3A_635 : i32 to index
        %parallel_loop3A_755 = tpu.vector_load %parallel_loop3A_752[%parallel_loop3A_753, %parallel_loop3A_754] {strides = array<i32>} : memref<16x2048xf32, #tpu.memory_space<vmem>>, vector<16xf32>,
        %parallel_loop3A_756 = arith.mulf %parallel_loop3A_755, %parallel_loop3A_637 : vector<16xf32>
        %parallel_loop3A_757 = arith.addf %parallel_loop3A_628, %parallel_loop3A_756 : vector<16xf32>
        %parallel_loop3A_758 = arith.constant 12 : i32
        %parallel_loop3A_759 = arith.constant 0 : i32
        %parallel_loop3A_760 = arith.constant 0 : i32
        %parallel_loop3A_761 = tpu.memref_slice %arg8[%parallel_loop3A_377, %parallel_loop3A_759, %parallel_loop3A_760] : memref<2x16x2048xf32, #tpu.memory_space<vmem>> -> memref<1x16x2048xf32, #tpu.memory_space<vmem>>
        %parallel_loop3A_762 = tpu.memref_squeeze %parallel_loop3A_761 : memref<1x16x2048xf32, #tpu.memory_space<vmem>> -> memref<16x2048xf32, #tpu.memory_space<vmem>>
        %parallel_loop3A_763 = arith.index_cast %parallel_loop3A_758 : i32 to index
        %parallel_loop3A_764 = arith.index_cast %parallel_loop3A_635 : i32 to index
        %parallel_loop3A_765 = tpu.vector_load %parallel_loop3A_762[%parallel_loop3A_763, %parallel_loop3A_764] {strides = array<i32>} : memref<16x2048xf32, #tpu.memory_space<vmem>>, vector<16xf32>,
        %parallel_loop3A_766 = arith.mulf %parallel_loop3A_765, %parallel_loop3A_637 : vector<16xf32>
        %parallel_loop3A_767 = arith.addf %parallel_loop3A_629, %parallel_loop3A_766 : vector<16xf32>
        %parallel_loop3A_768 = arith.constant 13 : i32
        %parallel_loop3A_769 = arith.constant 0 : i32
        %parallel_loop3A_770 = arith.constant 0 : i32
        %parallel_loop3A_771 = tpu.memref_slice %arg8[%parallel_loop3A_377, %parallel_loop3A_769, %parallel_loop3A_770] : memref<2x16x2048xf32, #tpu.memory_space<vmem>> -> memref<1x16x2048xf32, #tpu.memory_space<vmem>>
        %parallel_loop3A_772 = tpu.memref_squeeze %parallel_loop3A_771 : memref<1x16x2048xf32, #tpu.memory_space<vmem>> -> memref<16x2048xf32, #tpu.memory_space<vmem>>
        %parallel_loop3A_773 = arith.index_cast %parallel_loop3A_768 : i32 to index
        %parallel_loop3A_774 = arith.index_cast %parallel_loop3A_635 : i32 to index
        %parallel_loop3A_775 = tpu.vector_load %parallel_loop3A_772[%parallel_loop3A_773, %parallel_loop3A_774] {strides = array<i32>} : memref<16x2048xf32, #tpu.memory_space<vmem>>, vector<16xf32>,
        %parallel_loop3A_776 = arith.mulf %parallel_loop3A_775, %parallel_loop3A_637 : vector<16xf32>
        %parallel_loop3A_777 = arith.addf %parallel_loop3A_630, %parallel_loop3A_776 : vector<16xf32>
        %parallel_loop3A_778 = arith.constant 14 : i32
        %parallel_loop3A_779 = arith.constant 0 : i32
        %parallel_loop3A_780 = arith.constant 0 : i32
        %parallel_loop3A_781 = tpu.memref_slice %arg8[%parallel_loop3A_377, %parallel_loop3A_779, %parallel_loop3A_780] : memref<2x16x2048xf32, #tpu.memory_space<vmem>> -> memref<1x16x2048xf32, #tpu.memory_space<vmem>>
        %parallel_loop3A_782 = tpu.memref_squeeze %parallel_loop3A_781 : memref<1x16x2048xf32, #tpu.memory_space<vmem>> -> memref<16x2048xf32, #tpu.memory_space<vmem>>
        %parallel_loop3A_783 = arith.index_cast %parallel_loop3A_778 : i32 to index
        %parallel_loop3A_784 = arith.index_cast %parallel_loop3A_635 : i32 to index
        %parallel_loop3A_785 = tpu.vector_load %parallel_loop3A_782[%parallel_loop3A_783, %parallel_loop3A_784] {strides = array<i32>} : memref<16x2048xf32, #tpu.memory_space<vmem>>, vector<16xf32>,
        %parallel_loop3A_786 = arith.mulf %parallel_loop3A_785, %parallel_loop3A_637 : vector<16xf32>
        %parallel_loop3A_787 = arith.addf %parallel_loop3A_631, %parallel_loop3A_786 : vector<16xf32>
        %parallel_loop3A_788 = arith.constant 15 : i32
        %parallel_loop3A_789 = arith.constant 0 : i32
        %parallel_loop3A_790 = arith.constant 0 : i32
        %parallel_loop3A_791 = tpu.memref_slice %arg8[%parallel_loop3A_377, %parallel_loop3A_789, %parallel_loop3A_790] : memref<2x16x2048xf32, #tpu.memory_space<vmem>> -> memref<1x16x2048xf32, #tpu.memory_space<vmem>>
        %parallel_loop3A_792 = tpu.memref_squeeze %parallel_loop3A_791 : memref<1x16x2048xf32, #tpu.memory_space<vmem>> -> memref<16x2048xf32, #tpu.memory_space<vmem>>
        %parallel_loop3A_793 = arith.index_cast %parallel_loop3A_788 : i32 to index
        %parallel_loop3A_794 = arith.index_cast %parallel_loop3A_635 : i32 to index
        %parallel_loop3A_795 = tpu.vector_load %parallel_loop3A_792[%parallel_loop3A_793, %parallel_loop3A_794] {strides = array<i32>} : memref<16x2048xf32, #tpu.memory_space<vmem>>, vector<16xf32>,
        %parallel_loop3A_796 = arith.mulf %parallel_loop3A_795, %parallel_loop3A_637 : vector<16xf32>
        %parallel_loop3A_797 = arith.addf %parallel_loop3A_632, %parallel_loop3A_796 : vector<16xf32>
        scf.yield %parallel_loop3A_647, %parallel_loop3A_657, %parallel_loop3A_667, %parallel_loop3A_677, %parallel_loop3A_687, %parallel_loop3A_697, %parallel_loop3A_707, %parallel_loop3A_717, %parallel_loop3A_727, %parallel_loop3A_737, %parallel_loop3A_747, %parallel_loop3A_757, %parallel_loop3A_767, %parallel_loop3A_777, %parallel_loop3A_787, %parallel_loop3A_797 : vector<16xf32>, vector<16xf32>, vector<16xf32>, vector<16xf32>, vector<16xf32>, vector<16xf32>, vector<16xf32>, vector<16xf32>, vector<16xf32>, vector<16xf32>, vector<16xf32>, vector<16xf32>, vector<16xf32>, vector<16xf32>, vector<16xf32>, vector<16xf32>
      } {sc.loop_unroll_factor = 2 : i64, sc.parallel_access}
      %swap3A_379 = arith.constant 0 : index
      %swap3A_380 = tpu.vector_load %arg10[%swap3A_379] {strides = array<i32>} : memref<256xf32, #tpu.memory_space<vmem>>, vector<16xf32>,
      tpu.vector_store %arg10[%swap3A_379], %parallel_loop3A_378#0 {strides = array<i32>} : memref<256xf32, #tpu.memory_space<vmem>>, vector<16xf32>,
      %swap3A_381 = arith.constant 16 : index
      %swap3A_382 = tpu.vector_load %arg10[%swap3A_381] {strides = array<i32>} : memref<256xf32, #tpu.memory_space<vmem>>, vector<16xf32>,
      tpu.vector_store %arg10[%swap3A_381], %parallel_loop3A_378#1 {strides = array<i32>} : memref<256xf32, #tpu.memory_space<vmem>>, vector<16xf32>,
      %swap3A_383 = arith.constant 32 : index
      %swap3A_384 = tpu.vector_load %arg10[%swap3A_383] {strides = array<i32>} : memref<256xf32, #tpu.memory_space<vmem>>, vector<16xf32>,
      tpu.vector_store %arg10[%swap3A_383], %parallel_loop3A_378#2 {strides = array<i32>} : memref<256xf32, #tpu.memory_space<vmem>>, vector<16xf32>,
      %swap3A_385 = arith.constant 48 : index
      %swap3A_386 = tpu.vector_load %arg10[%swap3A_385] {strides = array<i32>} : memref<256xf32, #tpu.memory_space<vmem>>, vector<16xf32>,
      tpu.vector_store %arg10[%swap3A_385], %parallel_loop3A_378#3 {strides = array<i32>} : memref<256xf32, #tpu.memory_space<vmem>>, vector<16xf32>,
      %swap3A_387 = arith.constant 64 : index
      %swap3A_388 = tpu.vector_load %arg10[%swap3A_387] {strides = array<i32>} : memref<256xf32, #tpu.memory_space<vmem>>, vector<16xf32>,
      tpu.vector_store %arg10[%swap3A_387], %parallel_loop3A_378#4 {strides = array<i32>} : memref<256xf32, #tpu.memory_space<vmem>>, vector<16xf32>,
      %swap3A_389 = arith.constant 80 : index
      %swap3A_390 = tpu.vector_load %arg10[%swap3A_389] {strides = array<i32>} : memref<256xf32, #tpu.memory_space<vmem>>, vector<16xf32>,
      tpu.vector_store %arg10[%swap3A_389], %parallel_loop3A_378#5 {strides = array<i32>} : memref<256xf32, #tpu.memory_space<vmem>>, vector<16xf32>,
      %swap3A_391 = arith.constant 96 : index
      %swap3A_392 = tpu.vector_load %arg10[%swap3A_391] {strides = array<i32>} : memref<256xf32, #tpu.memory_space<vmem>>, vector<16xf32>,
      tpu.vector_store %arg10[%swap3A_391], %parallel_loop3A_378#6 {strides = array<i32>} : memref<256xf32, #tpu.memory_space<vmem>>, vector<16xf32>,
      %swap3A_393 = arith.constant 112 : index
      %swap3A_394 = tpu.vector_load %arg10[%swap3A_393] {strides = array<i32>} : memref<256xf32, #tpu.memory_space<vmem>>, vector<16xf32>,
      tpu.vector_store %arg10[%swap3A_393], %parallel_loop3A_378#7 {strides = array<i32>} : memref<256xf32, #tpu.memory_space<vmem>>, vector<16xf32>,
      %swap3A_395 = arith.constant 128 : index
      %swap3A_396 = tpu.vector_load %arg10[%swap3A_395] {strides = array<i32>} : memref<256xf32, #tpu.memory_space<vmem>>, vector<16xf32>,
      tpu.vector_store %arg10[%swap3A_395], %parallel_loop3A_378#8 {strides = array<i32>} : memref<256xf32, #tpu.memory_space<vmem>>, vector<16xf32>,
      %swap3A_397 = arith.constant 144 : index
      %swap3A_398 = tpu.vector_load %arg10[%swap3A_397] {strides = array<i32>} : memref<256xf32, #tpu.memory_space<vmem>>, vector<16xf32>,
      tpu.vector_store %arg10[%swap3A_397], %parallel_loop3A_378#9 {strides = array<i32>} : memref<256xf32, #tpu.memory_space<vmem>>, vector<16xf32>,
      %swap3A_399 = arith.constant 160 : index
      %swap3A_400 = tpu.vector_load %arg10[%swap3A_399] {strides = array<i32>} : memref<256xf32, #tpu.memory_space<vmem>>, vector<16xf32>,
      tpu.vector_store %arg10[%swap3A_399], %parallel_loop3A_378#10 {strides = array<i32>} : memref<256xf32, #tpu.memory_space<vmem>>, vector<16xf32>,
      %swap3A_401 = arith.constant 176 : index
      %swap3A_402 = tpu.vector_load %arg10[%swap3A_401] {strides = array<i32>} : memref<256xf32, #tpu.memory_space<vmem>>, vector<16xf32>,
      tpu.vector_store %arg10[%swap3A_401], %parallel_loop3A_378#11 {strides = array<i32>} : memref<256xf32, #tpu.memory_space<vmem>>, vector<16xf32>,
      %swap3A_403 = arith.constant 192 : index
      %swap3A_404 = tpu.vector_load %arg10[%swap3A_403] {strides = array<i32>} : memref<256xf32, #tpu.memory_space<vmem>>, vector<16xf32>,
      tpu.vector_store %arg10[%swap3A_403], %parallel_loop3A_378#12 {strides = array<i32>} : memref<256xf32, #tpu.memory_space<vmem>>, vector<16xf32>,
      %swap3A_405 = arith.constant 208 : index
      %swap3A_406 = tpu.vector_load %arg10[%swap3A_405] {strides = array<i32>} : memref<256xf32, #tpu.memory_space<vmem>>, vector<16xf32>,
      tpu.vector_store %arg10[%swap3A_405], %parallel_loop3A_378#13 {strides = array<i32>} : memref<256xf32, #tpu.memory_space<vmem>>, vector<16xf32>,
      %swap3A_407 = arith.constant 224 : index
      %swap3A_408 = tpu.vector_load %arg10[%swap3A_407] {strides = array<i32>} : memref<256xf32, #tpu.memory_space<vmem>>, vector<16xf32>,
      tpu.vector_store %arg10[%swap3A_407], %parallel_loop3A_378#14 {strides = array<i32>} : memref<256xf32, #tpu.memory_space<vmem>>, vector<16xf32>,
      %swap3A_409 = arith.constant 240 : index
      %swap3A_410 = tpu.vector_load %arg10[%swap3A_409] {strides = array<i32>} : memref<256xf32, #tpu.memory_space<vmem>>, vector<16xf32>,
      tpu.vector_store %arg10[%swap3A_409], %parallel_loop3A_378#15 {strides = array<i32>} : memref<256xf32, #tpu.memory_space<vmem>>, vector<16xf32>,
      %broadcast_in_dim3A_411 = arith.constant 0.000000e+00 : f32
      %broadcast_in_dim3A_412 = vector.broadcast %broadcast_in_dim3A_411 : f32 to vector<16xf32>
      %mul3A_413 = arith.constant 16 : i32
      %mul3A_414 = vector.broadcast %mul3A_413 : i32 to vector<16xi32>
      %mul3A_415 = arith.muli %iota3A, %mul3A_414 : vector<16xi32>
      %add3A_416 = arith.constant 0 : i32
      %add3A_417 = vector.broadcast %add3A_416 : i32 to vector<16xi32>
      %add3A_418 = arith.addi %mul3A_415, %add3A_417 : vector<16xi32>
      %gather3A_419 = tpu.vector_load_idx %arg10[%add3A_418] : memref<256xf32, #tpu.memory_space<vmem>>[vector<16xi32>], vector<16xf32>,
      %add3A_420 = arith.addf %broadcast_in_dim3A_412, %gather3A_419 : vector<16xf32>
      %mul3A_421 = arith.constant 16 : i32
      %mul3A_422 = vector.broadcast %mul3A_421 : i32 to vector<16xi32>
      %mul3A_423 = arith.muli %iota3A, %mul3A_422 : vector<16xi32>
      %add3A_424 = arith.constant 1 : i32
      %add3A_425 = vector.broadcast %add3A_424 : i32 to vector<16xi32>
      %add3A_426 = arith.addi %mul3A_423, %add3A_425 : vector<16xi32>
      %gather3A_427 = tpu.vector_load_idx %arg10[%add3A_426] : memref<256xf32, #tpu.memory_space<vmem>>[vector<16xi32>], vector<16xf32>,
      %add3A_428 = arith.addf %add3A_420, %gather3A_427 : vector<16xf32>
      %mul3A_429 = arith.constant 16 : i32
      %mul3A_430 = vector.broadcast %mul3A_429 : i32 to vector<16xi32>
      %mul3A_431 = arith.muli %iota3A, %mul3A_430 : vector<16xi32>
      %add3A_432 = arith.constant 2 : i32
      %add3A_433 = vector.broadcast %add3A_432 : i32 to vector<16xi32>
      %add3A_434 = arith.addi %mul3A_431, %add3A_433 : vector<16xi32>
      %gather3A_435 = tpu.vector_load_idx %arg10[%add3A_434] : memref<256xf32, #tpu.memory_space<vmem>>[vector<16xi32>], vector<16xf32>,
      %add3A_436 = arith.addf %add3A_428, %gather3A_435 : vector<16xf32>
      %mul3A_437 = arith.constant 16 : i32
      %mul3A_438 = vector.broadcast %mul3A_437 : i32 to vector<16xi32>
      %mul3A_439 = arith.muli %iota3A, %mul3A_438 : vector<16xi32>
      %add3A_440 = arith.constant 3 : i32
      %add3A_441 = vector.broadcast %add3A_440 : i32 to vector<16xi32>
      %add3A_442 = arith.addi %mul3A_439, %add3A_441 : vector<16xi32>
      %gather3A_443 = tpu.vector_load_idx %arg10[%add3A_442] : memref<256xf32, #tpu.memory_space<vmem>>[vector<16xi32>], vector<16xf32>,
      %add3A_444 = arith.addf %add3A_436, %gather3A_443 : vector<16xf32>
      %mul3A_445 = arith.constant 16 : i32
      %mul3A_446 = vector.broadcast %mul3A_445 : i32 to vector<16xi32>
      %mul3A_447 = arith.muli %iota3A, %mul3A_446 : vector<16xi32>
      %add3A_448 = arith.constant 4 : i32
      %add3A_449 = vector.broadcast %add3A_448 : i32 to vector<16xi32>
      %add3A_450 = arith.addi %mul3A_447, %add3A_449 : vector<16xi32>
      %gather3A_451 = tpu.vector_load_idx %arg10[%add3A_450] : memref<256xf32, #tpu.memory_space<vmem>>[vector<16xi32>], vector<16xf32>,
      %add3A_452 = arith.addf %add3A_444, %gather3A_451 : vector<16xf32>
      %mul3A_453 = arith.constant 16 : i32
      %mul3A_454 = vector.broadcast %mul3A_453 : i32 to vector<16xi32>
      %mul3A_455 = arith.muli %iota3A, %mul3A_454 : vector<16xi32>
      %add3A_456 = arith.constant 5 : i32
      %add3A_457 = vector.broadcast %add3A_456 : i32 to vector<16xi32>
      %add3A_458 = arith.addi %mul3A_455, %add3A_457 : vector<16xi32>
      %gather3A_459 = tpu.vector_load_idx %arg10[%add3A_458] : memref<256xf32, #tpu.memory_space<vmem>>[vector<16xi32>], vector<16xf32>,
      %add3A_460 = arith.addf %add3A_452, %gather3A_459 : vector<16xf32>
      %mul3A_461 = arith.constant 16 : i32
      %mul3A_462 = vector.broadcast %mul3A_461 : i32 to vector<16xi32>
      %mul3A_463 = arith.muli %iota3A, %mul3A_462 : vector<16xi32>
      %add3A_464 = arith.constant 6 : i32
      %add3A_465 = vector.broadcast %add3A_464 : i32 to vector<16xi32>
      %add3A_466 = arith.addi %mul3A_463, %add3A_465 : vector<16xi32>
      %gather3A_467 = tpu.vector_load_idx %arg10[%add3A_466] : memref<256xf32, #tpu.memory_space<vmem>>[vector<16xi32>], vector<16xf32>,
      %add3A_468 = arith.addf %add3A_460, %gather3A_467 : vector<16xf32>
      %mul3A_469 = arith.constant 16 : i32
      %mul3A_470 = vector.broadcast %mul3A_469 : i32 to vector<16xi32>
      %mul3A_471 = arith.muli %iota3A, %mul3A_470 : vector<16xi32>
      %add3A_472 = arith.constant 7 : i32
      %add3A_473 = vector.broadcast %add3A_472 : i32 to vector<16xi32>
      %add3A_474 = arith.addi %mul3A_471, %add3A_473 : vector<16xi32>
      %gather3A_475 = tpu.vector_load_idx %arg10[%add3A_474] : memref<256xf32, #tpu.memory_space<vmem>>[vector<16xi32>], vector<16xf32>,
      %add3A_476 = arith.addf %add3A_468, %gather3A_475 : vector<16xf32>
      %mul3A_477 = arith.constant 16 : i32
      %mul3A_478 = vector.broadcast %mul3A_477 : i32 to vector<16xi32>
      %mul3A_479 = arith.muli %iota3A, %mul3A_478 : vector<16xi32>
      %add3A_480 = arith.constant 8 : i32
      %add3A_481 = vector.broadcast %add3A_480 : i32 to vector<16xi32>
      %add3A_482 = arith.addi %mul3A_479, %add3A_481 : vector<16xi32>
      %gather3A_483 = tpu.vector_load_idx %arg10[%add3A_482] : memref<256xf32, #tpu.memory_space<vmem>>[vector<16xi32>], vector<16xf32>,
      %add3A_484 = arith.addf %add3A_476, %gather3A_483 : vector<16xf32>
      %mul3A_485 = arith.constant 16 : i32
      %mul3A_486 = vector.broadcast %mul3A_485 : i32 to vector<16xi32>
      %mul3A_487 = arith.muli %iota3A, %mul3A_486 : vector<16xi32>
      %add3A_488 = arith.constant 9 : i32
      %add3A_489 = vector.broadcast %add3A_488 : i32 to vector<16xi32>
      %add3A_490 = arith.addi %mul3A_487, %add3A_489 : vector<16xi32>
      %gather3A_491 = tpu.vector_load_idx %arg10[%add3A_490] : memref<256xf32, #tpu.memory_space<vmem>>[vector<16xi32>], vector<16xf32>,
      %add3A_492 = arith.addf %add3A_484, %gather3A_491 : vector<16xf32>
      %mul3A_493 = arith.constant 16 : i32
      %mul3A_494 = vector.broadcast %mul3A_493 : i32 to vector<16xi32>
      %mul3A_495 = arith.muli %iota3A, %mul3A_494 : vector<16xi32>
      %add3A_496 = arith.constant 10 : i32
      %add3A_497 = vector.broadcast %add3A_496 : i32 to vector<16xi32>
      %add3A_498 = arith.addi %mul3A_495, %add3A_497 : vector<16xi32>
      %gather3A_499 = tpu.vector_load_idx %arg10[%add3A_498] : memref<256xf32, #tpu.memory_space<vmem>>[vector<16xi32>], vector<16xf32>,
      %add3A_500 = arith.addf %add3A_492, %gather3A_499 : vector<16xf32>
      %mul3A_501 = arith.constant 16 : i32
      %mul3A_502 = vector.broadcast %mul3A_501 : i32 to vector<16xi32>
      %mul3A_503 = arith.muli %iota3A, %mul3A_502 : vector<16xi32>
      %add3A_504 = arith.constant 11 : i32
      %add3A_505 = vector.broadcast %add3A_504 : i32 to vector<16xi32>
      %add3A_506 = arith.addi %mul3A_503, %add3A_505 : vector<16xi32>
      %gather3A_507 = tpu.vector_load_idx %arg10[%add3A_506] : memref<256xf32, #tpu.memory_space<vmem>>[vector<16xi32>], vector<16xf32>,
      %add3A_508 = arith.addf %add3A_500, %gather3A_507 : vector<16xf32>
      %mul3A_509 = arith.constant 16 : i32
      %mul3A_510 = vector.broadcast %mul3A_509 : i32 to vector<16xi32>
      %mul3A_511 = arith.muli %iota3A, %mul3A_510 : vector<16xi32>
      %add3A_512 = arith.constant 12 : i32
      %add3A_513 = vector.broadcast %add3A_512 : i32 to vector<16xi32>
      %add3A_514 = arith.addi %mul3A_511, %add3A_513 : vector<16xi32>
      %gather3A_515 = tpu.vector_load_idx %arg10[%add3A_514] : memref<256xf32, #tpu.memory_space<vmem>>[vector<16xi32>], vector<16xf32>,
      %add3A_516 = arith.addf %add3A_508, %gather3A_515 : vector<16xf32>
      %mul3A_517 = arith.constant 16 : i32
      %mul3A_518 = vector.broadcast %mul3A_517 : i32 to vector<16xi32>
      %mul3A_519 = arith.muli %iota3A, %mul3A_518 : vector<16xi32>
      %add3A_520 = arith.constant 13 : i32
      %add3A_521 = vector.broadcast %add3A_520 : i32 to vector<16xi32>
      %add3A_522 = arith.addi %mul3A_519, %add3A_521 : vector<16xi32>
      %gather3A_523 = tpu.vector_load_idx %arg10[%add3A_522] : memref<256xf32, #tpu.memory_space<vmem>>[vector<16xi32>], vector<16xf32>,
      %add3A_524 = arith.addf %add3A_516, %gather3A_523 : vector<16xf32>
      %mul3A_525 = arith.constant 16 : i32
      %mul3A_526 = vector.broadcast %mul3A_525 : i32 to vector<16xi32>
      %mul3A_527 = arith.muli %iota3A, %mul3A_526 : vector<16xi32>
      %add3A_528 = arith.constant 14 : i32
      %add3A_529 = vector.broadcast %add3A_528 : i32 to vector<16xi32>
      %add3A_530 = arith.addi %mul3A_527, %add3A_529 : vector<16xi32>
      %gather3A_531 = tpu.vector_load_idx %arg10[%add3A_530] : memref<256xf32, #tpu.memory_space<vmem>>[vector<16xi32>], vector<16xf32>,
      %add3A_532 = arith.addf %add3A_524, %gather3A_531 : vector<16xf32>
      %mul3A_533 = arith.constant 16 : i32
      %mul3A_534 = vector.broadcast %mul3A_533 : i32 to vector<16xi32>
      %mul3A_535 = arith.muli %iota3A, %mul3A_534 : vector<16xi32>
      %add3A_536 = arith.constant 15 : i32
      %add3A_537 = vector.broadcast %add3A_536 : i32 to vector<16xi32>
      %add3A_538 = arith.addi %mul3A_535, %add3A_537 : vector<16xi32>
      %gather3A_539 = tpu.vector_load_idx %arg10[%add3A_538] : memref<256xf32, #tpu.memory_space<vmem>>[vector<16xi32>], vector<16xf32>,
      %add3A_540 = arith.addf %add3A_532, %gather3A_539 : vector<16xf32>
      %jit3A_541 = arith.constant -1.000000e+04 : f32
      %broadcast_in_dim3A_542 = vector.broadcast %jit3A_541 : f32 to vector<16xf32>
      %select_n3A_543 = arith.select %eq3A_341, %broadcast_in_dim3A_542, %add3A_540 : vector<16xi1>, vector<16xf32>
      %reduce_max3A_544 = arith.constant true
      %reduce_max3A_545 = vector.broadcast %reduce_max3A_544 : i1 to vector<16xi1>
      %reduce_max3A_546 = tpu.scan <max>, %select_n3A_543 masked %reduce_max3A_545 : vector<16xf32>, vector<16xi1> -> vector<16xf32>
      %reduce_max3A_547 = vector.extract %reduce_max3A_546[15] : f32 from vector<16xf32>
      %sub3A_548 = vector.broadcast %reduce_max3A_547 : f32 to vector<16xf32>
      %sub3A_549 = arith.subf %select_n3A_543, %sub3A_548 : vector<16xf32>
      %exp3A_550 = math.exp %sub3A_549 : vector<16xf32>
      %reduce_sum3A_551 = arith.constant true
      %reduce_sum3A_552 = vector.broadcast %reduce_sum3A_551 : i1 to vector<16xi1>
      %reduce_sum3A_553 = tpu.scan <sum>, %exp3A_550 masked %reduce_sum3A_552 : vector<16xf32>, vector<16xi1> -> vector<16xf32>
      %reduce_sum3A_554 = vector.extract %reduce_sum3A_553[15] : f32 from vector<16xf32>
      %div3A_555 = vector.broadcast %reduce_sum3A_554 : f32 to vector<16xf32>
      %div3A_556 = arith.divf %exp3A_550, %div3A_555 : vector<16xf32>
      %jit3A_557 = arith.constant 0.000000e+00 : f32
      %broadcast_in_dim3A_558 = vector.broadcast %jit3A_557 : f32 to vector<16xf32>
      %select_n3A_559 = arith.select %eq3A_341, %broadcast_in_dim3A_558, %div3A_556 : vector<16xi1>, vector<16xf32>
      %swap3A_560 = arith.constant 0 : index
      %swap3A_561 = tpu.vector_load %arg11[%swap3A_560] {strides = array<i32>} : memref<32xf32, #tpu.memory_space<vmem>>, vector<16xf32>,
      tpu.vector_store %arg11[%swap3A_560], %select_n3A_559 {strides = array<i32>} : memref<32xf32, #tpu.memory_space<vmem>>, vector<16xf32>,
      %swap3A_562 = arith.constant 16 : index
      %swap3A_563 = tpu.vector_load %arg11[%swap3A_562] {strides = array<i32>} : memref<32xf32, #tpu.memory_space<vmem>>, vector<16xf32>,
      tpu.vector_store %arg11[%swap3A_562], %select_n3A_559 {strides = array<i32>} : memref<32xf32, #tpu.memory_space<vmem>>, vector<16xf32>,
      %broadcast_in_dim3A_564 = arith.constant 16 : i32
      %broadcast_in_dim3A_565 = vector.broadcast %broadcast_in_dim3A_564 : i32 to vector<16xi32>
      %gather3A_566 = tpu.vector_load_idx %arg11[%broadcast_in_dim3A_565] : memref<32xf32, #tpu.memory_space<vmem>>[vector<16xi32>], vector<16xf32>,
      %broadcast_in_dim3A_567 = arith.constant 17 : i32
      %broadcast_in_dim3A_568 = vector.broadcast %broadcast_in_dim3A_567 : i32 to vector<16xi32>
      %gather3A_569 = tpu.vector_load_idx %arg11[%broadcast_in_dim3A_568] : memref<32xf32, #tpu.memory_space<vmem>>[vector<16xi32>], vector<16xf32>,
      %broadcast_in_dim3A_570 = arith.constant 18 : i32
      %broadcast_in_dim3A_571 = vector.broadcast %broadcast_in_dim3A_570 : i32 to vector<16xi32>
      %gather3A_572 = tpu.vector_load_idx %arg11[%broadcast_in_dim3A_571] : memref<32xf32, #tpu.memory_space<vmem>>[vector<16xi32>], vector<16xf32>,
      %broadcast_in_dim3A_573 = arith.constant 19 : i32
      %broadcast_in_dim3A_574 = vector.broadcast %broadcast_in_dim3A_573 : i32 to vector<16xi32>
      %gather3A_575 = tpu.vector_load_idx %arg11[%broadcast_in_dim3A_574] : memref<32xf32, #tpu.memory_space<vmem>>[vector<16xi32>], vector<16xf32>,
      %broadcast_in_dim3A_576 = arith.constant 20 : i32
      %broadcast_in_dim3A_577 = vector.broadcast %broadcast_in_dim3A_576 : i32 to vector<16xi32>
      %gather3A_578 = tpu.vector_load_idx %arg11[%broadcast_in_dim3A_577] : memref<32xf32, #tpu.memory_space<vmem>>[vector<16xi32>], vector<16xf32>,
      %broadcast_in_dim3A_579 = arith.constant 21 : i32
      %broadcast_in_dim3A_580 = vector.broadcast %broadcast_in_dim3A_579 : i32 to vector<16xi32>
      %gather3A_581 = tpu.vector_load_idx %arg11[%broadcast_in_dim3A_580] : memref<32xf32, #tpu.memory_space<vmem>>[vector<16xi32>], vector<16xf32>,
      %broadcast_in_dim3A_582 = arith.constant 22 : i32
      %broadcast_in_dim3A_583 = vector.broadcast %broadcast_in_dim3A_582 : i32 to vector<16xi32>
      %gather3A_584 = tpu.vector_load_idx %arg11[%broadcast_in_dim3A_583] : memref<32xf32, #tpu.memory_space<vmem>>[vector<16xi32>], vector<16xf32>,
      %broadcast_in_dim3A_585 = arith.constant 23 : i32
      %broadcast_in_dim3A_586 = vector.broadcast %broadcast_in_dim3A_585 : i32 to vector<16xi32>
      %gather3A_587 = tpu.vector_load_idx %arg11[%broadcast_in_dim3A_586] : memref<32xf32, #tpu.memory_space<vmem>>[vector<16xi32>], vector<16xf32>,
      %broadcast_in_dim3A_588 = arith.constant 24 : i32
      %broadcast_in_dim3A_589 = vector.broadcast %broadcast_in_dim3A_588 : i32 to vector<16xi32>
      %gather3A_590 = tpu.vector_load_idx %arg11[%broadcast_in_dim3A_589] : memref<32xf32, #tpu.memory_space<vmem>>[vector<16xi32>], vector<16xf32>,
      %broadcast_in_dim3A_591 = arith.constant 25 : i32
      %broadcast_in_dim3A_592 = vector.broadcast %broadcast_in_dim3A_591 : i32 to vector<16xi32>
      %gather3A_593 = tpu.vector_load_idx %arg11[%broadcast_in_dim3A_592] : memref<32xf32, #tpu.memory_space<vmem>>[vector<16xi32>], vector<16xf32>,
      %broadcast_in_dim3A_594 = arith.constant 26 : i32
      %broadcast_in_dim3A_595 = vector.broadcast %broadcast_in_dim3A_594 : i32 to vector<16xi32>
      %gather3A_596 = tpu.vector_load_idx %arg11[%broadcast_in_dim3A_595] : memref<32xf32, #tpu.memory_space<vmem>>[vector<16xi32>], vector<16xf32>,
      %broadcast_in_dim3A_597 = arith.constant 27 : i32
      %broadcast_in_dim3A_598 = vector.broadcast %broadcast_in_dim3A_597 : i32 to vector<16xi32>
      %gather3A_599 = tpu.vector_load_idx %arg11[%broadcast_in_dim3A_598] : memref<32xf32, #tpu.memory_space<vmem>>[vector<16xi32>], vector<16xf32>,
      %broadcast_in_dim3A_600 = arith.constant 28 : i32
      %broadcast_in_dim3A_601 = vector.broadcast %broadcast_in_dim3A_600 : i32 to vector<16xi32>
      %gather3A_602 = tpu.vector_load_idx %arg11[%broadcast_in_dim3A_601] : memref<32xf32, #tpu.memory_space<vmem>>[vector<16xi32>], vector<16xf32>,
      %broadcast_in_dim3A_603 = arith.constant 29 : i32
      %broadcast_in_dim3A_604 = vector.broadcast %broadcast_in_dim3A_603 : i32 to vector<16xi32>
      %gather3A_605 = tpu.vector_load_idx %arg11[%broadcast_in_dim3A_604] : memref<32xf32, #tpu.memory_space<vmem>>[vector<16xi32>], vector<16xf32>,
      %broadcast_in_dim3A_606 = arith.constant 30 : i32
      %broadcast_in_dim3A_607 = vector.broadcast %broadcast_in_dim3A_606 : i32 to vector<16xi32>
      %gather3A_608 = tpu.vector_load_idx %arg11[%broadcast_in_dim3A_607] : memref<32xf32, #tpu.memory_space<vmem>>[vector<16xi32>], vector<16xf32>,
      %broadcast_in_dim3A_609 = arith.constant 31 : i32
      %broadcast_in_dim3A_610 = vector.broadcast %broadcast_in_dim3A_609 : i32 to vector<16xi32>
      %gather3A_611 = tpu.vector_load_idx %arg11[%broadcast_in_dim3A_610] : memref<32xf32, #tpu.memory_space<vmem>>[vector<16xi32>], vector<16xf32>,
      %parallel_loop3A_612 = arith.constant 0 : i32
      %parallel_loop3A_613 = arith.constant 128 : i32
      %parallel_loop3A_614 = arith.constant 1 : i32
      %parallel_loop3A_615 = arith.constant 1 : i32
      scf.for %parallel_loop3A_616 = %parallel_loop3A_612 to %parallel_loop3A_613 step %parallel_loop3A_614  : i32 {
        %parallel_loop3A_617 = arith.constant 16 : i32
        %parallel_loop3A_618 = arith.muli %parallel_loop3A_616, %parallel_loop3A_617 : i32
        %parallel_loop3A_619 = tpu.assume_multiple %parallel_loop3A_618, 16 : i32
        %parallel_loop3A_620 = arith.constant 0 : i32
        %parallel_loop3A_621 = arith.constant 0 : i32
        %parallel_loop3A_622 = arith.constant 0 : i32
        %parallel_loop3A_623 = tpu.memref_slice %arg8[%parallel_loop3A_615, %parallel_loop3A_621, %parallel_loop3A_622] : memref<2x16x2048xf32, #tpu.memory_space<vmem>> -> memref<1x16x2048xf32, #tpu.memory_space<vmem>>
        %parallel_loop3A_624 = tpu.memref_squeeze %parallel_loop3A_623 : memref<1x16x2048xf32, #tpu.memory_space<vmem>> -> memref<16x2048xf32, #tpu.memory_space<vmem>>
        %parallel_loop3A_625 = arith.index_cast %parallel_loop3A_620 : i32 to index
        %parallel_loop3A_626 = arith.index_cast %parallel_loop3A_619 : i32 to index
        %parallel_loop3A_627 = tpu.vector_load %parallel_loop3A_624[%parallel_loop3A_625, %parallel_loop3A_626] {strides = array<i32>} : memref<16x2048xf32, #tpu.memory_space<vmem>>, vector<16xf32>,
        %parallel_loop3A_628 = arith.mulf %parallel_loop3A_627, %gather3A_566 : vector<16xf32>
        %parallel_loop3A_629 = arith.constant 1 : i32
        %parallel_loop3A_630 = arith.constant 0 : i32
        %parallel_loop3A_631 = arith.constant 0 : i32
        %parallel_loop3A_632 = tpu.memref_slice %arg8[%parallel_loop3A_615, %parallel_loop3A_630, %parallel_loop3A_631] : memref<2x16x2048xf32, #tpu.memory_space<vmem>> -> memref<1x16x2048xf32, #tpu.memory_space<vmem>>
        %parallel_loop3A_633 = tpu.memref_squeeze %parallel_loop3A_632 : memref<1x16x2048xf32, #tpu.memory_space<vmem>> -> memref<16x2048xf32, #tpu.memory_space<vmem>>
        %parallel_loop3A_634 = arith.index_cast %parallel_loop3A_629 : i32 to index
        %parallel_loop3A_635 = arith.index_cast %parallel_loop3A_619 : i32 to index
        %parallel_loop3A_636 = tpu.vector_load %parallel_loop3A_633[%parallel_loop3A_634, %parallel_loop3A_635] {strides = array<i32>} : memref<16x2048xf32, #tpu.memory_space<vmem>>, vector<16xf32>,
        %parallel_loop3A_637 = arith.mulf %parallel_loop3A_636, %gather3A_569 : vector<16xf32>
        %parallel_loop3A_638 = arith.addf %parallel_loop3A_628, %parallel_loop3A_637 : vector<16xf32>
        %parallel_loop3A_639 = arith.constant 2 : i32
        %parallel_loop3A_640 = arith.constant 0 : i32
        %parallel_loop3A_641 = arith.constant 0 : i32
        %parallel_loop3A_642 = tpu.memref_slice %arg8[%parallel_loop3A_615, %parallel_loop3A_640, %parallel_loop3A_641] : memref<2x16x2048xf32, #tpu.memory_space<vmem>> -> memref<1x16x2048xf32, #tpu.memory_space<vmem>>
        %parallel_loop3A_643 = tpu.memref_squeeze %parallel_loop3A_642 : memref<1x16x2048xf32, #tpu.memory_space<vmem>> -> memref<16x2048xf32, #tpu.memory_space<vmem>>
        %parallel_loop3A_644 = arith.index_cast %parallel_loop3A_639 : i32 to index
        %parallel_loop3A_645 = arith.index_cast %parallel_loop3A_619 : i32 to index
        %parallel_loop3A_646 = tpu.vector_load %parallel_loop3A_643[%parallel_loop3A_644, %parallel_loop3A_645] {strides = array<i32>} : memref<16x2048xf32, #tpu.memory_space<vmem>>, vector<16xf32>,
        %parallel_loop3A_647 = arith.mulf %parallel_loop3A_646, %gather3A_572 : vector<16xf32>
        %parallel_loop3A_648 = arith.addf %parallel_loop3A_638, %parallel_loop3A_647 : vector<16xf32>
        %parallel_loop3A_649 = arith.constant 3 : i32
        %parallel_loop3A_650 = arith.constant 0 : i32
        %parallel_loop3A_651 = arith.constant 0 : i32
        %parallel_loop3A_652 = tpu.memref_slice %arg8[%parallel_loop3A_615, %parallel_loop3A_650, %parallel_loop3A_651] : memref<2x16x2048xf32, #tpu.memory_space<vmem>> -> memref<1x16x2048xf32, #tpu.memory_space<vmem>>
        %parallel_loop3A_653 = tpu.memref_squeeze %parallel_loop3A_652 : memref<1x16x2048xf32, #tpu.memory_space<vmem>> -> memref<16x2048xf32, #tpu.memory_space<vmem>>
        %parallel_loop3A_654 = arith.index_cast %parallel_loop3A_649 : i32 to index
        %parallel_loop3A_655 = arith.index_cast %parallel_loop3A_619 : i32 to index
        %parallel_loop3A_656 = tpu.vector_load %parallel_loop3A_653[%parallel_loop3A_654, %parallel_loop3A_655] {strides = array<i32>} : memref<16x2048xf32, #tpu.memory_space<vmem>>, vector<16xf32>,
        %parallel_loop3A_657 = arith.mulf %parallel_loop3A_656, %gather3A_575 : vector<16xf32>
        %parallel_loop3A_658 = arith.addf %parallel_loop3A_648, %parallel_loop3A_657 : vector<16xf32>
        %parallel_loop3A_659 = arith.constant 4 : i32
        %parallel_loop3A_660 = arith.constant 0 : i32
        %parallel_loop3A_661 = arith.constant 0 : i32
        %parallel_loop3A_662 = tpu.memref_slice %arg8[%parallel_loop3A_615, %parallel_loop3A_660, %parallel_loop3A_661] : memref<2x16x2048xf32, #tpu.memory_space<vmem>> -> memref<1x16x2048xf32, #tpu.memory_space<vmem>>
        %parallel_loop3A_663 = tpu.memref_squeeze %parallel_loop3A_662 : memref<1x16x2048xf32, #tpu.memory_space<vmem>> -> memref<16x2048xf32, #tpu.memory_space<vmem>>
        %parallel_loop3A_664 = arith.index_cast %parallel_loop3A_659 : i32 to index
        %parallel_loop3A_665 = arith.index_cast %parallel_loop3A_619 : i32 to index
        %parallel_loop3A_666 = tpu.vector_load %parallel_loop3A_663[%parallel_loop3A_664, %parallel_loop3A_665] {strides = array<i32>} : memref<16x2048xf32, #tpu.memory_space<vmem>>, vector<16xf32>,
        %parallel_loop3A_667 = arith.mulf %parallel_loop3A_666, %gather3A_578 : vector<16xf32>
        %parallel_loop3A_668 = arith.addf %parallel_loop3A_658, %parallel_loop3A_667 : vector<16xf32>
        %parallel_loop3A_669 = arith.constant 5 : i32
        %parallel_loop3A_670 = arith.constant 0 : i32
        %parallel_loop3A_671 = arith.constant 0 : i32
        %parallel_loop3A_672 = tpu.memref_slice %arg8[%parallel_loop3A_615, %parallel_loop3A_670, %parallel_loop3A_671] : memref<2x16x2048xf32, #tpu.memory_space<vmem>> -> memref<1x16x2048xf32, #tpu.memory_space<vmem>>
        %parallel_loop3A_673 = tpu.memref_squeeze %parallel_loop3A_672 : memref<1x16x2048xf32, #tpu.memory_space<vmem>> -> memref<16x2048xf32, #tpu.memory_space<vmem>>
        %parallel_loop3A_674 = arith.index_cast %parallel_loop3A_669 : i32 to index
        %parallel_loop3A_675 = arith.index_cast %parallel_loop3A_619 : i32 to index
        %parallel_loop3A_676 = tpu.vector_load %parallel_loop3A_673[%parallel_loop3A_674, %parallel_loop3A_675] {strides = array<i32>} : memref<16x2048xf32, #tpu.memory_space<vmem>>, vector<16xf32>,
        %parallel_loop3A_677 = arith.mulf %parallel_loop3A_676, %gather3A_581 : vector<16xf32>
        %parallel_loop3A_678 = arith.addf %parallel_loop3A_668, %parallel_loop3A_677 : vector<16xf32>
        %parallel_loop3A_679 = arith.constant 6 : i32
        %parallel_loop3A_680 = arith.constant 0 : i32
        %parallel_loop3A_681 = arith.constant 0 : i32
        %parallel_loop3A_682 = tpu.memref_slice %arg8[%parallel_loop3A_615, %parallel_loop3A_680, %parallel_loop3A_681] : memref<2x16x2048xf32, #tpu.memory_space<vmem>> -> memref<1x16x2048xf32, #tpu.memory_space<vmem>>
        %parallel_loop3A_683 = tpu.memref_squeeze %parallel_loop3A_682 : memref<1x16x2048xf32, #tpu.memory_space<vmem>> -> memref<16x2048xf32, #tpu.memory_space<vmem>>
        %parallel_loop3A_684 = arith.index_cast %parallel_loop3A_679 : i32 to index
        %parallel_loop3A_685 = arith.index_cast %parallel_loop3A_619 : i32 to index
        %parallel_loop3A_686 = tpu.vector_load %parallel_loop3A_683[%parallel_loop3A_684, %parallel_loop3A_685] {strides = array<i32>} : memref<16x2048xf32, #tpu.memory_space<vmem>>, vector<16xf32>,
        %parallel_loop3A_687 = arith.mulf %parallel_loop3A_686, %gather3A_584 : vector<16xf32>
        %parallel_loop3A_688 = arith.addf %parallel_loop3A_678, %parallel_loop3A_687 : vector<16xf32>
        %parallel_loop3A_689 = arith.constant 7 : i32
        %parallel_loop3A_690 = arith.constant 0 : i32
        %parallel_loop3A_691 = arith.constant 0 : i32
        %parallel_loop3A_692 = tpu.memref_slice %arg8[%parallel_loop3A_615, %parallel_loop3A_690, %parallel_loop3A_691] : memref<2x16x2048xf32, #tpu.memory_space<vmem>> -> memref<1x16x2048xf32, #tpu.memory_space<vmem>>
        %parallel_loop3A_693 = tpu.memref_squeeze %parallel_loop3A_692 : memref<1x16x2048xf32, #tpu.memory_space<vmem>> -> memref<16x2048xf32, #tpu.memory_space<vmem>>
        %parallel_loop3A_694 = arith.index_cast %parallel_loop3A_689 : i32 to index
        %parallel_loop3A_695 = arith.index_cast %parallel_loop3A_619 : i32 to index
        %parallel_loop3A_696 = tpu.vector_load %parallel_loop3A_693[%parallel_loop3A_694, %parallel_loop3A_695] {strides = array<i32>} : memref<16x2048xf32, #tpu.memory_space<vmem>>, vector<16xf32>,
        %parallel_loop3A_697 = arith.mulf %parallel_loop3A_696, %gather3A_587 : vector<16xf32>
        %parallel_loop3A_698 = arith.addf %parallel_loop3A_688, %parallel_loop3A_697 : vector<16xf32>
        %parallel_loop3A_699 = arith.constant 8 : i32
        %parallel_loop3A_700 = arith.constant 0 : i32
        %parallel_loop3A_701 = arith.constant 0 : i32
        %parallel_loop3A_702 = tpu.memref_slice %arg8[%parallel_loop3A_615, %parallel_loop3A_700, %parallel_loop3A_701] : memref<2x16x2048xf32, #tpu.memory_space<vmem>> -> memref<1x16x2048xf32, #tpu.memory_space<vmem>>
        %parallel_loop3A_703 = tpu.memref_squeeze %parallel_loop3A_702 : memref<1x16x2048xf32, #tpu.memory_space<vmem>> -> memref<16x2048xf32, #tpu.memory_space<vmem>>
        %parallel_loop3A_704 = arith.index_cast %parallel_loop3A_699 : i32 to index
        %parallel_loop3A_705 = arith.index_cast %parallel_loop3A_619 : i32 to index
        %parallel_loop3A_706 = tpu.vector_load %parallel_loop3A_703[%parallel_loop3A_704, %parallel_loop3A_705] {strides = array<i32>} : memref<16x2048xf32, #tpu.memory_space<vmem>>, vector<16xf32>,
        %parallel_loop3A_707 = arith.mulf %parallel_loop3A_706, %gather3A_590 : vector<16xf32>
        %parallel_loop3A_708 = arith.addf %parallel_loop3A_698, %parallel_loop3A_707 : vector<16xf32>
        %parallel_loop3A_709 = arith.constant 9 : i32
        %parallel_loop3A_710 = arith.constant 0 : i32
        %parallel_loop3A_711 = arith.constant 0 : i32
        %parallel_loop3A_712 = tpu.memref_slice %arg8[%parallel_loop3A_615, %parallel_loop3A_710, %parallel_loop3A_711] : memref<2x16x2048xf32, #tpu.memory_space<vmem>> -> memref<1x16x2048xf32, #tpu.memory_space<vmem>>
        %parallel_loop3A_713 = tpu.memref_squeeze %parallel_loop3A_712 : memref<1x16x2048xf32, #tpu.memory_space<vmem>> -> memref<16x2048xf32, #tpu.memory_space<vmem>>
        %parallel_loop3A_714 = arith.index_cast %parallel_loop3A_709 : i32 to index
        %parallel_loop3A_715 = arith.index_cast %parallel_loop3A_619 : i32 to index
        %parallel_loop3A_716 = tpu.vector_load %parallel_loop3A_713[%parallel_loop3A_714, %parallel_loop3A_715] {strides = array<i32>} : memref<16x2048xf32, #tpu.memory_space<vmem>>, vector<16xf32>,
        %parallel_loop3A_717 = arith.mulf %parallel_loop3A_716, %gather3A_593 : vector<16xf32>
        %parallel_loop3A_718 = arith.addf %parallel_loop3A_708, %parallel_loop3A_717 : vector<16xf32>
        %parallel_loop3A_719 = arith.constant 10 : i32
        %parallel_loop3A_720 = arith.constant 0 : i32
        %parallel_loop3A_721 = arith.constant 0 : i32
        %parallel_loop3A_722 = tpu.memref_slice %arg8[%parallel_loop3A_615, %parallel_loop3A_720, %parallel_loop3A_721] : memref<2x16x2048xf32, #tpu.memory_space<vmem>> -> memref<1x16x2048xf32, #tpu.memory_space<vmem>>
        %parallel_loop3A_723 = tpu.memref_squeeze %parallel_loop3A_722 : memref<1x16x2048xf32, #tpu.memory_space<vmem>> -> memref<16x2048xf32, #tpu.memory_space<vmem>>
        %parallel_loop3A_724 = arith.index_cast %parallel_loop3A_719 : i32 to index
        %parallel_loop3A_725 = arith.index_cast %parallel_loop3A_619 : i32 to index
        %parallel_loop3A_726 = tpu.vector_load %parallel_loop3A_723[%parallel_loop3A_724, %parallel_loop3A_725] {strides = array<i32>} : memref<16x2048xf32, #tpu.memory_space<vmem>>, vector<16xf32>,
        %parallel_loop3A_727 = arith.mulf %parallel_loop3A_726, %gather3A_596 : vector<16xf32>
        %parallel_loop3A_728 = arith.addf %parallel_loop3A_718, %parallel_loop3A_727 : vector<16xf32>
        %parallel_loop3A_729 = arith.constant 11 : i32
        %parallel_loop3A_730 = arith.constant 0 : i32
        %parallel_loop3A_731 = arith.constant 0 : i32
        %parallel_loop3A_732 = tpu.memref_slice %arg8[%parallel_loop3A_615, %parallel_loop3A_730, %parallel_loop3A_731] : memref<2x16x2048xf32, #tpu.memory_space<vmem>> -> memref<1x16x2048xf32, #tpu.memory_space<vmem>>
        %parallel_loop3A_733 = tpu.memref_squeeze %parallel_loop3A_732 : memref<1x16x2048xf32, #tpu.memory_space<vmem>> -> memref<16x2048xf32, #tpu.memory_space<vmem>>
        %parallel_loop3A_734 = arith.index_cast %parallel_loop3A_729 : i32 to index
        %parallel_loop3A_735 = arith.index_cast %parallel_loop3A_619 : i32 to index
        %parallel_loop3A_736 = tpu.vector_load %parallel_loop3A_733[%parallel_loop3A_734, %parallel_loop3A_735] {strides = array<i32>} : memref<16x2048xf32, #tpu.memory_space<vmem>>, vector<16xf32>,
        %parallel_loop3A_737 = arith.mulf %parallel_loop3A_736, %gather3A_599 : vector<16xf32>
        %parallel_loop3A_738 = arith.addf %parallel_loop3A_728, %parallel_loop3A_737 : vector<16xf32>
        %parallel_loop3A_739 = arith.constant 12 : i32
        %parallel_loop3A_740 = arith.constant 0 : i32
        %parallel_loop3A_741 = arith.constant 0 : i32
        %parallel_loop3A_742 = tpu.memref_slice %arg8[%parallel_loop3A_615, %parallel_loop3A_740, %parallel_loop3A_741] : memref<2x16x2048xf32, #tpu.memory_space<vmem>> -> memref<1x16x2048xf32, #tpu.memory_space<vmem>>
        %parallel_loop3A_743 = tpu.memref_squeeze %parallel_loop3A_742 : memref<1x16x2048xf32, #tpu.memory_space<vmem>> -> memref<16x2048xf32, #tpu.memory_space<vmem>>
        %parallel_loop3A_744 = arith.index_cast %parallel_loop3A_739 : i32 to index
        %parallel_loop3A_745 = arith.index_cast %parallel_loop3A_619 : i32 to index
        %parallel_loop3A_746 = tpu.vector_load %parallel_loop3A_743[%parallel_loop3A_744, %parallel_loop3A_745] {strides = array<i32>} : memref<16x2048xf32, #tpu.memory_space<vmem>>, vector<16xf32>,
        %parallel_loop3A_747 = arith.mulf %parallel_loop3A_746, %gather3A_602 : vector<16xf32>
        %parallel_loop3A_748 = arith.addf %parallel_loop3A_738, %parallel_loop3A_747 : vector<16xf32>
        %parallel_loop3A_749 = arith.constant 13 : i32
        %parallel_loop3A_750 = arith.constant 0 : i32
        %parallel_loop3A_751 = arith.constant 0 : i32
        %parallel_loop3A_752 = tpu.memref_slice %arg8[%parallel_loop3A_615, %parallel_loop3A_750, %parallel_loop3A_751] : memref<2x16x2048xf32, #tpu.memory_space<vmem>> -> memref<1x16x2048xf32, #tpu.memory_space<vmem>>
        %parallel_loop3A_753 = tpu.memref_squeeze %parallel_loop3A_752 : memref<1x16x2048xf32, #tpu.memory_space<vmem>> -> memref<16x2048xf32, #tpu.memory_space<vmem>>
        %parallel_loop3A_754 = arith.index_cast %parallel_loop3A_749 : i32 to index
        %parallel_loop3A_755 = arith.index_cast %parallel_loop3A_619 : i32 to index
        %parallel_loop3A_756 = tpu.vector_load %parallel_loop3A_753[%parallel_loop3A_754, %parallel_loop3A_755] {strides = array<i32>} : memref<16x2048xf32, #tpu.memory_space<vmem>>, vector<16xf32>,
        %parallel_loop3A_757 = arith.mulf %parallel_loop3A_756, %gather3A_605 : vector<16xf32>
        %parallel_loop3A_758 = arith.addf %parallel_loop3A_748, %parallel_loop3A_757 : vector<16xf32>
        %parallel_loop3A_759 = arith.constant 14 : i32
        %parallel_loop3A_760 = arith.constant 0 : i32
        %parallel_loop3A_761 = arith.constant 0 : i32
        %parallel_loop3A_762 = tpu.memref_slice %arg8[%parallel_loop3A_615, %parallel_loop3A_760, %parallel_loop3A_761] : memref<2x16x2048xf32, #tpu.memory_space<vmem>> -> memref<1x16x2048xf32, #tpu.memory_space<vmem>>
        %parallel_loop3A_763 = tpu.memref_squeeze %parallel_loop3A_762 : memref<1x16x2048xf32, #tpu.memory_space<vmem>> -> memref<16x2048xf32, #tpu.memory_space<vmem>>
        %parallel_loop3A_764 = arith.index_cast %parallel_loop3A_759 : i32 to index
        %parallel_loop3A_765 = arith.index_cast %parallel_loop3A_619 : i32 to index
        %parallel_loop3A_766 = tpu.vector_load %parallel_loop3A_763[%parallel_loop3A_764, %parallel_loop3A_765] {strides = array<i32>} : memref<16x2048xf32, #tpu.memory_space<vmem>>, vector<16xf32>,
        %parallel_loop3A_767 = arith.mulf %parallel_loop3A_766, %gather3A_608 : vector<16xf32>
        %parallel_loop3A_768 = arith.addf %parallel_loop3A_758, %parallel_loop3A_767 : vector<16xf32>
        %parallel_loop3A_769 = arith.constant 15 : i32
        %parallel_loop3A_770 = arith.constant 0 : i32
        %parallel_loop3A_771 = arith.constant 0 : i32
        %parallel_loop3A_772 = tpu.memref_slice %arg8[%parallel_loop3A_615, %parallel_loop3A_770, %parallel_loop3A_771] : memref<2x16x2048xf32, #tpu.memory_space<vmem>> -> memref<1x16x2048xf32, #tpu.memory_space<vmem>>
        %parallel_loop3A_773 = tpu.memref_squeeze %parallel_loop3A_772 : memref<1x16x2048xf32, #tpu.memory_space<vmem>> -> memref<16x2048xf32, #tpu.memory_space<vmem>>
        %parallel_loop3A_774 = arith.index_cast %parallel_loop3A_769 : i32 to index
        %parallel_loop3A_775 = arith.index_cast %parallel_loop3A_619 : i32 to index
        %parallel_loop3A_776 = tpu.vector_load %parallel_loop3A_773[%parallel_loop3A_774, %parallel_loop3A_775] {strides = array<i32>} : memref<16x2048xf32, #tpu.memory_space<vmem>>, vector<16xf32>,
        %parallel_loop3A_777 = arith.mulf %parallel_loop3A_776, %gather3A_611 : vector<16xf32>
        %parallel_loop3A_778 = arith.addf %parallel_loop3A_768, %parallel_loop3A_777 : vector<16xf32>
        %parallel_loop3A_779 = arith.index_cast %add3A_323 : i32 to index
        %parallel_loop3A_780 = arith.index_cast %parallel_loop3A_619 : i32 to index
        %parallel_loop3A_781 = tpu.vector_load %arg12[%parallel_loop3A_779, %parallel_loop3A_780] {strides = array<i32>} : memref<16x2048xf32, #tpu.memory_space<vmem>>, vector<16xf32>,
        tpu.vector_store %arg12[%parallel_loop3A_779, %parallel_loop3A_780], %parallel_loop3A_778 {strides = array<i32>} : memref<16x2048xf32, #tpu.memory_space<vmem>>, vector<16xf32>,
      } {sc.loop_unroll_factor = 2 : i64, sc.parallel_access}
    }
    %scan3A_23 = arith.constant 8 : i32
    "tpu.region"() ({
      %run_scoped3A = tpu.sem_alloc : memref<!tpu.dma_semaphore, #tpu.memory_space<semaphore_mem>>
      %dma_start3A_24 = arith.constant 0 : i32
      %dma_start3A_25 = tpu.memref_slice %arg5[%mul3A_2, %dma_start3A_24] : memref<512x2048xf32, #tpu.memory_space<hbm>> -> memref<16x2048xf32, #tpu.memory_space<hbm>>
      %dma_start3A_26 = arith.constant 0 : i32
      %dma_start3A_27 = tpu.memref_slice %arg5[%mul3A_2, %dma_start3A_26] : memref<512x2048xf32, #tpu.memory_space<hbm>> -> memref<16x2048xf32, #tpu.memory_space<hbm>>
      tpu.enqueue_dma source(%arg12 : memref<16x2048xf32, #tpu.memory_space<vmem>>) target(%dma_start3A_27 : memref<16x2048xf32, #tpu.memory_space<hbm>>) target_semaphore(%run_scoped3A : memref<!tpu.dma_semaphore, #tpu.memory_space<semaphore_mem>>)
      %dma_wait3A = arith.constant 0 : i32
      %dma_wait3A_28 = tpu.memref_slice %arg5[%mul3A_2, %dma_wait3A] : memref<512x2048xf32, #tpu.memory_space<hbm>> -> memref<16x2048xf32, #tpu.memory_space<hbm>>
      %dma_wait3A_29 = arith.constant 0 : i32
      %dma_wait3A_30 = tpu.memref_slice %arg5[%mul3A_2, %dma_wait3A_29] : memref<512x2048xf32, #tpu.memory_space<hbm>> -> memref<16x2048xf32, #tpu.memory_space<hbm>>
      tpu.wait_dma2 semaphore(%run_scoped3A : memref<!tpu.dma_semaphore, #tpu.memory_space<semaphore_mem>>) src(%arg12 : memref<16x2048xf32, #tpu.memory_space<vmem>>) dst(%dma_wait3A_30 : memref<16x2048xf32, #tpu.memory_space<hbm>>)
      tpu.yield
    }) : () -> ()
    return
  }
}

</mosaic_0001>

<sc_bundles>
// kernel: kernel.3.cloned.1.call-start
scs
__scs_entry_jumppad:
0x0: {  	(pc) =	sbr.rel $0x88, $3  }
0x1: {  	(tag) =	ssettag $0x0;
	lr =	simm.s32 $0x1  }
0x2: {  	[smem:$0x3F9E] =	sst lr;
	_ =	strace $0xD0000000  }
0x3: {  	_ = 	snop  }
0x4: {  	_ = 	snop  }
0x5: {  	_ = 	snop  }
0x6: {  	_ = 	snop  }
0x7: {  	_ = 	snop  }
__scs_overlays_trampoline_lowered:
0x8: {  	[smem:$0x3FAD] =	sst s0  }
0x9: {  	[smem:$0x3FAE] =	sst s1  }
0xa: {  	[smem:$0x3FAF] =	sst s2  }
0xb: {  	[smem:$0x3FB0] =	sst s3  }
0xc: {  	[smem:$0x3FB1] =	sst s4  }
0xd: {  	[smem:$0x3FB2] =	sst s5  }
0xe: {  	[smem:$0x3FB3] =	sst s6  }
0xf: {  	[smem:$0x3FB4] =	sst s7  }
0x10: {  	[smem:$0x3FB5] =	sst s8  }
0x11: {  	[smem:$0x3FB6] =	sst s9;
	s0 =	simm.s32 @!p0 $0x0  }
0x12: {  	s1 =	sld [smem:$0x3F9C];
	s0 =	simm.s32 @p0 $0x1  }
0x13: {  	[smem:$0x3FB7] =	sst s0;
	s0 =	simm.s32 @!p1 $0x0  }
0x14: {  	s2 =	sld [smem:$0x3F9B];
	s0 =	simm.s32 @p1 $0x1  }
0x15: {  	[smem:$0x3FB8] =	sst s0;
	s0 =	simm.s32 @!p2 $0x0  }
0x16: {  	s3 =	sld [smem:$0x3FDB];
	s0 =	simm.s32 @p2 $0x1  }
0x17: {  	s4 =	simm.s32 $0x1BF5;
	[smem:$0x3FBA] =	sst s0  }
0x18: {  	s0 =	sld [smem:$0x3F9D];
	_ =	swait.ge [sflag:s4], $0x0  }
0x19: {  	s7 =	sld [smem:$0x3F9E]  }
0x1a: {  	s8 =	sadd.s32 $0xFFFFE003, lr  }
0x1b: {  	s9 =	sadd.s32 $0xFFFFFEF7, lr;
	s5 =	simm.s32 $0xFFFFFFFF;
	p2 =	slt.u32 s8, $0xFFFFF086  }
0x1c: {  	p1 =	slt.u32 s9, $0xF7A;
	s5 =	simm.s32 @!p2 $0x0  }
0x1d: {  	s5 =	simm.s32 @p1 $0x1;
	p0 =	seq.s32 s7, s2  }
0x1e: {  	s7 =	smul.u32 @!p0 $0xF7A, s2;
	p2 =	seq.s32 @!p0 s5, $0x0  }
0x1f: {  	s9 =	smul.u32 $0xF7A, s1;
	s8 =	simm.s32 @!p0 $0x1BF5;
	p2 =	por !p2, p0  }
0x20: {  	[sflag:s8] =	ssyncset.s32 @!p0 $0xFFFFF086;
	s6 =	sadd.s32 @!p0 s3, s7;
	s7 =	simm.s32 @!p0 $0x108  }
0x21: {  	s3 =	sadd.s32 s3, s9;
	s6 =	sadd.s32 @!p0 $0x88, s6;
	s7 =	simm.s32 @p2 $0x1082  }
0x22: {  	[simem:s7], [sflag:s8] =	dma.local @!p0 [hbm:s6], $0xF7A  }
0x23: {  	s9 =	sor.u32 $0xD0000000, s2;
	s6 =	simm.s32 $0x108;
	_ =	swait.ge @!p0 [sflag:s8], $0x0  }
0x24: {  	s3 =	sadd.s32 $0x88, s3;
	s6 =	simm.s32 @!p1 $0x1082;
	[sflag:s4] =	ssyncset.s32 $0xFFFFF086  }
0x25: {  	[simem:s6], [sflag:s4] =	dma.local [hbm:s3], $0xF7A  }
0x26: {  	[smem:$0x3F9E] =	sst s1;
	(tag) =	ssettag s2;
	_ =	strace s9  }
0x27: {  	s1 =	sld [smem:$0x3FAE]  }
0x28: {  	s2 =	sld [smem:$0x3FAF]  }
0x29: {  	s4 =	sld [smem:$0x3FB1]  }
0x2a: {  	p0 =	seq.s32 s5, $0x0;
	s5 =	sld [smem:$0x3FB2]  }
0x2b: {  	s6 =	sld [smem:$0x3FB3]  }
0x2c: {  	s7 =	sld [smem:$0x3FB4]  }
0x2d: {  	s3 =	simm.s32 $0x108;
	s8 =	sld [smem:$0x3FB5]  }
0x2e: {  	s3 =	simm.s32 @!p0 $0x1082;
	s9 =	sld [smem:$0x3FB6]  }
0x2f: {  	lr =	sadd.s32 s0, s3;
	s0 =	sld [smem:$0x3FAD]  }
0x30: {  	s3 =	sld [smem:$0x3FB0]  }
0x31: {  	[smem:$0x3FB9] =	sst s10  }
0x32: {  	s10 =	sld [smem:$0x3FB7];
	_ =	sdelay $0x3  }
0x33: {  	p0 =	seq.s32 s10, $0x1;
	s10 =	sld [smem:$0x3FB9];
	_ =	sdelay $0x3  }
0x34: {  	[smem:$0x3FB9] =	sst s10  }
0x35: {  	s10 =	sld [smem:$0x3FB8];
	_ =	sdelay $0x3  }
0x36: {  	p1 =	seq.s32 s10, $0x1;
	s10 =	sld [smem:$0x3FB9];
	_ =	sdelay $0x3  }
0x37: {  	[smem:$0x3FB9] =	sst s10  }
0x38: {  	s10 =	sld [smem:$0x3FBA]  }
0x39: {  	_ = 	snop;
	(pc) =	sbr.ind lr, $3  }
0x3a: {  	_ = 	snop  }
0x3b: {  	_ = 	snop  }
0x3c: {  	p2 =	seq.s32 s10, $0x1;
	s10 =	sld [smem:$0x3FB9]  }
0x3d: {  	_ =	shalt  }
0x3e: {  	_ =	shalt  }
0x3f: {  	_ =	shalt  }
0x40: {  	_ =	shalt  }
0x41: {  	_ =	shalt  }
0x42: {  	_ =	shalt  }
0x43: {  	_ =	shalt  }
0x44: {  	_ =	shalt  }
0x45: {  	_ =	shalt  }
0x46: {  	_ =	shalt  }
0x47: {  	_ =	shalt  }
0x48: {  	_ =	shalt  }
0x49: {  	_ =	shalt  }
0x4a: {  	_ =	shalt  }
0x4b: {  	_ =	shalt  }
0x4c: {  	_ =	shalt  }
0x4d: {  	_ =	shalt  }
0x4e: {  	_ =	shalt  }
0x4f: {  	_ =	shalt  }
0x50: {  	_ =	shalt  }
0x51: {  	_ =	shalt  }
0x52: {  	_ =	shalt  }
0x53: {  	_ =	shalt  }
0x54: {  	_ =	shalt  }
0x55: {  	_ =	shalt  }
0x56: {  	_ =	shalt  }
0x57: {  	_ =	shalt  }
0x58: {  	_ =	shalt  }
0x59: {  	_ =	shalt  }
0x5a: {  	_ =	shalt  }
0x5b: {  	_ =	shalt  }
0x5c: {  	_ =	shalt  }
0x5d: {  	_ =	shalt  }
0x5e: {  	_ =	shalt  }
0x5f: {  	_ =	shalt  }
0x60: {  	_ =	shalt  }
0x61: {  	_ =	shalt  }
0x62: {  	_ =	shalt  }
0x63: {  	_ =	shalt  }
0x64: {  	_ =	shalt  }
0x65: {  	_ =	shalt  }
0x66: {  	_ =	shalt  }
0x67: {  	_ =	shalt  }
0x68: {  	_ =	shalt  }
0x69: {  	_ =	shalt  }
0x6a: {  	_ =	shalt  }
0x6b: {  	_ =	shalt  }
0x6c: {  	_ =	shalt  }
0x6d: {  	_ =	shalt  }
0x6e: {  	_ =	shalt  }
0x6f: {  	_ =	shalt  }
0x70: {  	_ =	shalt  }
0x71: {  	_ =	shalt  }
0x72: {  	_ =	shalt  }
0x73: {  	_ =	shalt  }
0x74: {  	_ =	shalt  }
0x75: {  	_ =	shalt  }
0x76: {  	_ =	shalt  }
0x77: {  	_ =	shalt  }
0x78: {  	_ =	shalt  }
0x79: {  	_ =	shalt  }
0x7a: {  	_ =	shalt  }
0x7b: {  	_ =	shalt  }
0x7c: {  	_ =	shalt  }
0x7d: {  	_ =	shalt  }
0x7e: {  	_ =	shalt  }
0x7f: {  	_ =	shalt  }
0x80: {  	_ =	shalt  }
0x81: {  	_ =	shalt  }
0x82: {  	_ =	shalt  }
0x83: {  	_ =	shalt  }
0x84: {  	_ =	shalt  }
0x85: {  	_ =	shalt  }
0x86: {  	_ =	shalt  }
0x87: {  	_ =	shalt  }
.Lfunc_end0:
.L_simem_size_0:
called_computation_lowered:
.L_overlay_start_0:
0x88: {  	s2 =	sld [smem:$0x3FD9]  }
0x89: {  	s3 =	sld [smem:$0x3FFE];
	_ =	sdelay $0x1  }
0x8a: {  	s1 =	srdreg.scid  }
0x8b: {  	s0 =	sand.u32 $0x1, s1  }
0x8c: {  	s17 =	sshll.u32 s0, $0xA;
	s2 =	sadd.s32 s3, s2  }
0x8d: {  	s2 =	sadd.s32 s2, s17  }
0x8e: {  	[smem:$0x3FC5] =	sst s2  }
0x8f: {  	_ = 	snop  }
0x90: {  	s2 =	sld [smem:$0x3FC9]  }
0x91: {  	s18 =	sld [smem:$0x3FC8]  }
0x92: {  	s4 =	sld [smem:$0x3FD0];
	(tm) =	ssettm $0x1  }
0x93: {  	s5 =	sld [smem:$0x3FFB];
	_ =	sdelay $0x3  }
0x94: {  	_ =	strace s5  }
0x95: {  	s5 =	sld [smem:$0x3FFC];
	_ =	sdelay $0x3  }
0x96: {  	_ =	strace s5  }
0x97: {  	s5 =	sld [smem:$0x3FFD];
	_ =	sdelay $0x3  }
0x98: {  	_ =	strace s5  }
0x99: {  	_ =	strace $0x8FFFFFFF  }
0x9a: {  	s19 =	sld [smem:$0x3FDB];
	_ =	sdelay $0x1  }
0x9b: {  	s6 =	simm.s32 $_scs_section_size  }
0x9c: {  	s7 =	simm.s32 $_size__tile_overlayer_lowered;
	s8 =	simm.s32 $_tile_overlayer_lowered  }
0x9d: {  	s22 =	simm.s32 $0x1BFF;
	s21 =	sshll.u32 s8, $0x1;
	s5 =	sadd.s32 s6, s19  }
0x9e: {  	s9 =	simm.s32 $0x0;
	s20 =	sshll.u32 s7, $0x1;
	s7 =	sadd.s32 s21, s5  }
0x9f: {  	[timem:s9], [sflag:s22] =	dma.local [hbm:s7], s20  }
0xa0: {  	_ =	swait.ge [sflag:s22], s20  }
0xa1: {  	s6 =	ssub.s32 $0x0, s20;
	[sflag:s22] =	ssyncset.done $0x0  }
0xa2: {  	[sflag:s22] =	ssyncadd.s32 s6;
	_ =	sdelay $0x1  }
0xa3: {  	s23 =	simm.s32 $0x1B8B  }
0xa4: {  	_ =	swait.ge [sflag:s23], $0x1  }
0xa5: {  	[sflag:s23] =	ssyncset.done $0x0  }
0xa6: {  	s25 =	simm.s32 $0x1B8E;
	s24 =	sld [smem:$0x3FFE];
	[sflag:s23] =	ssyncadd.s32 $0xFFFFFFFF  }
0xa7: {  	s26 =	simm.s32 $execute0_lowered;
	[smem:$0x3FD2] =	sst s25  }
0xa8: {  	s7 =	sshll.u32 s26, $0x1;
	_ =	strace $0x80000046;
	[dreg:$0x1] =	wrdreg $0xFFFFFFFF  }
0xa9: {  	s28 =	simm.s32 $_size_execute0_lowered;
	s5 =	sadd.s32 s5, s7;
	[dreg:$0x0] =	wrdreg $0x0  }
0xaa: {  	s7 =	sshll.u32 s28, $0x1;
	[dreg:$0x2] =	wrdreg s5  }
0xab: {  	[dreg:$0x3] =	wrdreg s7  }
0xac: {  	[dreg:$0x4] =	wrdreg $0xC0  }
0xad: {  	_ =	task [dreg:s9], $0x5FFFF  }
0xae: {  	[dreg:$0x1] =	wrdreg $0xFFFFFFFF  }
0xaf: {  	[dreg:$0x0] =	wrdreg $0x60  }
0xb0: {  	[dreg:$0x2] =	wrdreg s2  }
0xb1: {  	[dreg:$0x3] =	wrdreg s18  }
0xb2: {  	[dreg:$0x4] =	wrdreg s24  }
0xb3: {  	[dreg:$0x5] =	wrdreg s4  }
0xb4: {  	[dreg:$0x6] =	wrdreg $0x9  }
0xb5: {  	_ =	task.clear_ibuf [dreg:s9], $0x7FFFF;
	_ =	strace $0x90000046  }
0xb6: {  	s29 =	simm.s32 $0x9;
	_ =	strace $0x80000048  }
0xb7: {  	_ =	swait.ge [sflag:s29], $0x1  }
0xb8: {  	[sflag:s29] =	ssyncadd.s32 $0xFFFFFFFF  }
0xb9: {  	_ =	strace $0x90000048  }
0xba: {  	_ =	sfence  }
0xbb: {  	s30 =	sld [smem:$0x0];
	_ =	sdelay $0x2  }
0xbc: {  	s31 =	sshll.u32 s1, $0xD;
	s1 =	sshrl.u32 s1, $0x2  }
0xbd: {  	s3 =	sand.u32 $0x4000, s31;
	s1 =	sadd.s32 s1, s30  }
0xbe: {  	s0 =	sor.u32 s3, s0;
	s1 =	sshll.u32 s1, $0x11  }
0xbf: {  	s0 =	sor.u32 s1, s0  }
0xc0: {  	s0 =	sadd.s32 $0x8F2B, s0  }
0xc1: {  	[sflag:s0] =	ssyncadd.remote.s32 $0x1  }
0xc2: {  	_ =	sfence.sel $0xFFFF  }
0xc3: {  	[dreg:$0x0] =	wrdreg $0xFFFFFFFF;
	(pc) =	sbr.abs _section_cstart, $3  }
0xc4: {  	[dreg:$0x1] =	wrdreg $0xFFFFFFFF  }
0xc5: {  	_ =	task.clear_ibuf [dreg:s9], $0x2FFFF;
	_ =	strace $0x9FFFFFFF  }
0xc6: {  	(tm) =	ssettm $0x7FFFFFFF  }
0xc7: {  	_ =	shalt  }
tec
execute0_lowered:
.L_overlay_start_1:
0x0: {  	(tag) =	ssettag $0x1  }
0x1: {  	s1 =	rddreg [dreg:$0x0]  }
0x2: {  	s0 =	rddreg [dreg:$0x2];
	s2 =	srdreg.scid  }
0x3: {  	s6 =	stileid.u32;
	s3 =	rddreg [dreg:$0x3];
	s13 =	simm.s32 $0x0  }
0x4: {  	s2 =	sand.u32 $0x1, s2;
	s4 =	sshll.u32 s6, $0x1;
	[smem:$0x7FF] =	sst s13  }
0x5: {  	v4 =	vlaneseq.u32;
	s31 =	sshll.u32 s6, $0x9;
	s6 =	sadd.s32 $0x100, s1;
	s7 =	sadd.s32 $0x200, s1  }
0x6: {  	vm0 =	vmmov $0xffff;
	s8 =	sadd.s32 $0x300, s1;
	s9 =	sadd.s32 $0x400, s1;
	s10 =	sadd.s32 $0x500, s1;
	v0 =	vmul.u32 $0x10, v4  }
0x7: {  	v35 =	vimm.s32 $0x10;
	s11 =	sadd.s32 $0x600, s1;
	s12 =	sadd.s32 $0x700, s1;
	v3 =	vshrl.u32 v4, $0x3;
	v2 =	vand.u32 $0x7, v4;
	s4 =	sor.u32 s2, s4  }
0x8: {  	s2 =	ssub.s32 $0x2, s2;
	_ =	strace $0x80000047;
	[tilespmem:$0x1FFE0] =	vst v2;
	v3 =	vmul.u32 $0x8, v3;
	v2 =	vor.u32 $0x8, v4;
	s5 =	sshll.u32 s4, $0x5;
	v5 =	vor.u32 $0x1, v0  }
0x9: {  	s30 =	sshrl.u32 s2, $0x1;
	s4 =	sshll.u32 s4, $0xC;
	v6 =	vor.u32 $0x2, v0;
	v7 =	vor.u32 $0x3, v0;
	v8 =	vor.u32 $0x4, v0;
	s0 =	sadd.s32 s5, s0  }
0xa: {  	v9 =	vor.u32 $0x5, v0;
	v10 =	vor.u32 $0x6, v0;
	v11 =	vor.u32 $0x7, v0;
	s2 =	ssub.s32 s2, s30;
	s3 =	sadd.s32 s3, s4;
	s4 =	simm.s32 $0x3  }
0xb: {  	v12 =	vor.u32 $0x8, v0;
	v13 =	vor.u32 $0x9, v0;
	v14 =	vor.u32 $0xA, v0;
	s5 =	simm.s32 $0x10B00;
	s0 =	sadd.s32 $0x400, s0;
	[dreg:$0x8] =	wrdreg s3  }
0xc: {  	v15 =	vor.u32 $0xB, v0;
	v16 =	vor.u32 $0xC, v0;
	v17 =	vor.u32 $0xD, v0;
	s2 =	smax.u32 s2, $0x1;
	[dreg:$0x7] =	wrdreg s0;
	s0 =	sand.u32 $0x1800, s31  }
0xd: {  	[tilespmem:$0x1FFF0] =	vst v2;
	v18 =	vor.u32 $0xE, v0;
	v19 =	vor.u32 $0xF, v0;
	s3 =	simm.s32 $0x0;
	[dreg:$0x9] =	wrdreg s2;
	v1 =	vmov s0;
	s0 =	simm.s32 $0x10A00  }
.LBB2_1:
0xe: {  	[dreg:$0xa] =	wrdreg s3  }
0xf: {  	s2 =	rddreg [dreg:$0x1];
	s30 =	simm.s32 $0x10200  }
0x10: {  	[tilespmem:s30], [sflag:$0x3] =	stream.linear.gather [hbm4b:s2+s13], $0x800, $0x38;
	[tilespmem:$0x18B80] =	vst v63  }
0x11: {  	_ =	swait.ge [sflag:s4], $0x800  }
0x12: {  	[sflag:s4] =	ssyncset.done $0x0  }
0x13: {  	s31 =	rddreg [dreg:$0x7];
	[sflag:s4] =	ssyncadd.s32 $0xFFFFF800  }
0x14: {  	[tilespmem:s13], [sflag:$0x3] =	stream.linear.gather [hbm4b:s31+s13], $0x100, $0x38;
	[tilespmem:$0x18B80] =	vst v63  }
0x15: {  	_ =	swait.ge [sflag:s4], $0x100  }
0x16: {  	[sflag:s4] =	ssyncset.done $0x0  }
0x17: {  	s2 =	simm.s32 $0x0;
	[sflag:s4] =	ssyncadd.s32 $0xFFFFFF00  }
0x18: {  	v20 =	vld [tilespmem:s2+$0x0]  }
0x19: {  	s4 =	simm.s32 $0x40  }
.LBB2_2:
0x1a: {  	p0 =	sne.s32 s4, $0x3C0  }
.Ltmp0:
0x1b: {  	_ = 	snop;
	(pc) =	sbr.rel @p0 .LBB2_2-.Ltmp0, $4  }
0x1c: {  	_ = 	snop  }
0x1d: {  	s14 =	sshra.s32 s4, $0x2;
	s4 =	sadd.s32 $0x40, s4;
	vm1 =	veq.s32 v20, $0xFFFFFFFF;
	v21 =	vadd.s32 v1, v20  }
0x1e: {  	v20 =	vld [tilespmem:s14+$0x0];
	v21 =	vsel vm1, $0x0, v21  }
0x1f: {  	[tilespmem:s2+$0x100] =	vst v21;
	s2 =	smov.u32 s14  }
0x20: {  	_ =	sdelay $0x2  }
0x21: {  	vm1 =	veq.s32 v20, $0xFFFFFFFF;
	v20 =	vadd.s32 v1, v20  }
0x22: {  	v20 =	vsel vm1, $0x0, v20  }
0x23: {  	[tilespmem:s2+$0x100] =	vst v20  }
0x24: {  	v20 =	vld [tilespmem:$0x100];
	_ =	sdelay $0x2  }
0x25: {  	v2 =	vld [tilespmem:$0x1FFE0];
	_ =	sdelay $0x1  }
0x26: {  	v21 =	vshll.u32 v20, $0x4  }
0x27: {  	v20 =	vand.u32 $0x7, v20;
	v21 =	vand.u32 $0xFFFFFF80, v21  }
0x28: {  	v20 =	vor.u32 v20, v21  }
0x29: {  	v21 =	vperm.xlane v20, v2;
	_ =	sdelay $0x1  }
0x2a: {  	v21 =	vadd.s32 v3, v21;
	_ =	sdelay $0x3  }
0x2b: {  	s4 =	simm.s32 $0x0;
	s15 =	simm.s32 $0x200  }
0x2c: {  	[tilespmem:s15], [sflag:$0x1] =	stream.indirect_vreg.gather [hbm4b:s1+s4], $0x80, v21, vm0, $0xb8;
	[tilespmem:$0x18B80] =	vst v63  }
0x2d: {  	s16 =	simm.s32 $0xA00  }
0x2e: {  	[tilespmem:s16], [sflag:$0x1] =	stream.indirect_vreg.gather [hbm4b:s6+s4], $0x80, v21, vm0, $0xb8;
	[tilespmem:$0x18B80] =	vst v63  }
0x2f: {  	s17 =	simm.s32 $0x1200  }
0x30: {  	v2 =	vld [tilespmem:$0x1FFF0];
	[tilespmem:s17], [sflag:$0x1] =	stream.indirect_vreg.gather [hbm4b:s7+s4], $0x80, v21, vm0, $0xb8  }
0x31: {  	s18 =	simm.s32 $0x1A00  }
0x32: {  	[tilespmem:s18], [sflag:$0x1] =	stream.indirect_vreg.gather [hbm4b:s8+s4], $0x80, v21, vm0, $0xb8;
	[tilespmem:$0x18B80] =	vst v63  }
0x33: {  	s19 =	simm.s32 $0x2200  }
0x34: {  	[tilespmem:s19], [sflag:$0x1] =	stream.indirect_vreg.gather [hbm4b:s9+s4], $0x80, v21, vm0, $0xb8;
	[tilespmem:$0x18B80] =	vst v63  }
0x35: {  	s20 =	simm.s32 $0x2A00;
	v20 =	vperm.xlane v20, v2  }
0x36: {  	[tilespmem:s20], [sflag:$0x1] =	stream.indirect_vreg.gather [hbm4b:s10+s4], $0x80, v21, vm0, $0xb8;
	[tilespmem:$0x18B80] =	vst v63  }
0x37: {  	s21 =	simm.s32 $0x3200;
	v20 =	vadd.s32 v3, v20  }
0x38: {  	[tilespmem:s21], [sflag:$0x1] =	stream.indirect_vreg.gather [hbm4b:s11+s4], $0x80, v21, vm0, $0xb8;
	[tilespmem:$0x18B80] =	vst v63  }
0x39: {  	s22 =	simm.s32 $0x3A00  }
0x3a: {  	[tilespmem:s22], [sflag:$0x1] =	stream.indirect_vreg.gather [hbm4b:s12+s4], $0x80, v21, vm0, $0xb8;
	[tilespmem:$0x18B80] =	vst v63  }
0x3b: {  	s23 =	simm.s32 $0x4200  }
0x3c: {  	[tilespmem:s23], [sflag:$0x1] =	stream.indirect_vreg.gather [hbm4b:s1+s4], $0x80, v20, vm0, $0xb8;
	[tilespmem:$0x18B80] =	vst v63  }
0x3d: {  	s24 =	simm.s32 $0x4A00  }
0x3e: {  	[tilespmem:s24], [sflag:$0x1] =	stream.indirect_vreg.gather [hbm4b:s6+s4], $0x80, v20, vm0, $0xb8;
	[tilespmem:$0x18B80] =	vst v63  }
0x3f: {  	s25 =	simm.s32 $0x5200  }
0x40: {  	[tilespmem:s25], [sflag:$0x1] =	stream.indirect_vreg.gather [hbm4b:s7+s4], $0x80, v20, vm0, $0xb8;
	[tilespmem:$0x18B80] =	vst v63  }
0x41: {  	s26 =	simm.s32 $0x5A00  }
0x42: {  	[tilespmem:s26], [sflag:$0x1] =	stream.indirect_vreg.gather [hbm4b:s8+s4], $0x80, v20, vm0, $0xb8;
	[tilespmem:$0x18B80] =	vst v63  }
0x43: {  	s28 =	simm.s32 $0x6200  }
0x44: {  	[tilespmem:s28], [sflag:$0x1] =	stream.indirect_vreg.gather [hbm4b:s9+s4], $0x80, v20, vm0, $0xb8;
	[tilespmem:$0x18B80] =	vst v63  }
0x45: {  	s29 =	simm.s32 $0x6A00  }
0x46: {  	[tilespmem:s29], [sflag:$0x1] =	stream.indirect_vreg.gather [hbm4b:s10+s4], $0x80, v20, vm0, $0xb8;
	[tilespmem:$0x18B80] =	vst v63  }
0x47: {  	s30 =	simm.s32 $0x7200  }
0x48: {  	[tilespmem:s30], [sflag:$0x1] =	stream.indirect_vreg.gather [hbm4b:s11+s4], $0x80, v20, vm0, $0xb8;
	[tilespmem:$0x18B80] =	vst v63  }
0x49: {  	s31 =	simm.s32 $0x7A00;
	s16 =	simm.s32 $0x0  }
0x4a: {  	[tilespmem:s31], [sflag:$0x1] =	stream.indirect_vreg.gather [hbm4b:s12+s4], $0x80, v20, vm0, $0xb8;
	[tilespmem:$0x18B80] =	vst v63  }
.LBB2_4:
0x4b: {  	s14 =	sshllo.u32 s16, $0x1  }
0x4c: {  	s2 =	sshll.u32 s14, $0x4  }
0x4d: {  	v20 =	vld [tilespmem:s2+$0x100];
	_ =	sdelay $0x2  }
0x4e: {  	v2 =	vld [tilespmem:$0x1FFE0];
	_ =	sdelay $0x1  }
0x4f: {  	v21 =	vshll.u32 v20, $0x4  }
0x50: {  	v20 =	vand.u32 $0x7, v20;
	v21 =	vand.u32 $0xFFFFFF80, v21  }
0x51: {  	v20 =	vor.u32 v20, v21  }
0x52: {  	v21 =	vperm.xlane v20, v2;
	_ =	sdelay $0x1  }
0x53: {  	v21 =	vadd.s32 v3, v21;
	_ =	sdelay $0x3  }
0x54: {  	s3 =	simm.s32 $0x8200  }
0x55: {  	[tilespmem:s3], [sflag:$0x2] =	stream.indirect_vreg.gather [hbm4b:s1+s4], $0x80, v21, vm0, $0xb8;
	[tilespmem:$0x18B80] =	vst v63  }
0x56: {  	s28 =	simm.s32 $0x8A00  }
0x57: {  	[tilespmem:s28], [sflag:$0x2] =	stream.indirect_vreg.gather [hbm4b:s6+s4], $0x80, v21, vm0, $0xb8;
	[tilespmem:$0x18B80] =	vst v63  }
0x58: {  	s29 =	simm.s32 $0x9200  }
0x59: {  	v2 =	vld [tilespmem:$0x1FFF0];
	[tilespmem:s29], [sflag:$0x2] =	stream.indirect_vreg.gather [hbm4b:s7+s4], $0x80, v21, vm0, $0xb8  }
0x5a: {  	s30 =	simm.s32 $0x9A00  }
0x5b: {  	[tilespmem:s30], [sflag:$0x2] =	stream.indirect_vreg.gather [hbm4b:s8+s4], $0x80, v21, vm0, $0xb8;
	[tilespmem:$0x18B80] =	vst v63  }
0x5c: {  	s31 =	simm.s32 $0xA200  }
0x5d: {  	[tilespmem:s31], [sflag:$0x2] =	stream.indirect_vreg.gather [hbm4b:s9+s4], $0x80, v21, vm0, $0xb8;
	[tilespmem:$0x18B80] =	vst v63  }
0x5e: {  	s13 =	simm.s32 $0xAA00;
	v20 =	vperm.xlane v20, v2  }
0x5f: {  	[tilespmem:s13], [sflag:$0x2] =	stream.indirect_vreg.gather [hbm4b:s10+s4], $0x80, v21, vm0, $0xb8;
	[tilespmem:$0x18B80] =	vst v63  }
0x60: {  	s15 =	simm.s32 $0xB200;
	v20 =	vadd.s32 v3, v20  }
0x61: {  	[tilespmem:s15], [sflag:$0x2] =	stream.indirect_vreg.gather [hbm4b:s11+s4], $0x80, v21, vm0, $0xb8;
	[tilespmem:$0x18B80] =	vst v63  }
0x62: {  	s17 =	simm.s32 $0xBA00  }
0x63: {  	[tilespmem:s17], [sflag:$0x2] =	stream.indirect_vreg.gather [hbm4b:s12+s4], $0x80, v21, vm0, $0xb8;
	[tilespmem:$0x18B80] =	vst v63  }
0x64: {  	s18 =	simm.s32 $0xC200  }
0x65: {  	[tilespmem:s18], [sflag:$0x2] =	stream.indirect_vreg.gather [hbm4b:s1+s4], $0x80, v20, vm0, $0xb8;
	[tilespmem:$0x18B80] =	vst v63  }
0x66: {  	s19 =	simm.s32 $0xCA00  }
0x67: {  	[tilespmem:s19], [sflag:$0x2] =	stream.indirect_vreg.gather [hbm4b:s6+s4], $0x80, v20, vm0, $0xb8;
	[tilespmem:$0x18B80] =	vst v63  }
0x68: {  	s20 =	simm.s32 $0xD200  }
0x69: {  	[tilespmem:s20], [sflag:$0x2] =	stream.indirect_vreg.gather [hbm4b:s7+s4], $0x80, v20, vm0, $0xb8;
	[tilespmem:$0x18B80] =	vst v63  }
0x6a: {  	s21 =	simm.s32 $0xDA00  }
0x6b: {  	[tilespmem:s21], [sflag:$0x2] =	stream.indirect_vreg.gather [hbm4b:s8+s4], $0x80, v20, vm0, $0xb8;
	[tilespmem:$0x18B80] =	vst v63  }
0x6c: {  	s22 =	simm.s32 $0xE200  }
0x6d: {  	[tilespmem:s22], [sflag:$0x2] =	stream.indirect_vreg.gather [hbm4b:s9+s4], $0x80, v20, vm0, $0xb8;
	[tilespmem:$0x18B80] =	vst v63  }
0x6e: {  	s23 =	simm.s32 $0xEA00  }
0x6f: {  	[tilespmem:s23], [sflag:$0x2] =	stream.indirect_vreg.gather [hbm4b:s10+s4], $0x80, v20, vm0, $0xb8;
	[tilespmem:$0x18B80] =	vst v63  }
0x70: {  	s24 =	simm.s32 $0xF200  }
0x71: {  	[tilespmem:s24], [sflag:$0x2] =	stream.indirect_vreg.gather [hbm4b:s11+s4], $0x80, v20, vm0, $0xb8;
	[tilespmem:$0x18B80] =	vst v63  }
0x72: {  	s25 =	simm.s32 $0xFA00;
	s26 =	simm.s32 $0x1  }
0x73: {  	[tilespmem:s25], [sflag:$0x2] =	stream.indirect_vreg.gather [hbm4b:s12+s4], $0x80, v20, vm0, $0xb8;
	[tilespmem:$0x18B80] =	vst v63  }
0x74: {  	s15 =	simm.s32 $0x10200;
	_ =	swait.ge [sflag:s26], $0x8000  }
0x75: {  	s17 =	sand.u32 $0x780, s4;
	s20 =	sand.u32 $0x60, s4;
	[sflag:s26] =	ssyncset.done $0x0  }
0x76: {  	s19 =	sand.u32 $0x3C00, s4;
	s18 =	sor.u32 $0x10, s20;
	[sflag:s26] =	ssyncadd.s32 $0xFFFF8000  }
0x77: {  	s17 =	sor.u32 s18, s17;
	s24 =	sor.u32 $0x200, s19;
	v37 =	vld [tilespmem:s15+$0x0]  }
0x78: {  	s28 =	sor.u32 s18, s24;
	v36 =	vld [tilespmem:s17+$0x10200]  }
0x79: {  	v20 =	vld [tilespmem:s28+$0x0]  }
0x7a: {  	v21 =	vld [tilespmem:s28+$0x80]  }
0x7b: {  	v22 =	vld [tilespmem:s28+$0x100]  }
0x7c: {  	v23 =	vld [tilespmem:s28+$0x180]  }
0x7d: {  	s25 =	sor.u32 $0x4200, s19;
	v24 =	vld [tilespmem:s28+$0x200]  }
0x7e: {  	s23 =	sor.u32 $0x4380, s19;
	s29 =	sor.u32 s18, s25;
	v25 =	vld [tilespmem:s28+$0x280]  }
0x7f: {  	s22 =	sadd.s32 $0x4400, s19;
	s3 =	sor.u32 s18, s23;
	v26 =	vld [tilespmem:s29+$0x0]  }
0x80: {  	s13 =	sor.u32 s18, s22;
	v40 =	vld [tilespmem:s3+$0x0]  }
0x81: {  	s24 =	sor.u32 s20, s24;
	v41 =	vld [tilespmem:s13+$0x0]  }
0x82: {  	v43 =	vld [tilespmem:s24+$0x0]  }
0x83: {  	v44 =	vld [tilespmem:s24+$0x80]  }
0x84: {  	v45 =	vld [tilespmem:s24+$0x100]  }
0x85: {  	v46 =	vld [tilespmem:s24+$0x180]  }
0x86: {  	s26 =	sor.u32 $0x4280, s19;
	v47 =	vld [tilespmem:s24+$0x200];
	v20 =	vmul.f32 v20, v36;
	v21 =	vmul.f32 v21, v36  }
0x87: {  	s28 =	sor.u32 $0x4300, s19;
	s30 =	sor.u32 s18, s26;
	v48 =	vld [tilespmem:s24+$0x280];
	v22 =	vmul.f32 v22, v36;
	v23 =	vmul.f32 v23, v36  }
0x88: {  	s21 =	sadd.s32 $0x4480, s19;
	v38 =	vld [tilespmem:s30+$0x0];
	s31 =	sor.u32 s18, s28;
	v53 =	vmul.f32 v24, v36;
	v55 =	vmul.f32 v25, v36  }
0x89: {  	s29 =	sor.u32 s18, s21;
	s30 =	sand.u32 $0x3, s4;
	v39 =	vld [tilespmem:s31+$0x0];
	v54 =	vmul.f32 v26, v36;
	v50 =	vmul.f32 v40, v36  }
0x8a: {  	v42 =	vld [tilespmem:s29+$0x0];
	s17 =	sshll.u32 s30, $0x5;
	s31 =	sor.u32 s20, s25;
	v41 =	vmul.f32 v41, v36;
	v63 =	vmul.f32 v43, v37  }
0x8b: {  	s3 =	sor.u32 s20, s26;
	s17 =	sadd.s32 $0x0, s17;
	v24 =	vld [tilespmem:s31+$0x0];
	v28 =	vmul.f32 v44, v37;
	v30 =	vmul.f32 v45, v37  }
0x8c: {  	s13 =	sor.u32 $0x300, s17;
	v25 =	vld [tilespmem:s3+$0x0];
	v31 =	vmul.f32 v46, v37;
	v32 =	vmul.f32 v47, v37  }
0x8d: {  	s25 =	sor.u32 $0x380, s17;
	s17 =	sadd.s32 $0x10, s17;
	v26 =	vld [tilespmem:s13+$0x200];
	v33 =	vmul.f32 v48, v37;
	v47 =	vimm.f32 $0.0e+00;
	v48 =	vimm.f32 $0.0e+00  }
0x8e: {  	v29 =	vld [tilespmem:s25+$0x200];
	s26 =	sor.u32 $0x300, s17;
	v46 =	vimm.f32 $0.0e+00;
	v52 =	vmul.f32 v39, v36;
	v39 =	vimm.f32 $0.0e+00  }
0x8f: {  	s28 =	sor.u32 s20, s28;
	v44 =	vimm.f32 $0.0e+00;
	v51 =	vmul.f32 v38, v36;
	v56 =	vld [tilespmem:s26+$0x200];
	v38 =	vadd.f32 v63, v39  }
0x90: {  	v57 =	vld [tilespmem:s28+$0x0];
	s17 =	sor.u32 $0x380, s17;
	v40 =	vmul.f32 v42, v36;
	v49 =	vadd.f32 v28, v39;
	v58 =	vadd.f32 v31, v39  }
0x91: {  	s22 =	sor.u32 s20, s22;
	v34 =	vld [tilespmem:s17+$0x200];
	v61 =	vmul.f32 v24, v37;
	v24 =	vadd.f32 v30, v39;
	v62 =	vmul.f32 v25, v37  }
0x92: {  	s23 =	sor.u32 s20, s23;
	s17 =	sshll.u32 s16, $0x7;
	v63 =	vld [tilespmem:s22+$0x0];
	v42 =	vadd.f32 v20, v38;
	v26 =	vmul.f32 v26, v37;
	v43 =	vadd.f32 v21, v49  }
0x93: {  	s29 =	sshrl.u32 s17, $0x2;
	v21 =	vmul.f32 v29, v37;
	v49 =	vadd.f32 v23, v58;
	v20 =	vld [tilespmem:s23+$0x0];
	v23 =	vadd.f32 v33, v39  }
0x94: {  	s21 =	sor.u32 s20, s21;
	s30 =	sadd.s32 $0x4500, s19;
	v38 =	vld [tilespmem:s29+$0x0];
	v25 =	vmul.f32 v56, v36;
	v45 =	vadd.f32 v22, v24;
	v22 =	vadd.f32 v32, v39  }
0x95: {  	s24 =	sadd.s32 $0x4580, s19;
	s31 =	sor.u32 s20, s30;
	v56 =	vimm.f32 $0.0e+00;
	v59 =	vadd.f32 v26, v39;
	v60 =	vadd.f32 v21, v39;
	v21 =	vld [tilespmem:s21+$0x0]  }
0x96: {  	s19 =	simm.s32 $0x0;
	s20 =	sor.u32 s20, s24;
	s25 =	sor.u32 s18, s30;
	v26 =	vmul.f32 v34, v36;
	v24 =	vmul.f32 v57, v37;
	v58 =	vadd.f32 v53, v22;
	v22 =	vld [tilespmem:s31+$0x0]  }
0x97: {  	s22 =	simm.s32 $0x0;
	v55 =	vadd.f32 v55, v23;
	v57 =	vimm.f32 $0.0e+00;
	v23 =	vld [tilespmem:s20+$0x0];
	s20 =	simm.s32 $0x100;
	s21 =	simm.s32 $0x20;
	v53 =	vimm.f32 $0.0e+00  }
.LBB2_5:
0x98: {  	s23 =	sand.u32 $0x60, s21;
	v20 =	vmul.f32 v20, v37;
	v59 =	vadd.f32 v25, v59;
	v60 =	vadd.f32 v26, v60;
	v25 =	vld [tilespmem:s25+$0x0];
	s25 =	sor.u32 s18, s24;
	s15 =	sadd.s32 $0x20, s15  }
0x99: {  	s24 =	sand.u32 $0x3C00, s20;
	s26 =	sand.u32 $0x780, s21;
	v26 =	vadd.f32 v61, v39;
	v57 =	vadd.f32 v62, v57;
	s18 =	sor.u32 $0x10, s23;
	v61 =	vmul.f32 v63, v37;
	v62 =	vld [tilespmem:s25+$0x0]  }
0x9a: {  	s30 =	sor.u32 $0x200, s24;
	v24 =	vadd.f32 v24, v56;
	v63 =	vld [tilespmem:s15+$0x0];
	s25 =	sor.u32 s18, s26;
	v20 =	vadd.f32 v20, v53;
	v21 =	vmul.f32 v21, v37  }
0x9b: {  	v39 =	vadd.f32 v54, v26;
	v57 =	vadd.f32 v51, v57;
	v27 =	vld [tilespmem:s25+$0x10200];
	s25 =	sor.u32 s18, s30;
	v22 =	vmul.f32 v22, v37  }
0x9c: {  	v56 =	vadd.f32 v52, v24;
	v26 =	vld [tilespmem:s25+$0x0];
	v23 =	vmul.f32 v23, v37;
	v53 =	vadd.f32 v50, v20  }
0x9d: {  	v24 =	vadd.f32 v61, v47;
	v21 =	vadd.f32 v21, v48;
	v20 =	vld [tilespmem:s25+$0x80];
	v25 =	vmul.f32 v25, v36  }
0x9e: {  	v22 =	vadd.f32 v22, v46;
	v50 =	vld [tilespmem:s25+$0x100];
	v23 =	vadd.f32 v23, v44;
	v2 =	vmul.f32 v62, v36  }
0x9f: {  	v47 =	vadd.f32 v41, v24;
	v48 =	vadd.f32 v40, v21;
	v51 =	vld [tilespmem:s25+$0x180];
	v37 =	vmov v63  }
0xa0: {  	s31 =	sor.u32 $0x4200, s24;
	v46 =	vadd.f32 v25, v22;
	v21 =	vld [tilespmem:s25+$0x200];
	v44 =	vadd.f32 v2, v23;
	v36 =	vmov v27  }
0xa1: {  	s3 =	sor.u32 $0x4280, s24;
	v22 =	vld [tilespmem:s25+$0x280];
	s25 =	sor.u32 s18, s31  }
0xa2: {  	s29 =	sor.u32 $0x4300, s24;
	v23 =	vld [tilespmem:s25+$0x0];
	s25 =	sor.u32 s18, s3  }
0xa3: {  	s26 =	sor.u32 $0x4380, s24;
	v24 =	vld [tilespmem:s25+$0x0];
	s25 =	sor.u32 s18, s29  }
0xa4: {  	s28 =	sadd.s32 $0x4400, s24;
	s13 =	sor.u32 s18, s26;
	v25 =	vld [tilespmem:s25+$0x0]  }
0xa5: {  	s25 =	sadd.s32 $0x4480, s24;
	v27 =	vld [tilespmem:s13+$0x0];
	s13 =	sor.u32 s18, s28  }
0xa6: {  	v40 =	vld [tilespmem:s13+$0x0];
	s13 =	sor.u32 s18, s25  }
0xa7: {  	s30 =	sor.u32 s23, s30;
	v61 =	vld [tilespmem:s13+$0x0]  }
0xa8: {  	v62 =	vld [tilespmem:s30+$0x0]  }
0xa9: {  	v63 =	vld [tilespmem:s30+$0x80]  }
0xaa: {  	v26 =	vmul.f32 v26, v36;
	v28 =	vmul.f32 v20, v36;
	v2 =	vld [tilespmem:s30+$0x100]  }
0xab: {  	s22 =	sadd.s32 $0x1, s22;
	v29 =	vmul.f32 v50, v36;
	v30 =	vmul.f32 v51, v36;
	v20 =	vld [tilespmem:s30+$0x180]  }
0xac: {  	v32 =	vmul.f32 v21, v36;
	v4 =	vmul.f32 v22, v36;
	s13 =	sand.u32 $0x3, s22;
	v31 =	vld [tilespmem:s30+$0x200]  }
0xad: {  	v54 =	vmul.f32 v23, v36;
	s13 =	sshll.u32 s13, $0x5;
	v51 =	vmul.f32 v24, v36;
	v21 =	vld [tilespmem:s30+$0x280];
	s30 =	sor.u32 s23, s31  }
0xae: {  	s3 =	sor.u32 s23, s3;
	s13 =	sadd.s32 s13, s20;
	v52 =	vmul.f32 v25, v36;
	v50 =	vmul.f32 v27, v36;
	v22 =	vld [tilespmem:s30+$0x0]  }
0xaf: {  	v41 =	vmul.f32 v40, v36;
	v40 =	vmul.f32 v61, v36;
	s30 =	sor.u32 $0x300, s13;
	v23 =	vld [tilespmem:s3+$0x0]  }
0xb0: {  	v24 =	vmul.f32 v62, v37;
	v25 =	vmul.f32 v63, v37;
	s3 =	sor.u32 $0x380, s13;
	s13 =	sadd.s32 $0x10, s13;
	v27 =	vld [tilespmem:s30+$0x200]  }
0xb1: {  	v2 =	vmul.f32 v2, v37;
	v20 =	vmul.f32 v20, v37;
	v63 =	vld [tilespmem:s3+$0x200];
	s3 =	sor.u32 $0x300, s13  }
0xb2: {  	v31 =	vmul.f32 v31, v37;
	v21 =	vmul.f32 v21, v37;
	v33 =	vld [tilespmem:s3+$0x200];
	s3 =	sor.u32 $0x380, s13  }
0xb3: {  	s19 =	sadd.s32 $0x2, s19;
	v24 =	vadd.f32 v24, v42;
	v25 =	vadd.f32 v25, v43;
	s13 =	sor.u32 s23, s29;
	v61 =	vmul.f32 v22, v37;
	v34 =	vld [tilespmem:s3+$0x200]  }
0xb4: {  	p0 =	slt.u32 s19, $0x7E;
	v2 =	vadd.f32 v2, v45;
	v22 =	vadd.f32 v20, v49;
	s3 =	sor.u32 s23, s26;
	v62 =	vmul.f32 v23, v37;
	v23 =	vld [tilespmem:s13+$0x0]  }
.Ltmp1:
0xb5: {  	v42 =	vadd.f32 v26, v24;
	v43 =	vadd.f32 v28, v25;
	v27 =	vmul.f32 v27, v37;
	v20 =	vld [tilespmem:s3+$0x0];
	s3 =	sor.u32 s23, s28;
	(pc) =	sbr.rel @p0 .LBB2_5-.Ltmp1, $4  }
0xb6: {  	v45 =	vadd.f32 v29, v2;
	s13 =	sadd.s32 $0x4500, s24;
	v49 =	vadd.f32 v30, v22;
	v24 =	vmul.f32 v63, v37;
	v63 =	vld [tilespmem:s3+$0x0];
	s3 =	sor.u32 s23, s25  }
0xb7: {  	v2 =	vadd.f32 v31, v58;
	v28 =	vadd.f32 v21, v55;
	s24 =	sadd.s32 $0x4580, s24;
	v21 =	vld [tilespmem:s3+$0x0];
	s3 =	sor.u32 s23, s13;
	v25 =	vmul.f32 v33, v36  }
0xb8: {  	v59 =	vadd.f32 v27, v59;
	v60 =	vadd.f32 v24, v60;
	v22 =	vld [tilespmem:s3+$0x0];
	s3 =	sor.u32 s23, s24;
	v26 =	vmul.f32 v34, v36  }
0xb9: {  	s21 =	sadd.s32 $0x20, s21;
	s20 =	sadd.s32 $0x100, s20;
	v58 =	vadd.f32 v32, v2;
	v55 =	vadd.f32 v4, v28;
	s25 =	sor.u32 s18, s13;
	v24 =	vmul.f32 v23, v37;
	v23 =	vld [tilespmem:s3+$0x0]  }
0xba: {  	v2 =	vld [tilespmem:s25+$0x0];
	s3 =	sor.u32 s18, s24  }
0xbb: {  	v4 =	vld [tilespmem:s3+$0x0];
	[tilespmem:$0x10A00] =	vst v42  }
0xbc: {  	[tilespmem:$0x10A10] =	vst v43  }
0xbd: {  	[tilespmem:$0x10A20] =	vst v45  }
0xbe: {  	[tilespmem:$0x10A30] =	vst v49  }
0xbf: {  	v25 =	vadd.f32 v25, v59;
	v27 =	vadd.f32 v61, v39;
	[tilespmem:$0x10A40] =	vst v58  }
0xc0: {  	v26 =	vadd.f32 v26, v60;
	v28 =	vadd.f32 v62, v57;
	v20 =	vmul.f32 v20, v37;
	[tilespmem:$0x10A50] =	vst v55  }
0xc1: {  	v24 =	vadd.f32 v24, v56;
	v29 =	vmul.f32 v63, v37;
	v27 =	vadd.f32 v54, v27;
	[tilespmem:$0x10A60] =	vst v25  }
0xc2: {  	v20 =	vadd.f32 v20, v53;
	v21 =	vmul.f32 v21, v37;
	v25 =	vadd.f32 v51, v28;
	[tilespmem:$0x10A70] =	vst v26  }
0xc3: {  	v22 =	vmul.f32 v22, v37;
	v24 =	vadd.f32 v52, v24;
	v26 =	vadd.f32 v29, v47;
	[tilespmem:$0x10A80] =	vst v27  }
0xc4: {  	v23 =	vmul.f32 v23, v37;
	v20 =	vadd.f32 v50, v20;
	v21 =	vadd.f32 v21, v48;
	[tilespmem:$0x10A90] =	vst v25  }
0xc5: {  	v2 =	vmul.f32 v2, v36;
	v22 =	vadd.f32 v22, v46;
	v25 =	vadd.f32 v41, v26;
	[tilespmem:$0x10AA0] =	vst v24  }
0xc6: {  	v23 =	vadd.f32 v23, v44;
	v4 =	vmul.f32 v4, v36;
	v21 =	vadd.f32 v40, v21;
	[tilespmem:$0x10AB0] =	vst v20  }
0xc7: {  	v2 =	vadd.f32 v2, v22;
	[tilespmem:$0x10AC0] =	vst v25  }
0xc8: {  	v4 =	vadd.f32 v4, v23;
	[tilespmem:$0x10AD0] =	vst v21  }
0xc9: {  	[tilespmem:$0x10AE0] =	vst v2  }
0xca: {  	[tilespmem:$0x10AF0] =	vst v4  }
0xcb: {  	v2 =	vld.idx.msk [tilespmem:v0+s0+$0x0], $0xffff;
	_ =	sdelay $0x1  }
0xcc: {  	v4 =	vld.idx.msk [tilespmem:v5+s0+$0x0], $0xffff;
	_ =	sdelay $0x1  }
0xcd: {  	v20 =	vld.idx.msk [tilespmem:v6+s0+$0x0], $0xffff  }
0xce: {  	v2 =	vadd.f32 $0.0e+00, v2  }
0xcf: {  	v21 =	vld.idx.msk [tilespmem:v7+s0+$0x0], $0xffff  }
0xd0: {  	v2 =	vadd.f32 v4, v2  }
0xd1: {  	v4 =	vld.idx.msk [tilespmem:v8+s0+$0x0], $0xffff  }
0xd2: {  	v2 =	vadd.f32 v20, v2  }
0xd3: {  	v20 =	vld.idx.msk [tilespmem:v9+s0+$0x0], $0xffff  }
0xd4: {  	v2 =	vadd.f32 v21, v2  }
0xd5: {  	v21 =	vld.idx.msk [tilespmem:v10+s0+$0x0], $0xffff  }
0xd6: {  	v2 =	vadd.f32 v4, v2  }
0xd7: {  	v4 =	vld.idx.msk [tilespmem:v11+s0+$0x0], $0xffff  }
0xd8: {  	v2 =	vadd.f32 v20, v2  }
0xd9: {  	v20 =	vld.idx.msk [tilespmem:v12+s0+$0x0], $0xffff  }
0xda: {  	v2 =	vadd.f32 v21, v2  }
0xdb: {  	v21 =	vld.idx.msk [tilespmem:v13+s0+$0x0], $0xffff  }
0xdc: {  	v2 =	vadd.f32 v4, v2  }
0xdd: {  	v4 =	vld.idx.msk [tilespmem:v14+s0+$0x0], $0xffff  }
0xde: {  	v2 =	vadd.f32 v20, v2  }
0xdf: {  	v20 =	vld.idx.msk [tilespmem:v15+s0+$0x0], $0xffff  }
0xe0: {  	v2 =	vadd.f32 v21, v2  }
0xe1: {  	v21 =	vld.idx.msk [tilespmem:v16+s0+$0x0], $0xffff  }
0xe2: {  	v2 =	vadd.f32 v4, v2  }
0xe3: {  	v4 =	vld.idx.msk [tilespmem:v17+s0+$0x0], $0xffff  }
0xe4: {  	v2 =	vadd.f32 v20, v2  }
0xe5: {  	v20 =	vld.idx.msk [tilespmem:v18+s0+$0x0], $0xffff  }
0xe6: {  	v2 =	vadd.f32 v21, v2  }
0xe7: {  	v21 =	vld.idx.msk [tilespmem:v19+s0+$0x0], $0xffff  }
0xe8: {  	v2 =	vadd.f32 v4, v2;
	_ =	sdelay $0x1  }
0xe9: {  	v2 =	vadd.f32 v20, v2;
	_ =	sdelay $0x1  }
0xea: {  	v2 =	vadd.f32 v21, v2  }
0xeb: {  	vm1 =	veq.s32 v38, $0xFFFFFFFF  }
0xec: {  	v2 =	vsel vm1, $0xC61C4000, v2  }
0xed: {  	(xrf0) =	vmax.scan.msk.f32 $0xffff, v2;
	_ =	sdelay $0x5  }
0xee: {  	v4, _, _ =	vpop (xrf0)  }
0xef: {  	v4 =	vbroadcast v4, $0xF;
	_ =	sdelay $0x1  }
0xf0: {  	v2 =	vsub.f32 v2, v4;
	_ =	sdelay $0x1  }
0xf1: {  	v2 =	vmul.f32 $1.442695020e+00, v2;
	_ =	sdelay $0x1  }
0xf2: {  	(erf) = vpow2.f32 v2;
	_ =	sdelay $0x8  }
0xf3: {  	v2 =	vpop (erf)  }
0xf4: {  	(xrf2) =	vadd.scan.msk.f32 $0xffff, v2;
	_ =	sdelay $0x9  }
0xf5: {  	v4, _, _ =	vpop (xrf2)  }
0xf6: {  	v4 =	vbroadcast v4, $0xF;
	_ =	sdelay $0x1  }
0xf7: {  	(erf) = vrcp.f32 v4;
	_ =	sdelay $0x8  }
0xf8: {  	v4 =	vpop (erf)  }
0xf9: {  	v2 =	vmul.f32 v4, v2;
	_ =	sdelay $0x1  }
0xfa: {  	v2 =	vsel vm1, $0x0, v2  }
0xfb: {  	[tilespmem:$0x10B00] =	vst v2  }
0xfc: {  	[tilespmem:$0x10B10] =	vst v2;
	v2 =	vimm.s32 $0x11;
	_ =	sdelay $0x4  }
0xfd: {  	v37 =	vld.idx.msk [tilespmem:v2+s5+$0x0], $0xffff;
	v2 =	vimm.s32 $0x12;
	_ =	sdelay $0x4  }
0xfe: {  	v38 =	vld.idx.msk [tilespmem:v2+s5+$0x0], $0xffff;
	v2 =	vimm.s32 $0x13;
	_ =	sdelay $0x4  }
0xff: {  	v39 =	vld.idx.msk [tilespmem:v2+s5+$0x0], $0xffff;
	v2 =	vimm.s32 $0x14;
	_ =	sdelay $0x4  }
0x100: {  	v40 =	vld.idx.msk [tilespmem:v2+s5+$0x0], $0xffff;
	v2 =	vimm.s32 $0x15;
	_ =	sdelay $0x4  }
0x101: {  	v42 =	vld.idx.msk [tilespmem:v2+s5+$0x0], $0xffff;
	v2 =	vimm.s32 $0x16;
	_ =	sdelay $0x4  }
0x102: {  	v45 =	vld.idx.msk [tilespmem:v2+s5+$0x0], $0xffff;
	v2 =	vimm.s32 $0x17;
	_ =	sdelay $0x4  }
0x103: {  	v47 =	vld.idx.msk [tilespmem:v2+s5+$0x0], $0xffff;
	v2 =	vimm.s32 $0x18;
	_ =	sdelay $0x4  }
0x104: {  	v48 =	vld.idx.msk [tilespmem:v2+s5+$0x0], $0xffff;
	v2 =	vimm.s32 $0x19;
	_ =	sdelay $0x4  }
0x105: {  	v50 =	vld.idx.msk [tilespmem:v2+s5+$0x0], $0xffff;
	v2 =	vimm.s32 $0x1A;
	_ =	sdelay $0x4  }
0x106: {  	v51 =	vld.idx.msk [tilespmem:v2+s5+$0x0], $0xffff;
	v2 =	vimm.s32 $0x1B;
	_ =	sdelay $0x4  }
0x107: {  	v49 =	vld.idx.msk [tilespmem:v2+s5+$0x0], $0xffff;
	v2 =	vimm.s32 $0x1C;
	_ =	sdelay $0x4  }
0x108: {  	v46 =	vld.idx.msk [tilespmem:v2+s5+$0x0], $0xffff;
	v2 =	vimm.s32 $0x1D;
	_ =	sdelay $0x4  }
0x109: {  	v43 =	vld.idx.msk [tilespmem:v2+s5+$0x0], $0xffff;
	v2 =	vimm.s32 $0x1E;
	_ =	sdelay $0x3  }
0x10a: {  	s21 =	sshll.u32 s16, $0xC;
	s13 =	sshll.u32 s16, $0x8  }
0x10b: {  	s3 =	sand.u32 $0x4000, s21;
	s13 =	sand.u32 $0x300, s13;
	s21 =	simm.s32 $0x0;
	v41 =	vld.idx.msk [tilespmem:v2+s5+$0x0], $0xffff;
	v2 =	vimm.s32 $0x1F  }
0x10c: {  	s15 =	sor.u32 $0x10B80, s3;
	s19 =	sand.u32 $0x60, s21;
	s18 =	sand.u32 $0x3C00, s21  }
0x10d: {  	s3 =	sadd.s32 s13, s15;
	s22 =	sor.u32 $0x200, s18;
	s20 =	sor.u32 $0x10, s19  }
0x10e: {  	[dreg:$0x5] =	wrdreg s3;
	s23 =	sor.u32 s20, s22;
	v36 =	vld.idx.msk [tilespmem:v35+s5+$0x0], $0xffff  }
0x10f: {  	v4 =	vld [tilespmem:s23+$0x80]  }
0x110: {  	v44 =	vld.idx.msk [tilespmem:v2+s5+$0x0], $0xffff  }
0x111: {  	s13 =	sor.u32 s19, s22;
	v2 =	vld [tilespmem:s23+$0x0]  }
0x112: {  	v20 =	vld [tilespmem:s13+$0x0]  }
0x113: {  	v21 =	vld [tilespmem:s23+$0x100]  }
0x114: {  	v22 =	vld [tilespmem:s13+$0x80]  }
0x115: {  	v23 =	vld [tilespmem:s23+$0x180]  }
0x116: {  	s22 =	sand.u32 $0x3, s21;
	v24 =	vld [tilespmem:s13+$0x100];
	v4 =	vmul.f32 v4, v37;
	v2 =	vmul.f32 v2, v36  }
0x117: {  	s22 =	sshll.u32 s22, $0x5;
	v25 =	vld [tilespmem:s23+$0x200]  }
0x118: {  	s22 =	sadd.s32 $0x0, s22;
	v26 =	vld [tilespmem:s13+$0x180];
	v2 =	vadd.f32 v4, v2;
	v4 =	vmul.f32 v21, v38  }
0x119: {  	s24 =	sadd.s32 $0x10, s22;
	v20 =	vmul.f32 v20, v36;
	v21 =	vmul.f32 v22, v37;
	v22 =	vld [tilespmem:s23+$0x280]  }
0x11a: {  	v23 =	vmul.f32 v23, v39;
	s23 =	sor.u32 $0x300, s24;
	v2 =	vadd.f32 v4, v2;
	v4 =	vld [tilespmem:s13+$0x200]  }
0x11b: {  	v20 =	vadd.f32 v21, v20;
	v21 =	vmul.f32 v24, v38;
	v24 =	vld [tilespmem:s23+$0x200]  }
0x11c: {  	s3 =	sor.u32 $0x380, s24;
	v25 =	vmul.f32 v25, v40;
	v2 =	vadd.f32 v23, v2;
	v23 =	vld [tilespmem:s13+$0x280]  }
0x11d: {  	s26 =	sor.u32 $0x4200, s18;
	s25 =	sor.u32 $0x300, s22;
	v20 =	vadd.f32 v21, v20;
	v21 =	vmul.f32 v26, v39;
	v26 =	vld [tilespmem:s3+$0x200]  }
0x11e: {  	s29 =	sor.u32 s20, s26;
	v22 =	vmul.f32 v22, v42;
	v2 =	vadd.f32 v25, v2;
	v25 =	vld [tilespmem:s25+$0x200]  }
0x11f: {  	s31 =	sor.u32 $0x4280, s18;
	s30 =	sor.u32 $0x380, s22;
	v20 =	vadd.f32 v21, v20;
	v21 =	vld [tilespmem:s29+$0x0];
	v4 =	vmul.f32 v4, v40  }
0x120: {  	s24 =	sor.u32 s20, s31;
	v24 =	vmul.f32 v24, v45;
	v2 =	vadd.f32 v22, v2;
	v22 =	vld [tilespmem:s30+$0x200]  }
0x121: {  	s25 =	sor.u32 s19, s26;
	s26 =	sor.u32 $0x4300, s18;
	v4 =	vadd.f32 v4, v20;
	v20 =	vmul.f32 v23, v42;
	v23 =	vld [tilespmem:s24+$0x0]  }
0x122: {  	s29 =	sor.u32 s20, s26;
	s30 =	sor.u32 s19, s31;
	s31 =	sor.u32 $0x4380, s18;
	v26 =	vmul.f32 v26, v47;
	v2 =	vadd.f32 v24, v2;
	v24 =	vld [tilespmem:s25+$0x0]  }
0x123: {  	s24 =	sor.u32 s20, s31;
	v4 =	vadd.f32 v20, v4;
	v20 =	vmul.f32 v25, v45;
	v25 =	vld [tilespmem:s29+$0x0]  }
0x124: {  	v27 =	vld [tilespmem:s24+$0x0];
	v21 =	vmul.f32 v21, v48;
	v2 =	vadd.f32 v26, v2  }
0x125: {  	s25 =	sor.u32 s19, s26;
	s26 =	sadd.s32 $0x4400, s18;
	v26 =	vld [tilespmem:s30+$0x0];
	v4 =	vadd.f32 v20, v4;
	v20 =	vmul.f32 v22, v47  }
0x126: {  	v62 =	vld [tilespmem:s25+$0x0];
	s29 =	sor.u32 s20, s26;
	v2 =	vadd.f32 v21, v2;
	v21 =	vmul.f32 v23, v50  }
0x127: {  	s30 =	sor.u32 s19, s31;
	s31 =	sadd.s32 $0x4480, s18;
	v63 =	vld [tilespmem:s29+$0x0];
	v4 =	vadd.f32 v20, v4  }
0x128: {  	s25 =	sor.u32 s20, s31;
	v22 =	vmul.f32 v24, v48;
	v20 =	vld [tilespmem:s30+$0x0];
	v2 =	vadd.f32 v21, v2;
	v23 =	vmul.f32 v25, v51  }
0x129: {  	s26 =	sor.u32 s19, s26;
	s29 =	sadd.s32 $0x4500, s18;
	v21 =	vld [tilespmem:s25+$0x0];
	v25 =	vmul.f32 v27, v49  }
0x12a: {  	s22 =	simm.s32 $0x0;
	s30 =	sor.u32 s20, s29;
	v4 =	vadd.f32 v22, v4;
	v24 =	vmul.f32 v26, v50;
	v22 =	vld [tilespmem:s26+$0x0];
	v2 =	vadd.f32 v23, v2  }
0x12b: {  	s23 =	simm.s32 $0x100;
	s31 =	sor.u32 s19, s31;
	v53 =	vmul.f32 v62, v51;
	s26 =	sadd.s32 $0x4580, s18;
	v23 =	vld [tilespmem:s30+$0x0]  }
0x12c: {  	s24 =	simm.s32 $0x20;
	s25 =	sor.u32 s19, s29;
	v26 =	vmul.f32 v63, v46;
	s28 =	sor.u32 s20, s26;
	v52 =	vadd.f32 v24, v4;
	v24 =	vld [tilespmem:s31+$0x0];
	v25 =	vadd.f32 v25, v2  }
.LBB2_7:
0x12d: {  	_ = 	snop  }
0x12e: {  	s3 =	sand.u32 $0x60, s24;
	s13 =	sand.u32 $0x3C00, s23;
	v2 =	vadd.f32 v53, v52;
	v4 =	vmul.f32 v20, v49;
	v20 =	vld [tilespmem:s28+$0x0]  }
0x12f: {  	s26 =	sor.u32 s19, s26;
	v27 =	vld [tilespmem:s25+$0x0];
	s29 =	sor.u32 $0x10, s3;
	v25 =	vadd.f32 v26, v25;
	s28 =	sor.u32 $0x200, s13;
	v21 =	vmul.f32 v21, v43  }
0x130: {  	s25 =	sor.u32 s3, s28;
	s28 =	sor.u32 s29, s28;
	v2 =	vadd.f32 v4, v2;
	v4 =	vmul.f32 v22, v46;
	v22 =	vld [tilespmem:s26+$0x0]  }
0x131: {  	v23 =	vmul.f32 v23, v41;
	v26 =	vld [tilespmem:s28+$0x0];
	v21 =	vadd.f32 v21, v25  }
0x132: {  	v25 =	vld [tilespmem:s28+$0x80];
	v2 =	vadd.f32 v4, v2;
	v4 =	vmul.f32 v24, v43  }
0x133: {  	v24 =	vld [tilespmem:s25+$0x0];
	v21 =	vadd.f32 v23, v21;
	v20 =	vmul.f32 v20, v44  }
0x134: {  	s31 =	rddreg [dreg:$0x5];
	v23 =	vld [tilespmem:s28+$0x100];
	v2 =	vadd.f32 v4, v2;
	v4 =	vmul.f32 v27, v41  }
0x135: {  	s26 =	sadd.s32 s18, s31;
	v27 =	vld [tilespmem:s25+$0x80];
	v20 =	vadd.f32 v20, v21  }
0x136: {  	s21 =	sadd.s32 $0x1, s21;
	s30 =	sadd.s32 s20, s26;
	v22 =	vmul.f32 v22, v44;
	v21 =	vld [tilespmem:s28+$0x180];
	v2 =	vadd.f32 v4, v2  }
0x137: {  	s31 =	sand.u32 $0x3, s21;
	v26 =	vmul.f32 v26, v36;
	v4 =	vld [tilespmem:s25+$0x100];
	v25 =	vmul.f32 v25, v37;
	[tilespmem:s30+$0x0] =	vst v20  }
0x138: {  	s18 =	smov.u32 s13;
	s13 =	sadd.s32 s19, s26;
	s30 =	sshll.u32 s31, $0x5;
	v20 =	vmul.f32 v24, v36;
	v24 =	vld [tilespmem:s28+$0x200];
	v2 =	vadd.f32 v22, v2  }
0x139: {  	s19 =	smov.u32 s3;
	s20 =	smov.u32 s29;
	s3 =	sadd.s32 s30, s23;
	v22 =	vld [tilespmem:s25+$0x180];
	v25 =	vadd.f32 v25, v26;
	v23 =	vmul.f32 v23, v38  }
0x13a: {  	v26 =	vmul.f32 v27, v37;
	s26 =	sor.u32 $0x300, s3;
	s29 =	sor.u32 $0x380, s3;
	v27 =	vld [tilespmem:s28+$0x280];
	s3 =	sadd.s32 $0x10, s3;
	[tilespmem:s13+$0x0] =	vst v2  }
0x13b: {  	v23 =	vadd.f32 v23, v25;
	v21 =	vmul.f32 v21, v39;
	s31 =	sor.u32 $0x300, s3;
	v2 =	vld [tilespmem:s25+$0x200]  }
0x13c: {  	v20 =	vadd.f32 v26, v20;
	v4 =	vmul.f32 v4, v38;
	v25 =	vld [tilespmem:s31+$0x200]  }
0x13d: {  	s3 =	sor.u32 $0x380, s3;
	v26 =	vld [tilespmem:s25+$0x280];
	v21 =	vadd.f32 v21, v23;
	v23 =	vmul.f32 v24, v40  }
0x13e: {  	s30 =	sor.u32 $0x4200, s18;
	v4 =	vadd.f32 v4, v20;
	v20 =	vmul.f32 v22, v39;
	v22 =	vld [tilespmem:s3+$0x200]  }
0x13f: {  	s13 =	sor.u32 s20, s30;
	v24 =	vld [tilespmem:s26+$0x200];
	v21 =	vadd.f32 v23, v21;
	v23 =	vmul.f32 v27, v42  }
0x140: {  	s26 =	sor.u32 $0x4280, s18;
	v4 =	vadd.f32 v20, v4;
	v20 =	vld [tilespmem:s13+$0x0];
	v2 =	vmul.f32 v2, v40  }
0x141: {  	s25 =	sor.u32 s20, s26;
	v27 =	vld [tilespmem:s29+$0x200];
	v21 =	vadd.f32 v23, v21;
	v23 =	vmul.f32 v25, v45  }
0x142: {  	s31 =	sor.u32 s19, s30;
	s29 =	sor.u32 $0x4300, s18;
	v25 =	vld [tilespmem:s25+$0x0];
	v2 =	vadd.f32 v2, v4;
	v4 =	vmul.f32 v26, v42  }
0x143: {  	s30 =	sor.u32 s20, s29;
	v26 =	vld [tilespmem:s31+$0x0];
	v22 =	vmul.f32 v22, v47;
	v21 =	vadd.f32 v23, v21  }
0x144: {  	s13 =	sor.u32 s19, s26;
	s31 =	sor.u32 $0x4380, s18;
	v23 =	vld [tilespmem:s30+$0x0];
	v2 =	vadd.f32 v4, v2;
	v4 =	vmul.f32 v24, v45  }
0x145: {  	s26 =	sor.u32 s20, s31;
	v24 =	vld [tilespmem:s13+$0x0];
	v20 =	vmul.f32 v20, v48;
	v21 =	vadd.f32 v22, v21  }
0x146: {  	s3 =	sor.u32 s19, s29;
	s29 =	sadd.s32 $0x4400, s18;
	v2 =	vadd.f32 v4, v2;
	v4 =	vmul.f32 v27, v47;
	v27 =	vld [tilespmem:s26+$0x0]  }
0x147: {  	s22 =	sadd.s32 $0x2, s22;
	v28 =	vld [tilespmem:s3+$0x0];
	s30 =	sor.u32 s20, s29;
	v22 =	vmul.f32 v25, v50;
	v21 =	vadd.f32 v20, v21  }
0x148: {  	p0 =	slt.u32 s22, $0x7E;
	s13 =	sor.u32 s19, s31;
	s31 =	sadd.s32 $0x4480, s18;
	v2 =	vadd.f32 v4, v2;
	v4 =	vmul.f32 v26, v48;
	v26 =	vld [tilespmem:s30+$0x0]  }
.Ltmp2:
0x149: {  	s3 =	sor.u32 s19, s29;
	s29 =	sor.u32 s20, s31;
	v20 =	vld [tilespmem:s13+$0x0];
	v23 =	vmul.f32 v23, v51;
	v25 =	vadd.f32 v22, v21;
	(pc) =	sbr.rel @p0 .LBB2_7-.Ltmp2, $4  }
0x14a: {  	v21 =	vld [tilespmem:s29+$0x0];
	v2 =	vadd.f32 v4, v2  }
0x14b: {  	s13 =	sor.u32 s19, s31;
	s30 =	sadd.s32 $0x4500, s18;
	v22 =	vld [tilespmem:s3+$0x0];
	v4 =	vmul.f32 v24, v50;
	v25 =	vadd.f32 v23, v25;
	v27 =	vmul.f32 v27, v49  }
0x14c: {  	s24 =	sadd.s32 $0x20, s24;
	v53 =	vmul.f32 v28, v51;
	s26 =	sadd.s32 $0x4580, s18;
	s31 =	sor.u32 s20, s30;
	v24 =	vld [tilespmem:s13+$0x0]  }
0x14d: {  	s23 =	sadd.s32 $0x100, s23;
	s28 =	sor.u32 s20, s26;
	s25 =	sor.u32 s19, s30;
	v23 =	vld [tilespmem:s31+$0x0];
	v52 =	vadd.f32 v4, v2;
	v25 =	vadd.f32 v27, v25;
	v26 =	vmul.f32 v26, v46  }
0x14e: {  	_ = 	snop  }
0x14f: {  	v4 =	vmul.f32 v20, v49;
	v2 =	vadd.f32 v53, v52  }
0x150: {  	v20 =	vld [tilespmem:s25+$0x0]  }
0x151: {  	s3 =	sor.u32 s19, s26;
	v27 =	vld [tilespmem:s28+$0x0];
	v2 =	vadd.f32 v4, v2;
	v4 =	vmul.f32 v22, v46  }
0x152: {  	v21 =	vmul.f32 v21, v43;
	v22 =	vadd.f32 v26, v25;
	v25 =	vld [tilespmem:s3+$0x0]  }
0x153: {  	v2 =	vadd.f32 v4, v2;
	v4 =	vmul.f32 v24, v43  }
0x154: {  	v21 =	vadd.f32 v21, v22;
	v22 =	vmul.f32 v23, v41  }
0x155: {  	v2 =	vadd.f32 v4, v2;
	v4 =	vmul.f32 v20, v41  }
0x156: {  	v20 =	vadd.f32 v22, v21;
	v21 =	vmul.f32 v27, v44  }
0x157: {  	s28 =	rddreg [dreg:$0x5];
	v22 =	vmul.f32 v25, v44;
	v2 =	vadd.f32 v4, v2  }
0x158: {  	s3 =	sadd.s32 s18, s28;
	v4 =	vadd.f32 v21, v20  }
0x159: {  	s13 =	sadd.s32 s20, s3;
	v2 =	vadd.f32 v22, v2  }
0x15a: {  	p0 =	seq.s32 s16, $0x7;
	s3 =	sadd.s32 s19, s3;
	[tilespmem:s13+$0x0] =	vst v4  }
0x15b: {  	[tilespmem:s3+$0x0] =	vst v2;
	s3 =	sshrl.u32 @!p0 s17, $0x2  }
0x15c: {  	v2 =	vld @!p0 [tilespmem:s3+$0x120];
	_ =	sdelay $0x4  }
0x15d: {  	v4 =	vshll.u32 @!p0 v2, $0x4  }
0x15e: {  	v20 =	vlaneseq.u32 @!p0;
	v2 =	vand.u32 @!p0 $0x7, v2;
	v4 =	vand.u32 @!p0 $0xFFFFFF80, v4  }
0x15f: {  	v21 =	vshrl.u32 @!p0 v20, $0x3;
	v2 =	vor.u32 @!p0 v2, v4;
	v4 =	vand.u32 @!p0 $0x7, v20  }
0x160: {  	v21 =	vmul.u32 @!p0 $0x8, v21;
	v4 =	vperm.xlane @!p0 v2, v4;
	_ =	sdelay $0x1  }
0x161: {  	v4 =	vadd.s32 @!p0 v21, v4;
	_ =	sdelay $0x3  }
0x162: {  	vm1 =	vmmov @!p0 $0xffff;
	s13 =	simm.s32 @!p0 $0x200;
	s3 =	simm.s32 @!p0 $0x0  }
0x163: {  	[tilespmem:s13], [sflag:$0x1] =	stream.indirect_vreg.gather @!p0 [hbm4b:s1+s3], $0x80, v4, vm1, $0xb8;
	[tilespmem:$0x18B80] =	vst v63  }
0x164: {  	s13 =	simm.s32 @!p0 $0xA00  }
0x165: {  	[tilespmem:s13], [sflag:$0x1] =	stream.indirect_vreg.gather @!p0 [hbm4b:s6+s3], $0x80, v4, vm1, $0xb8;
	[tilespmem:$0x18B80] =	vst v63  }
0x166: {  	s13 =	simm.s32 @!p0 $0x1200  }
0x167: {  	[tilespmem:s13], [sflag:$0x1] =	stream.indirect_vreg.gather @!p0 [hbm4b:s7+s3], $0x80, v4, vm1, $0xb8;
	[tilespmem:$0x18B80] =	vst v63  }
0x168: {  	s13 =	simm.s32 @!p0 $0x1A00  }
0x169: {  	[tilespmem:s13], [sflag:$0x1] =	stream.indirect_vreg.gather @!p0 [hbm4b:s8+s3], $0x80, v4, vm1, $0xb8;
	[tilespmem:$0x18B80] =	vst v63  }
0x16a: {  	s13 =	simm.s32 @!p0 $0x2200  }
0x16b: {  	v20 =	vor.u32 @!p0 $0x8, v20;
	[tilespmem:s13], [sflag:$0x1] =	stream.indirect_vreg.gather @!p0 [hbm4b:s9+s3], $0x80, v4, vm1, $0xb8;
	[tilespmem:$0x18B80] =	vst v63  }
0x16c: {  	v2 =	vperm.xlane @!p0 v2, v20;
	s13 =	simm.s32 @!p0 $0x2A00  }
0x16d: {  	[tilespmem:s13], [sflag:$0x1] =	stream.indirect_vreg.gather @!p0 [hbm4b:s10+s3], $0x80, v4, vm1, $0xb8;
	[tilespmem:$0x18B80] =	vst v63  }
0x16e: {  	v2 =	vadd.s32 @!p0 v21, v2;
	s13 =	simm.s32 @!p0 $0x3200  }
0x16f: {  	[tilespmem:s13], [sflag:$0x1] =	stream.indirect_vreg.gather @!p0 [hbm4b:s11+s3], $0x80, v4, vm1, $0xb8;
	[tilespmem:$0x18B80] =	vst v63  }
0x170: {  	s13 =	simm.s32 @!p0 $0x3A00  }
0x171: {  	[tilespmem:s13], [sflag:$0x1] =	stream.indirect_vreg.gather @!p0 [hbm4b:s12+s3], $0x80, v4, vm1, $0xb8;
	[tilespmem:$0x18B80] =	vst v63  }
0x172: {  	s13 =	simm.s32 @!p0 $0x4200  }
0x173: {  	[tilespmem:s13], [sflag:$0x1] =	stream.indirect_vreg.gather @!p0 [hbm4b:s1+s3], $0x80, v2, vm1, $0xb8;
	[tilespmem:$0x18B80] =	vst v63  }
0x174: {  	s13 =	simm.s32 @!p0 $0x4A00  }
0x175: {  	[tilespmem:s13], [sflag:$0x1] =	stream.indirect_vreg.gather @!p0 [hbm4b:s6+s3], $0x80, v2, vm1, $0xb8;
	[tilespmem:$0x18B80] =	vst v63  }
0x176: {  	s13 =	simm.s32 @!p0 $0x5200  }
0x177: {  	[tilespmem:s13], [sflag:$0x1] =	stream.indirect_vreg.gather @!p0 [hbm4b:s7+s3], $0x80, v2, vm1, $0xb8;
	[tilespmem:$0x18B80] =	vst v63  }
0x178: {  	s13 =	simm.s32 @!p0 $0x5A00  }
0x179: {  	[tilespmem:s13], [sflag:$0x1] =	stream.indirect_vreg.gather @!p0 [hbm4b:s8+s3], $0x80, v2, vm1, $0xb8;
	[tilespmem:$0x18B80] =	vst v63  }
0x17a: {  	s13 =	simm.s32 @!p0 $0x6200  }
0x17b: {  	[tilespmem:s13], [sflag:$0x1] =	stream.indirect_vreg.gather @!p0 [hbm4b:s9+s3], $0x80, v2, vm1, $0xb8;
	[tilespmem:$0x18B80] =	vst v63  }
0x17c: {  	s13 =	simm.s32 @!p0 $0x6A00  }
0x17d: {  	[tilespmem:s13], [sflag:$0x1] =	stream.indirect_vreg.gather @!p0 [hbm4b:s10+s3], $0x80, v2, vm1, $0xb8;
	[tilespmem:$0x18B80] =	vst v63  }
0x17e: {  	s13 =	simm.s32 @!p0 $0x7200  }
0x17f: {  	[tilespmem:s13], [sflag:$0x1] =	stream.indirect_vreg.gather @!p0 [hbm4b:s11+s3], $0x80, v2, vm1, $0xb8;
	[tilespmem:$0x18B80] =	vst v63  }
0x180: {  	s29 =	simm.s32 $0x2;
	s13 =	simm.s32 @!p0 $0x7A00  }
0x181: {  	[tilespmem:s13], [sflag:$0x1] =	stream.indirect_vreg.gather @!p0 [hbm4b:s12+s3], $0x80, v2, vm1, $0xb8;
	[tilespmem:$0x18B80] =	vst v63  }
0x182: {  	s18 =	simm.s32 $0x10200;
	s17 =	simm.s32 $0x0;
	_ =	swait.ge [sflag:s29], $0x8000  }
0x183: {  	s20 =	sand.u32 $0x60, s17;
	s21 =	sand.u32 $0x3C00, s17;
	[sflag:s29] =	ssyncset.done $0x0  }
0x184: {  	s30 =	sand.u32 $0x780, s17;
	s19 =	sor.u32 $0x10, s20;
	[sflag:s29] =	ssyncadd.s32 $0xFFFF8000  }
0x185: {  	s13 =	sor.u32 $0x8200, s21;
	s3 =	sor.u32 s19, s30;
	v37 =	vld [tilespmem:s18+$0x0]  }
0x186: {  	s31 =	sor.u32 s19, s13;
	v36 =	vld [tilespmem:s3+$0x10200]  }
0x187: {  	v2 =	vld [tilespmem:s31+$0x0]  }
0x188: {  	v4 =	vld [tilespmem:s31+$0x80]  }
0x189: {  	v20 =	vld [tilespmem:s31+$0x100]  }
0x18a: {  	v21 =	vld [tilespmem:s31+$0x180]  }
0x18b: {  	s25 =	sor.u32 $0xC200, s21;
	v22 =	vld [tilespmem:s31+$0x200]  }
0x18c: {  	s26 =	sor.u32 $0xC280, s21;
	s22 =	sor.u32 s19, s25;
	v23 =	vld [tilespmem:s31+$0x280]  }
0x18d: {  	s28 =	sor.u32 $0xC300, s21;
	s23 =	sor.u32 s19, s26;
	v24 =	vld [tilespmem:s22+$0x0]  }
0x18e: {  	s24 =	sor.u32 $0xC380, s21;
	s29 =	sor.u32 s19, s28;
	v25 =	vld [tilespmem:s23+$0x0]  }
0x18f: {  	s30 =	sor.u32 s19, s24;
	v26 =	vld [tilespmem:s29+$0x0]  }
0x190: {  	s13 =	sor.u32 s20, s13;
	v27 =	vld [tilespmem:s30+$0x0]  }
0x191: {  	v30 =	vld [tilespmem:s13+$0x0]  }
0x192: {  	v31 =	vld [tilespmem:s13+$0x80]  }
0x193: {  	v32 =	vld [tilespmem:s13+$0x100]  }
0x194: {  	v33 =	vld [tilespmem:s13+$0x180]  }
0x195: {  	s23 =	sadd.s32 $0xC400, s21;
	s30 =	sand.u32 $0x3, s17;
	v34 =	vld [tilespmem:s13+$0x200];
	v2 =	vmul.f32 v2, v36;
	v4 =	vmul.f32 v4, v36  }
0x196: {  	s22 =	sadd.s32 $0xC480, s21;
	v38 =	vld [tilespmem:s13+$0x280];
	s31 =	sor.u32 s19, s23;
	s3 =	sshll.u32 s30, $0x5;
	v20 =	vmul.f32 v20, v36;
	v21 =	vmul.f32 v21, v36  }
0x197: {  	s29 =	sor.u32 s19, s22;
	v28 =	vld [tilespmem:s31+$0x0];
	s3 =	sadd.s32 $0x0, s3;
	v22 =	vmul.f32 v22, v36;
	v23 =	vmul.f32 v23, v36  }
0x198: {  	v29 =	vld [tilespmem:s29+$0x0];
	s29 =	sor.u32 $0x380, s3;
	v55 =	vmul.f32 v24, v36;
	v51 =	vmul.f32 v25, v36  }
0x199: {  	v39 =	vimm.f32 $0.0e+00;
	s31 =	sor.u32 s20, s25;
	v49 =	vld [tilespmem:s29+$0x8200];
	v53 =	vmul.f32 v26, v36;
	v50 =	vmul.f32 v27, v36  }
0x19a: {  	v47 =	vimm.f32 $0.0e+00;
	s25 =	sor.u32 s20, s26;
	v24 =	vld [tilespmem:s31+$0x0];
	v27 =	vmul.f32 v30, v37;
	v48 =	vmul.f32 v31, v37  }
0x19b: {  	v46 =	vimm.f32 $0.0e+00;
	s26 =	sor.u32 $0x300, s3;
	s3 =	sadd.s32 $0x10, s3;
	v25 =	vld [tilespmem:s25+$0x0];
	v54 =	vmul.f32 v32, v37;
	v56 =	vmul.f32 v33, v37  }
0x19c: {  	v44 =	vimm.f32 $0.0e+00;
	s30 =	sor.u32 $0x300, s3;
	v26 =	vld [tilespmem:s26+$0x8200];
	v58 =	vmul.f32 v34, v37;
	v59 =	vmul.f32 v38, v37  }
0x19d: {  	s3 =	sor.u32 $0x380, s3;
	v57 =	vld [tilespmem:s30+$0x8200];
	v41 =	vmul.f32 v28, v36;
	v40 =	vmul.f32 v29, v36;
	v27 =	vadd.f32 v27, v39  }
0x19e: {  	s31 =	sor.u32 s20, s28;
	v35 =	vld [tilespmem:s3+$0x8200];
	v28 =	vadd.f32 v48, v39;
	v31 =	vadd.f32 v56, v39;
	v48 =	vimm.f32 $0.0e+00  }
0x19f: {  	v52 =	vld [tilespmem:s31+$0x0];
	v42 =	vadd.f32 v2, v27;
	v61 =	vmul.f32 v24, v37;
	v24 =	vadd.f32 v54, v39  }
0x1a0: {  	v38 =	vld [tilespmem:s2+$0x0];
	s25 =	sor.u32 s20, s24;
	v43 =	vadd.f32 v4, v28;
	v4 =	vmul.f32 v49, v37;
	v49 =	vadd.f32 v21, v31  }
0x1a1: {  	s26 =	sor.u32 s20, s23;
	v27 =	vadd.f32 v58, v39;
	v62 =	vmul.f32 v25, v37;
	v45 =	vadd.f32 v20, v24;
	v20 =	vld [tilespmem:s25+$0x0]  }
0x1a2: {  	s29 =	sadd.s32 $0xC500, s21;
	s28 =	sor.u32 s20, s22;
	v63 =	vld [tilespmem:s26+$0x0];
	v2 =	vmul.f32 v26, v37;
	v54 =	vadd.f32 v59, v39;
	v25 =	vmul.f32 v57, v36  }
0x1a3: {  	s30 =	sor.u32 s20, s29;
	s23 =	sadd.s32 $0xC580, s21;
	v21 =	vld [tilespmem:s28+$0x0];
	v26 =	vmul.f32 v35, v36;
	v57 =	vimm.f32 $0.0e+00;
	v60 =	vadd.f32 v4, v39  }
0x1a4: {  	s2 =	simm.s32 $0x0;
	s31 =	sor.u32 s20, s23;
	v58 =	vadd.f32 v22, v27;
	v22 =	vld [tilespmem:s30+$0x0];
	v59 =	vadd.f32 v2, v39;
	v24 =	vmul.f32 v52, v37  }
0x1a5: {  	s24 =	sor.u32 s19, s29;
	s21 =	simm.s32 $0x20;
	s20 =	simm.s32 $0x100;
	v56 =	vadd.f32 v23, v54;
	v54 =	vimm.f32 $0.0e+00;
	v52 =	vimm.f32 $0.0e+00;
	v23 =	vld [tilespmem:s31+$0x0]  }
.LBB2_9:
0x1a6: {  	s22 =	sand.u32 $0x60, s21;
	v2 =	vmul.f32 v20, v37;
	v59 =	vadd.f32 v25, v59;
	v60 =	vadd.f32 v26, v60;
	v4 =	vld [tilespmem:s24+$0x0];
	s3 =	sor.u32 s19, s23;
	s18 =	sadd.s32 $0x20, s18  }
0x1a7: {  	s23 =	sand.u32 $0x3C00, s20;
	s13 =	sand.u32 $0x780, s21;
	v20 =	vadd.f32 v61, v39;
	v25 =	vadd.f32 v62, v57;
	s19 =	sor.u32 $0x10, s22;
	v26 =	vmul.f32 v63, v37;
	v27 =	vld [tilespmem:s3+$0x0]  }
0x1a8: {  	s3 =	sor.u32 $0x8200, s23;
	v24 =	vadd.f32 v24, v54;
	v28 =	vld [tilespmem:s18+$0x0];
	s13 =	sor.u32 s19, s13;
	v2 =	vadd.f32 v2, v52;
	v21 =	vmul.f32 v21, v37  }
0x1a9: {  	v39 =	vadd.f32 v55, v20;
	v57 =	vadd.f32 v51, v25;
	v29 =	vld [tilespmem:s13+$0x10200];
	s13 =	sor.u32 s19, s3;
	v22 =	vmul.f32 v22, v37  }
0x1aa: {  	v54 =	vadd.f32 v53, v24;
	v20 =	vld [tilespmem:s13+$0x0];
	v23 =	vmul.f32 v23, v37;
	v52 =	vadd.f32 v50, v2  }
0x1ab: {  	v24 =	vadd.f32 v26, v46;
	v21 =	vadd.f32 v21, v48;
	v2 =	vld [tilespmem:s13+$0x80];
	v4 =	vmul.f32 v4, v36  }
0x1ac: {  	v22 =	vadd.f32 v22, v47;
	v25 =	vld [tilespmem:s13+$0x100];
	v23 =	vadd.f32 v23, v44;
	v26 =	vmul.f32 v27, v36  }
0x1ad: {  	v46 =	vadd.f32 v41, v24;
	v48 =	vadd.f32 v40, v21;
	v27 =	vld [tilespmem:s13+$0x180];
	v37 =	vmov v28  }
0x1ae: {  	s29 =	sor.u32 $0xC200, s23;
	v47 =	vadd.f32 v4, v22;
	v21 =	vld [tilespmem:s13+$0x200];
	v44 =	vadd.f32 v26, v23;
	v36 =	vmov v29  }
0x1af: {  	s30 =	sor.u32 $0xC280, s23;
	v4 =	vld [tilespmem:s13+$0x280];
	s13 =	sor.u32 s19, s29  }
0x1b0: {  	s28 =	sor.u32 $0xC300, s23;
	v22 =	vld [tilespmem:s13+$0x0];
	s13 =	sor.u32 s19, s30  }
0x1b1: {  	s25 =	sor.u32 $0xC380, s23;
	v23 =	vld [tilespmem:s13+$0x0];
	s13 =	sor.u32 s19, s28  }
0x1b2: {  	s26 =	sadd.s32 $0xC400, s23;
	v24 =	vld [tilespmem:s13+$0x0];
	s13 =	sor.u32 s19, s25  }
0x1b3: {  	s24 =	sadd.s32 $0xC480, s23;
	v26 =	vld [tilespmem:s13+$0x0];
	s13 =	sor.u32 s19, s26  }
0x1b4: {  	v28 =	vld [tilespmem:s13+$0x0];
	s13 =	sor.u32 s19, s24  }
0x1b5: {  	s3 =	sor.u32 s22, s3;
	v29 =	vld [tilespmem:s13+$0x0]  }
0x1b6: {  	v30 =	vld [tilespmem:s3+$0x0]  }
0x1b7: {  	v31 =	vld [tilespmem:s3+$0x80]  }
0x1b8: {  	v33 =	vmul.f32 v20, v36;
	v2 =	vmul.f32 v2, v36;
	v32 =	vld [tilespmem:s3+$0x100]  }
0x1b9: {  	s17 =	sadd.s32 $0x1, s17;
	v25 =	vmul.f32 v25, v36;
	v27 =	vmul.f32 v27, v36;
	v20 =	vld [tilespmem:s3+$0x180]  }
0x1ba: {  	v35 =	vmul.f32 v21, v36;
	v4 =	vmul.f32 v4, v36;
	s13 =	sand.u32 $0x3, s17;
	v34 =	vld [tilespmem:s3+$0x200]  }
0x1bb: {  	v55 =	vmul.f32 v22, v36;
	s13 =	sshll.u32 s13, $0x5;
	v51 =	vmul.f32 v23, v36;
	v21 =	vld [tilespmem:s3+$0x280];
	s3 =	sor.u32 s22, s29  }
0x1bc: {  	s13 =	sadd.s32 s13, s20;
	v53 =	vmul.f32 v24, v36;
	v50 =	vmul.f32 v26, v36;
	v22 =	vld [tilespmem:s3+$0x0];
	s3 =	sor.u32 s22, s30  }
0x1bd: {  	v41 =	vmul.f32 v28, v36;
	v40 =	vmul.f32 v29, v36;
	s29 =	sor.u32 $0x300, s13;
	v23 =	vld [tilespmem:s3+$0x0]  }
0x1be: {  	v24 =	vmul.f32 v30, v37;
	v26 =	vmul.f32 v31, v37;
	s3 =	sor.u32 $0x380, s13;
	s13 =	sadd.s32 $0x10, s13;
	v28 =	vld [tilespmem:s29+$0x8200]  }
0x1bf: {  	v29 =	vmul.f32 v32, v37;
	v20 =	vmul.f32 v20, v37;
	v30 =	vld [tilespmem:s3+$0x8200];
	s3 =	sor.u32 $0x300, s13  }
0x1c0: {  	v31 =	vmul.f32 v34, v37;
	v21 =	vmul.f32 v21, v37;
	v32 =	vld [tilespmem:s3+$0x8200];
	s3 =	sor.u32 $0x380, s13  }
0x1c1: {  	s2 =	sadd.s32 $0x2, s2;
	v24 =	vadd.f32 v24, v42;
	v26 =	vadd.f32 v26, v43;
	s13 =	sor.u32 s22, s28;
	v61 =	vmul.f32 v22, v37;
	v34 =	vld [tilespmem:s3+$0x8200]  }
0x1c2: {  	p0 =	slt.u32 s2, $0x7E;
	v22 =	vadd.f32 v29, v45;
	v29 =	vadd.f32 v20, v49;
	s3 =	sor.u32 s22, s25;
	v62 =	vmul.f32 v23, v37;
	v23 =	vld [tilespmem:s13+$0x0]  }
.Ltmp3:
0x1c3: {  	v42 =	vadd.f32 v33, v24;
	v43 =	vadd.f32 v2, v26;
	v28 =	vmul.f32 v28, v37;
	v20 =	vld [tilespmem:s3+$0x0];
	s3 =	sor.u32 s22, s26;
	(pc) =	sbr.rel @p0 .LBB2_9-.Ltmp3, $4  }
0x1c4: {  	s13 =	sadd.s32 $0xC500, s23;
	v45 =	vadd.f32 v25, v22;
	v49 =	vadd.f32 v27, v29;
	v2 =	vmul.f32 v30, v37;
	v63 =	vld [tilespmem:s3+$0x0];
	s3 =	sor.u32 s22, s24  }
0x1c5: {  	s23 =	sadd.s32 $0xC580, s23;
	v27 =	vadd.f32 v31, v58;
	v29 =	vadd.f32 v21, v56;
	v21 =	vld [tilespmem:s3+$0x0];
	s3 =	sor.u32 s22, s13;
	v25 =	vmul.f32 v32, v36  }
0x1c6: {  	v59 =	vadd.f32 v28, v59;
	v60 =	vadd.f32 v2, v60;
	v22 =	vld [tilespmem:s3+$0x0];
	s3 =	sor.u32 s22, s23;
	v26 =	vmul.f32 v34, v36  }
0x1c7: {  	s21 =	sadd.s32 $0x20, s21;
	s20 =	sadd.s32 $0x100, s20;
	s24 =	sor.u32 s19, s13;
	v58 =	vadd.f32 v35, v27;
	v56 =	vadd.f32 v4, v29;
	v24 =	vmul.f32 v23, v37;
	v23 =	vld [tilespmem:s3+$0x0]  }
0x1c8: {  	v2 =	vld [tilespmem:s24+$0x0];
	s2 =	sor.u32 s19, s23  }
0x1c9: {  	v4 =	vld [tilespmem:s2+$0x0];
	[tilespmem:$0x10A00] =	vst v42  }
0x1ca: {  	[tilespmem:$0x10A10] =	vst v43  }
0x1cb: {  	[tilespmem:$0x10A20] =	vst v45  }
0x1cc: {  	[tilespmem:$0x10A30] =	vst v49  }
0x1cd: {  	v25 =	vadd.f32 v25, v59;
	v27 =	vadd.f32 v61, v39;
	[tilespmem:$0x10A40] =	vst v58  }
0x1ce: {  	v26 =	vadd.f32 v26, v60;
	v28 =	vadd.f32 v62, v57;
	v20 =	vmul.f32 v20, v37;
	[tilespmem:$0x10A50] =	vst v56  }
0x1cf: {  	v24 =	vadd.f32 v24, v54;
	v29 =	vmul.f32 v63, v37;
	v27 =	vadd.f32 v55, v27;
	[tilespmem:$0x10A60] =	vst v25  }
0x1d0: {  	v20 =	vadd.f32 v20, v52;
	v21 =	vmul.f32 v21, v37;
	v25 =	vadd.f32 v51, v28;
	[tilespmem:$0x10A70] =	vst v26  }
0x1d1: {  	v22 =	vmul.f32 v22, v37;
	v24 =	vadd.f32 v53, v24;
	v26 =	vadd.f32 v29, v46;
	[tilespmem:$0x10A80] =	vst v27  }
0x1d2: {  	v23 =	vmul.f32 v23, v37;
	v20 =	vadd.f32 v50, v20;
	v21 =	vadd.f32 v21, v48;
	[tilespmem:$0x10A90] =	vst v25  }
0x1d3: {  	v2 =	vmul.f32 v2, v36;
	v22 =	vadd.f32 v22, v47;
	v25 =	vadd.f32 v41, v26;
	[tilespmem:$0x10AA0] =	vst v24  }
0x1d4: {  	v23 =	vadd.f32 v23, v44;
	v4 =	vmul.f32 v4, v36;
	v21 =	vadd.f32 v40, v21;
	[tilespmem:$0x10AB0] =	vst v20  }
0x1d5: {  	v2 =	vadd.f32 v2, v22;
	[tilespmem:$0x10AC0] =	vst v25  }
0x1d6: {  	v4 =	vadd.f32 v4, v23;
	[tilespmem:$0x10AD0] =	vst v21  }
0x1d7: {  	[tilespmem:$0x10AE0] =	vst v2  }
0x1d8: {  	[tilespmem:$0x10AF0] =	vst v4  }
0x1d9: {  	v2 =	vld.idx.msk [tilespmem:v0+s0+$0x0], $0xffff;
	_ =	sdelay $0x1  }
0x1da: {  	v4 =	vld.idx.msk [tilespmem:v5+s0+$0x0], $0xffff;
	_ =	sdelay $0x1  }
0x1db: {  	v20 =	vld.idx.msk [tilespmem:v6+s0+$0x0], $0xffff  }
0x1dc: {  	v2 =	vadd.f32 $0.0e+00, v2  }
0x1dd: {  	v21 =	vld.idx.msk [tilespmem:v7+s0+$0x0], $0xffff  }
0x1de: {  	v2 =	vadd.f32 v4, v2  }
0x1df: {  	v4 =	vld.idx.msk [tilespmem:v8+s0+$0x0], $0xffff  }
0x1e0: {  	v2 =	vadd.f32 v20, v2  }
0x1e1: {  	v20 =	vld.idx.msk [tilespmem:v9+s0+$0x0], $0xffff  }
0x1e2: {  	v2 =	vadd.f32 v21, v2  }
0x1e3: {  	v21 =	vld.idx.msk [tilespmem:v10+s0+$0x0], $0xffff  }
0x1e4: {  	v2 =	vadd.f32 v4, v2  }
0x1e5: {  	v4 =	vld.idx.msk [tilespmem:v11+s0+$0x0], $0xffff  }
0x1e6: {  	v2 =	vadd.f32 v20, v2  }
0x1e7: {  	v20 =	vld.idx.msk [tilespmem:v12+s0+$0x0], $0xffff  }
0x1e8: {  	v2 =	vadd.f32 v21, v2  }
0x1e9: {  	v21 =	vld.idx.msk [tilespmem:v13+s0+$0x0], $0xffff  }
0x1ea: {  	v2 =	vadd.f32 v4, v2  }
0x1eb: {  	v4 =	vld.idx.msk [tilespmem:v14+s0+$0x0], $0xffff  }
0x1ec: {  	v2 =	vadd.f32 v20, v2  }
0x1ed: {  	v20 =	vld.idx.msk [tilespmem:v15+s0+$0x0], $0xffff  }
0x1ee: {  	v2 =	vadd.f32 v21, v2  }
0x1ef: {  	v21 =	vld.idx.msk [tilespmem:v16+s0+$0x0], $0xffff  }
0x1f0: {  	v2 =	vadd.f32 v4, v2  }
0x1f1: {  	v4 =	vld.idx.msk [tilespmem:v17+s0+$0x0], $0xffff  }
0x1f2: {  	v2 =	vadd.f32 v20, v2  }
0x1f3: {  	v20 =	vld.idx.msk [tilespmem:v18+s0+$0x0], $0xffff  }
0x1f4: {  	v2 =	vadd.f32 v21, v2  }
0x1f5: {  	v21 =	vld.idx.msk [tilespmem:v19+s0+$0x0], $0xffff  }
0x1f6: {  	v2 =	vadd.f32 v4, v2;
	_ =	sdelay $0x1  }
0x1f7: {  	v2 =	vadd.f32 v20, v2;
	_ =	sdelay $0x1  }
0x1f8: {  	v2 =	vadd.f32 v21, v2  }
0x1f9: {  	vm1 =	veq.s32 v38, $0xFFFFFFFF  }
0x1fa: {  	v2 =	vsel vm1, $0xC61C4000, v2  }
0x1fb: {  	(xrf0) =	vmax.scan.msk.f32 $0xffff, v2;
	_ =	sdelay $0x5  }
0x1fc: {  	v4, _, _ =	vpop (xrf0)  }
0x1fd: {  	v4 =	vbroadcast v4, $0xF;
	_ =	sdelay $0x1  }
0x1fe: {  	v2 =	vsub.f32 v2, v4;
	_ =	sdelay $0x1  }
0x1ff: {  	v2 =	vmul.f32 $1.442695020e+00, v2;
	_ =	sdelay $0x1  }
0x200: {  	(erf) = vpow2.f32 v2;
	_ =	sdelay $0x8  }
0x201: {  	v2 =	vpop (erf)  }
0x202: {  	(xrf2) =	vadd.scan.msk.f32 $0xffff, v2;
	_ =	sdelay $0x9  }
0x203: {  	v4, _, _ =	vpop (xrf2)  }
0x204: {  	v4 =	vbroadcast v4, $0xF;
	_ =	sdelay $0x1  }
0x205: {  	(erf) = vrcp.f32 v4;
	_ =	sdelay $0x8  }
0x206: {  	v4 =	vpop (erf)  }
0x207: {  	v2 =	vmul.f32 v4, v2;
	_ =	sdelay $0x1  }
0x208: {  	v2 =	vsel vm1, $0x0, v2  }
0x209: {  	[tilespmem:$0x10B00] =	vst v2  }
0x20a: {  	[tilespmem:$0x10B10] =	vst v2;
	v2 =	vimm.s32 $0x11;
	_ =	sdelay $0x4  }
0x20b: {  	v37 =	vld.idx.msk [tilespmem:v2+s5+$0x0], $0xffff;
	v2 =	vimm.s32 $0x12;
	_ =	sdelay $0x4  }
0x20c: {  	v39 =	vld.idx.msk [tilespmem:v2+s5+$0x0], $0xffff;
	v2 =	vimm.s32 $0x13;
	_ =	sdelay $0x4  }
0x20d: {  	v42 =	vld.idx.msk [tilespmem:v2+s5+$0x0], $0xffff;
	v2 =	vimm.s32 $0x14;
	_ =	sdelay $0x4  }
0x20e: {  	v43 =	vld.idx.msk [tilespmem:v2+s5+$0x0], $0xffff;
	v2 =	vimm.s32 $0x15;
	_ =	sdelay $0x4  }
0x20f: {  	v45 =	vld.idx.msk [tilespmem:v2+s5+$0x0], $0xffff;
	v2 =	vimm.s32 $0x16;
	_ =	sdelay $0x4  }
0x210: {  	v46 =	vld.idx.msk [tilespmem:v2+s5+$0x0], $0xffff;
	v2 =	vimm.s32 $0x17;
	_ =	sdelay $0x4  }
0x211: {  	v47 =	vld.idx.msk [tilespmem:v2+s5+$0x0], $0xffff;
	v2 =	vimm.s32 $0x18;
	_ =	sdelay $0x4  }
0x212: {  	v48 =	vld.idx.msk [tilespmem:v2+s5+$0x0], $0xffff;
	v2 =	vimm.s32 $0x19;
	_ =	sdelay $0x4  }
0x213: {  	v50 =	vld.idx.msk [tilespmem:v2+s5+$0x0], $0xffff;
	v2 =	vimm.s32 $0x1A;
	_ =	sdelay $0x4  }
0x214: {  	v51 =	vld.idx.msk [tilespmem:v2+s5+$0x0], $0xffff;
	v2 =	vimm.s32 $0x1B;
	_ =	sdelay $0x4  }
0x215: {  	v49 =	vld.idx.msk [tilespmem:v2+s5+$0x0], $0xffff;
	v2 =	vimm.s32 $0x1C;
	_ =	sdelay $0x4  }
0x216: {  	v44 =	vld.idx.msk [tilespmem:v2+s5+$0x0], $0xffff;
	v2 =	vimm.s32 $0x1D;
	_ =	sdelay $0x4  }
0x217: {  	v40 =	vld.idx.msk [tilespmem:v2+s5+$0x0], $0xffff;
	v2 =	vimm.s32 $0x1E;
	_ =	sdelay $0x2  }
0x218: {  	v35 =	vimm.s32 $0x10;
	_ =	sdelay $0x1  }
0x219: {  	s19 =	sshll.u32 s14, $0x7;
	s17 =	simm.s32 $0x0;
	v38 =	vld.idx.msk [tilespmem:v2+s5+$0x0], $0xffff;
	v2 =	vimm.s32 $0x1F  }
0x21a: {  	s3 =	sand.u32 $0x380, s19;
	s14 =	sand.u32 $0x60, s17;
	s2 =	sand.u32 $0x3C00, s17  }
0x21b: {  	s3 =	sadd.s32 s3, s15;
	s13 =	sor.u32 $0x8200, s2;
	s15 =	sor.u32 $0x10, s14  }
0x21c: {  	[dreg:$0x6] =	wrdreg s3;
	s20 =	sor.u32 s15, s13;
	v36 =	vld.idx.msk [tilespmem:v35+s5+$0x0], $0xffff  }
0x21d: {  	v4 =	vld [tilespmem:s20+$0x80]  }
0x21e: {  	v41 =	vld.idx.msk [tilespmem:v2+s5+$0x0], $0xffff  }
0x21f: {  	s13 =	sor.u32 s14, s13;
	v2 =	vld [tilespmem:s20+$0x0]  }
0x220: {  	v20 =	vld [tilespmem:s13+$0x0]  }
0x221: {  	v21 =	vld [tilespmem:s20+$0x100]  }
0x222: {  	v22 =	vld [tilespmem:s13+$0x80]  }
0x223: {  	v23 =	vld [tilespmem:s20+$0x180]  }
0x224: {  	s18 =	sand.u32 $0x3, s17;
	v24 =	vld [tilespmem:s13+$0x100];
	v4 =	vmul.f32 v4, v37;
	v2 =	vmul.f32 v2, v36  }
0x225: {  	s18 =	sshll.u32 s18, $0x5;
	v25 =	vld [tilespmem:s20+$0x200]  }
0x226: {  	s18 =	sadd.s32 $0x0, s18;
	v26 =	vld [tilespmem:s13+$0x180];
	v2 =	vadd.f32 v4, v2;
	v4 =	vmul.f32 v21, v39  }
0x227: {  	s21 =	sadd.s32 $0x10, s18;
	v20 =	vmul.f32 v20, v36;
	v21 =	vmul.f32 v22, v37;
	v22 =	vld [tilespmem:s20+$0x280]  }
0x228: {  	s22 =	sor.u32 $0x300, s21;
	v23 =	vmul.f32 v23, v42;
	v2 =	vadd.f32 v4, v2;
	v4 =	vld [tilespmem:s13+$0x200]  }
0x229: {  	v20 =	vadd.f32 v21, v20;
	v21 =	vmul.f32 v24, v39;
	v24 =	vld [tilespmem:s22+$0x8200]  }
0x22a: {  	s3 =	sor.u32 $0x380, s21;
	v25 =	vmul.f32 v25, v43;
	v2 =	vadd.f32 v23, v2;
	v23 =	vld [tilespmem:s13+$0x280]  }
0x22b: {  	s24 =	sor.u32 $0xC200, s2;
	s23 =	sor.u32 $0x300, s18;
	v20 =	vadd.f32 v21, v20;
	v21 =	vmul.f32 v26, v42;
	v26 =	vld [tilespmem:s3+$0x8200]  }
0x22c: {  	s25 =	sor.u32 s15, s24;
	v22 =	vmul.f32 v22, v45;
	v2 =	vadd.f32 v25, v2;
	v25 =	vld [tilespmem:s23+$0x8200]  }
0x22d: {  	s28 =	sor.u32 $0xC280, s2;
	s26 =	sor.u32 $0x380, s18;
	v20 =	vadd.f32 v21, v20;
	v21 =	vld [tilespmem:s25+$0x0];
	v4 =	vmul.f32 v4, v43  }
0x22e: {  	s29 =	sor.u32 s15, s28;
	v24 =	vmul.f32 v24, v46;
	v2 =	vadd.f32 v22, v2;
	v22 =	vld [tilespmem:s26+$0x8200]  }
0x22f: {  	s31 =	sor.u32 $0xC300, s2;
	s30 =	sor.u32 s14, s24;
	v4 =	vadd.f32 v4, v20;
	v20 =	vmul.f32 v23, v45;
	v23 =	vld [tilespmem:s29+$0x0]  }
0x230: {  	s20 =	sor.u32 $0xC380, s2;
	s13 =	sor.u32 s15, s31;
	v26 =	vmul.f32 v26, v47;
	v2 =	vadd.f32 v24, v2;
	v24 =	vld [tilespmem:s30+$0x0]  }
0x231: {  	s21 =	sor.u32 s15, s20;
	v4 =	vadd.f32 v20, v4;
	v20 =	vmul.f32 v25, v46;
	v25 =	vld [tilespmem:s13+$0x0]  }
0x232: {  	s18 =	sor.u32 s14, s28;
	v27 =	vld [tilespmem:s21+$0x0];
	v21 =	vmul.f32 v21, v48;
	v2 =	vadd.f32 v26, v2  }
0x233: {  	s22 =	sor.u32 s14, s31;
	s23 =	sadd.s32 $0xC400, s2;
	v26 =	vld [tilespmem:s18+$0x0];
	v4 =	vadd.f32 v20, v4;
	v20 =	vmul.f32 v22, v47  }
0x234: {  	v62 =	vld [tilespmem:s22+$0x0];
	s24 =	sor.u32 s15, s23;
	v2 =	vadd.f32 v21, v2;
	v21 =	vmul.f32 v23, v50  }
0x235: {  	s25 =	sor.u32 s14, s20;
	s20 =	sadd.s32 $0xC480, s2;
	v63 =	vld [tilespmem:s24+$0x0];
	v4 =	vadd.f32 v20, v4  }
0x236: {  	s26 =	sor.u32 s15, s20;
	v22 =	vmul.f32 v24, v48;
	v20 =	vld [tilespmem:s25+$0x0];
	v2 =	vadd.f32 v21, v2;
	v23 =	vmul.f32 v25, v51  }
0x237: {  	s28 =	sor.u32 s14, s23;
	s29 =	sadd.s32 $0xC500, s2;
	v21 =	vld [tilespmem:s26+$0x0];
	v25 =	vmul.f32 v27, v49  }
0x238: {  	s22 =	sadd.s32 $0xC580, s2;
	s30 =	sor.u32 s15, s29;
	v4 =	vadd.f32 v22, v4;
	v24 =	vmul.f32 v26, v50;
	v22 =	vld [tilespmem:s28+$0x0];
	v2 =	vadd.f32 v23, v2  }
0x239: {  	s19 =	simm.s32 $0x100;
	s31 =	sor.u32 s14, s20;
	s23 =	sor.u32 s15, s22;
	v53 =	vmul.f32 v62, v51;
	v23 =	vld [tilespmem:s30+$0x0]  }
0x23a: {  	s20 =	simm.s32 $0x20;
	s21 =	sor.u32 s14, s29;
	s18 =	simm.s32 $0x0;
	v26 =	vmul.f32 v63, v44;
	v52 =	vadd.f32 v24, v4;
	v24 =	vld [tilespmem:s31+$0x0];
	v25 =	vadd.f32 v25, v2  }
.LBB2_11:
0x23b: {  	s3 =	sand.u32 $0x60, s20;
	s13 =	sand.u32 $0x3C00, s19  }
0x23c: {  	v2 =	vadd.f32 v53, v52;
	s29 =	sor.u32 $0x8200, s13;
	s24 =	sor.u32 $0x10, s3;
	v4 =	vmul.f32 v20, v49;
	v20 =	vld [tilespmem:s23+$0x0]  }
0x23d: {  	v27 =	vld [tilespmem:s21+$0x0];
	v25 =	vadd.f32 v26, v25;
	s23 =	sor.u32 s24, s29;
	v21 =	vmul.f32 v21, v40  }
0x23e: {  	s22 =	sor.u32 s14, s22;
	v26 =	vld [tilespmem:s23+$0x0];
	v2 =	vadd.f32 v4, v2;
	v4 =	vmul.f32 v22, v44  }
0x23f: {  	v23 =	vmul.f32 v23, v38;
	v22 =	vld [tilespmem:s22+$0x0];
	v21 =	vadd.f32 v21, v25  }
0x240: {  	s21 =	sor.u32 s3, s29;
	v25 =	vld [tilespmem:s23+$0x80];
	v2 =	vadd.f32 v4, v2;
	v4 =	vmul.f32 v24, v40  }
0x241: {  	v24 =	vld [tilespmem:s21+$0x0];
	v21 =	vadd.f32 v23, v21;
	v20 =	vmul.f32 v20, v41  }
0x242: {  	s30 =	rddreg [dreg:$0x6];
	v23 =	vld [tilespmem:s23+$0x100];
	v2 =	vadd.f32 v4, v2;
	v4 =	vmul.f32 v27, v38  }
0x243: {  	s22 =	sadd.s32 s2, s30;
	v27 =	vld [tilespmem:s21+$0x80];
	v20 =	vadd.f32 v20, v21  }
0x244: {  	s17 =	sadd.s32 $0x1, s17;
	s25 =	sadd.s32 s15, s22;
	v22 =	vmul.f32 v22, v41;
	v21 =	vld [tilespmem:s23+$0x180];
	v2 =	vadd.f32 v4, v2  }
0x245: {  	s26 =	sand.u32 $0x3, s17;
	v26 =	vmul.f32 v26, v36;
	v4 =	vld [tilespmem:s21+$0x100];
	v25 =	vmul.f32 v25, v37;
	[tilespmem:s25+$0x0] =	vst v20  }
0x246: {  	s28 =	sshll.u32 s26, $0x5;
	v20 =	vmul.f32 v24, v36;
	v24 =	vld [tilespmem:s23+$0x200];
	v2 =	vadd.f32 v22, v2  }
0x247: {  	s31 =	sadd.s32 s14, s22;
	s14 =	smov.u32 s3;
	s3 =	sadd.s32 s28, s19;
	v22 =	vld [tilespmem:s21+$0x180];
	v25 =	vadd.f32 v25, v26;
	v23 =	vmul.f32 v23, v39  }
0x248: {  	s29 =	sor.u32 $0x300, s3;
	s30 =	sor.u32 $0x380, s3;
	s3 =	sadd.s32 $0x10, s3;
	v26 =	vmul.f32 v27, v37;
	v27 =	vld [tilespmem:s23+$0x280];
	[tilespmem:s31+$0x0] =	vst v2  }
0x249: {  	v23 =	vadd.f32 v23, v25;
	v21 =	vmul.f32 v21, v42;
	s31 =	sor.u32 $0x300, s3;
	v2 =	vld [tilespmem:s21+$0x200]  }
0x24a: {  	v20 =	vadd.f32 v26, v20;
	v4 =	vmul.f32 v4, v39;
	v25 =	vld [tilespmem:s31+$0x8200]  }
0x24b: {  	s2 =	smov.u32 s13;
	s3 =	sor.u32 $0x380, s3;
	v26 =	vld [tilespmem:s21+$0x280];
	v21 =	vadd.f32 v21, v23;
	v23 =	vmul.f32 v24, v43  }
0x24c: {  	s15 =	smov.u32 s24;
	s21 =	sor.u32 $0xC200, s2;
	v4 =	vadd.f32 v4, v20;
	v20 =	vmul.f32 v22, v42;
	v22 =	vld [tilespmem:s3+$0x8200]  }
0x24d: {  	s13 =	sor.u32 s15, s21;
	v24 =	vld [tilespmem:s29+$0x8200];
	v21 =	vadd.f32 v23, v21;
	v23 =	vmul.f32 v27, v45  }
0x24e: {  	s23 =	sor.u32 $0xC280, s2;
	v4 =	vadd.f32 v20, v4;
	v20 =	vld [tilespmem:s13+$0x0];
	v2 =	vmul.f32 v2, v43  }
0x24f: {  	s22 =	sor.u32 s14, s21;
	s21 =	sor.u32 s15, s23;
	v27 =	vld [tilespmem:s30+$0x8200];
	v21 =	vadd.f32 v23, v21;
	v23 =	vmul.f32 v25, v46  }
0x250: {  	s26 =	sor.u32 $0xC300, s2;
	v25 =	vld [tilespmem:s21+$0x0];
	v2 =	vadd.f32 v2, v4;
	v4 =	vmul.f32 v26, v45  }
0x251: {  	s29 =	sor.u32 s15, s26;
	v26 =	vld [tilespmem:s22+$0x0];
	v22 =	vmul.f32 v22, v47;
	v21 =	vadd.f32 v23, v21  }
0x252: {  	s25 =	sor.u32 s14, s23;
	s30 =	sor.u32 $0xC380, s2;
	v23 =	vld [tilespmem:s29+$0x0];
	v2 =	vadd.f32 v4, v2;
	v4 =	vmul.f32 v24, v46  }
0x253: {  	s22 =	sor.u32 s15, s30;
	v24 =	vld [tilespmem:s25+$0x0];
	v20 =	vmul.f32 v20, v48;
	v21 =	vadd.f32 v22, v21  }
0x254: {  	s28 =	sor.u32 s14, s26;
	s23 =	sadd.s32 $0xC400, s2;
	v2 =	vadd.f32 v4, v2;
	v4 =	vmul.f32 v27, v47;
	v27 =	vld [tilespmem:s22+$0x0]  }
0x255: {  	s18 =	sadd.s32 $0x2, s18;
	v28 =	vld [tilespmem:s28+$0x0];
	s25 =	sor.u32 s15, s23;
	v22 =	vmul.f32 v25, v50;
	v21 =	vadd.f32 v20, v21  }
0x256: {  	p0 =	slt.u32 s18, $0x7E;
	s26 =	sadd.s32 $0xC480, s2;
	s31 =	sor.u32 s14, s30;
	v2 =	vadd.f32 v4, v2;
	v4 =	vmul.f32 v26, v48;
	v26 =	vld [tilespmem:s25+$0x0]  }
.Ltmp4:
0x257: {  	s29 =	sor.u32 s15, s26;
	v20 =	vld [tilespmem:s31+$0x0];
	v23 =	vmul.f32 v23, v51;
	v25 =	vadd.f32 v22, v21;
	(pc) =	sbr.rel @p0 .LBB2_11-.Ltmp4, $4  }
0x258: {  	s24 =	sor.u32 s14, s23;
	v21 =	vld [tilespmem:s29+$0x0];
	v2 =	vadd.f32 v4, v2  }
0x259: {  	s28 =	sor.u32 s14, s26;
	s30 =	sadd.s32 $0xC500, s2;
	v22 =	vld [tilespmem:s24+$0x0];
	v4 =	vmul.f32 v24, v50;
	v25 =	vadd.f32 v23, v25;
	v27 =	vmul.f32 v27, v49  }
0x25a: {  	s20 =	sadd.s32 $0x20, s20;
	v53 =	vmul.f32 v28, v51;
	s22 =	sadd.s32 $0xC580, s2;
	s31 =	sor.u32 s15, s30;
	v24 =	vld [tilespmem:s28+$0x0]  }
0x25b: {  	s19 =	sadd.s32 $0x100, s19;
	s21 =	sor.u32 s14, s30;
	s23 =	sor.u32 s15, s22;
	v23 =	vld [tilespmem:s31+$0x0];
	v52 =	vadd.f32 v4, v2;
	v25 =	vadd.f32 v27, v25;
	v26 =	vmul.f32 v26, v44  }
0x25c: {  	_ = 	snop  }
0x25d: {  	v4 =	vmul.f32 v20, v49;
	v2 =	vadd.f32 v53, v52  }
0x25e: {  	v20 =	vld [tilespmem:s21+$0x0]  }
0x25f: {  	s3 =	sor.u32 s14, s22;
	v27 =	vld [tilespmem:s23+$0x0];
	v2 =	vadd.f32 v4, v2;
	v4 =	vmul.f32 v22, v44  }
0x260: {  	v59 =	vadd.f32 v26, v25;
	v21 =	vmul.f32 v21, v40;
	v60 =	vld [tilespmem:s3+$0x0]  }
0x261: {  	v2 =	vadd.f32 v4, v2;
	v4 =	vmul.f32 v24, v40  }
0x262: {  	v21 =	vadd.f32 v21, v59;
	v61 =	vmul.f32 v23, v38  }
0x263: {  	s16 =	sadd.s32 $0x1, s16;
	v2 =	vadd.f32 v4, v2;
	v4 =	vmul.f32 v20, v38  }
0x264: {  	p0 =	sne.s32 s16, $0x8;
	v62 =	vmul.f32 v27, v41;
	v20 =	vadd.f32 v61, v21  }
.Ltmp5:
0x265: {  	s31 =	rddreg [dreg:$0x6];
	v63 =	vmul.f32 v60, v41;
	v2 =	vadd.f32 v4, v2;
	(pc) =	sbr.rel @p0 .LBB2_4-.Ltmp5, $4  }
0x266: {  	s2 =	sadd.s32 s2, s31;
	v4 =	vadd.f32 v62, v20  }
0x267: {  	s3 =	sadd.s32 s15, s2;
	v2 =	vadd.f32 v63, v2  }
0x268: {  	s2 =	sadd.s32 s14, s2;
	[tilespmem:s3+$0x0] =	vst v4  }
0x269: {  	[tilespmem:s2+$0x0] =	vst v2  }
0x26a: {  	s13 =	simm.s32 $0x0  }
0x26b: {  	s2 =	rddreg [dreg:$0x8];
	s3 =	simm.s32 $0x10B80;
	s4 =	simm.s32 $0x3  }
0x26c: {  	[hbm4b:s2+s13] =	stream.linear.scatter [tilespmem:s3], [sflag:$0x3], $0x8000, $0x38;
	[tilespmem:$0x18B80] =	vst v63  }
0x26d: {  	_ =	swait.ge [sflag:s4], $0x8000  }
0x26e: {  	s30 =	rddreg [dreg:$0xa]  }
0x26f: {  	s31 =	rddreg [dreg:$0x9];
	s3 =	sadd.s32 $0x1, s30  }
0x270: {  	p0 =	sne.s32 s3, s31  }
.Ltmp6:
0x271: {  	_ = 	snop;
	(pc) =	sbr.rel @p0 .LBB2_1-.Ltmp6, $3  }
0x272: {  	_ =	sdelay $0x1  }
0x273: {  	[sflag:s4] =	ssyncset.done $0x0  }
0x274: {  	[sflag:s4] =	ssyncadd.s32 $0xFFFF8000  }
0x275: {  	_ =	sfence.sel $0x180000  }
0x276: {  	[bflag:$0x0] =	sbarrier.arrive $0xFFFF  }
0x277: {  	_ =	strace $0x90000047  }
0x278: {  	s0 =	stileid.u32;
	[bflag:$0x2] =	sbarrier.arrive $0xFFFF  }
0x279: {  	p0 =	sne.s32 s0, $0x0;
	s0 =	rddreg [dreg:$0x4]  }
0x27a: {  	s0 =	sadd.s32 @!p0 $0x100000, s0  }
0x27b: {  	[sflag:s0] =	ssyncadd.tile.s32 @!p0 $0x1;
	_ =	shalt  }
.Lfunc_end2:
_tile_overlayer_lowered:
.L_overlay_start_2:
0x27c: {  	(tag) =	ssettag $0x2  }
0x27d: {  	s0 =	rddreg [dreg:$0x0];
	s2 =	stileid.u32  }
0x27e: {  	s1 =	rddreg [dreg:$0x1];
	p0 =	sne.s32 s2, $0x0  }
0x27f: {  	s3 =	rddreg [dreg:$0x2];
	[bflag:$0x3] =	sbarrier.arrive $0xFFFF;
	s2 =	simm.s32 @!p0 $0x1C03  }
0x280: {  	[timem:s3], [sflag:s2] =	dma.local @!p0 [hbm:s0], s1  }
0x281: {  	s0 =	simm.s32 @!p0 $0x3  }
0x282: {  	_ =	swait.ge @!p0 [sflag:s0], s1  }
0x283: {  	s1 =	ssub.s32 @!p0 $0x0, s1;
	[sflag:s0] =	ssyncset.done @!p0 $0x0  }
0x284: {  	[sflag:s0] =	ssyncadd.s32 @!p0 s1  }
0x285: {  	[bflag:$0x3] =	sbarrier.arrive $0xFFFF  }
0x286: {  	_ =	shalt  }

</sc_bundles>
